<compile_context>
chip_gen: v7x
topology: tpu7x:2x2x1
jax: 0.10.2.dev20260603
libtpu: 0.0.44.dev20260713+nightly
codegen_flags: <defaults>
</compile_context>

<pallas_src>
import functools

import jax
import jax.numpy as jnp
from jax import lax
from jax.experimental import pallas as pl
from jax.experimental.pallas import tpu as pltpu
from jax.experimental.pallas import tpu_sc as plsc

N_PIECES = 16
N_FEATURES = 1024
BATCH = 8192
LOWER_X, UPPER_X = 0.0, 1.0
LOWER_Y, UPPER_Y = 0.0, 1.0

NW = 32
RB = 128
FBW = 128
NRB = BATCH // RB
NFB = N_FEATURES // FBW
CHUNKS_PER_W = NRB // (NW // NFB)

TAB_ROWS = 56


def _prep_body(xx_ref, xdx_ref, yx_ref, ydx_ref, tab_ref):
    def piece_rows(x0, dx_ref, lower, upper):
        cums = []
        acc = None
        for i in range(N_PIECES):
            v = dx_ref[i]
            sp = jnp.maximum(v, 0.0) + jnp.log(1.0 + jnp.exp(-jnp.abs(v)))
            acc = sp if acc is None else acc + sp
            cums.append(acc)
        xc = [x0 - lower] + [(x0 + d) - lower for d in cums]
        change = (upper - lower) / (xc[-1] - xc[0])
        return [c * change + lower for c in xc]

    xp = piece_rows(xx_ref[0], xdx_ref, LOWER_X, UPPER_X)
    yp = piece_rows(yx_ref[0], ydx_ref, LOWER_Y, UPPER_Y)
    for i in range(N_PIECES + 1):
        tab_ref[i, :] = xp[i]
    for i in range(N_PIECES):
        s = (yp[i + 1] - yp[i]) / (xp[i + 1] - xp[i])
        tab_ref[N_PIECES + 1 + i, :] = s
        tab_ref[2 * N_PIECES + 1 + i, :] = yp[i] - xp[i] * s
    for i in range(3 * N_PIECES + 1, TAB_ROWS):
        tab_ref[i, :] = jnp.zeros((N_FEATURES,), jnp.float32)


_prep = pl.pallas_call(
    _prep_body,
    out_shape=jax.ShapeDtypeStruct((TAB_ROWS, N_FEATURES), jnp.float32),
)


def _sc_body(x_hbm, tab_hbm, out_hbm, tab_v, in0, in1, ou0, ou1,
             si0, si1, so0, so1):
    cid = lax.axis_index("c")
    sid = lax.axis_index("s")
    wid = sid * 2 + cid
    fb = lax.rem(wid, NFB)
    wg = wid // NFB
    f0 = fb * FBW
    base = wg * CHUNKS_PER_W
    lane = lax.iota(jnp.int32, 16)
    pltpu.sync_copy(tab_hbm, tab_v)

    def compute(in_v, out_v):
        @plsc.parallel_loop(0, FBW // 16)
        def kgroup(g):
            c0l = g * 16
            c0t = f0 + c0l
            col = c0t + lane
            xp_lo = tab_v[pl.ds(c0t, 16)]
            xp_hi = tab_v[pl.ds(N_PIECES * N_FEATURES + c0t, 16)]
            xp_mid = tab_v[pl.ds(8 * N_FEATURES + c0t, 16)]
            xp_q1 = tab_v[pl.ds(4 * N_FEATURES + c0t, 16)]
            xp_q3 = tab_v[pl.ds(12 * N_FEATURES + c0t, 16)]

            @plsc.parallel_loop(0, RB, unroll=16)
            def row(r):
                xv = in_v[r, pl.ds(c0l, 16)]
                hi8 = xv >= xp_mid
                addr = jnp.where(hi8, col + 8 * N_FEATURES, col)
                xpq = jnp.where(hi8, xp_q3, xp_q1)
                paddr4 = addr + 4 * N_FEATURES
                addr = jnp.where(xv >= xpq, paddr4, addr)
                for step in (2, 1):
                    paddr = addr + step * N_FEATURES
                    xpv = plsc.load_gather(tab_v, [paddr])
                    addr = jnp.where(xv >= xpv, paddr, addr)
                sl = plsc.load_gather(tab_v, [addr + (N_PIECES + 1) * N_FEATURES])
                cc = plsc.load_gather(tab_v, [addr + (2 * N_PIECES + 1) * N_FEATURES])
                val = xv * sl + cc
                inb = (xv >= xp_lo) & (xv <= xp_hi)
                out_v[r, pl.ds(c0l, 16)] = jnp.where(inb, val, xv)

    def pair(p, _):
        c_even = base + 2 * p
        c_odd = c_even + 1
        pltpu.async_copy(x_hbm.at[c_odd, :, pl.ds(f0, FBW)], in1, si1)
        pltpu.make_async_copy(x_hbm.at[c_even, :, pl.ds(f0, FBW)], in0, si0).wait()

        @pl.when(p > 0)
        def _wait_o0():
            pltpu.make_async_copy(ou0, out_hbm.at[c_even, :, pl.ds(f0, FBW)], so0).wait()

        compute(in0, ou0)
        pltpu.async_copy(ou0, out_hbm.at[c_even, :, pl.ds(f0, FBW)], so0)
        nxt = base + lax.rem(2 * p + 2, CHUNKS_PER_W)
        pltpu.async_copy(x_hbm.at[nxt, :, pl.ds(f0, FBW)], in0, si0)
        pltpu.make_async_copy(x_hbm.at[c_odd, :, pl.ds(f0, FBW)], in1, si1).wait()

        @pl.when(p > 0)
        def _wait_o1():
            pltpu.make_async_copy(ou1, out_hbm.at[c_odd, :, pl.ds(f0, FBW)], so1).wait()

        compute(in1, ou1)
        pltpu.async_copy(ou1, out_hbm.at[c_odd, :, pl.ds(f0, FBW)], so1)
        return 0

    pltpu.async_copy(x_hbm.at[base, :, pl.ds(f0, FBW)], in0, si0)
    lax.fori_loop(0, CHUNKS_PER_W // 2, pair, 0)
    pltpu.make_async_copy(x_hbm.at[base, :, pl.ds(f0, FBW)], in0, si0).wait()
    pltpu.make_async_copy(ou0, out_hbm.at[base, :, pl.ds(f0, FBW)], so0).wait()
    pltpu.make_async_copy(ou1, out_hbm.at[base, :, pl.ds(f0, FBW)], so1).wait()


_sc_main = functools.partial(
    pl.kernel,
    mesh=plsc.VectorSubcoreMesh(core_axis_name="c", subcore_axis_name="s"),
    compiler_params=pltpu.CompilerParams(needs_layout_passes=False),
    out_type=jax.ShapeDtypeStruct((NRB, RB, N_FEATURES), jnp.float32),
    scratch_types=[
        pltpu.VMEM((TAB_ROWS * N_FEATURES,), jnp.float32),
        pltpu.VMEM((RB, FBW), jnp.float32),
        pltpu.VMEM((RB, FBW), jnp.float32),
        pltpu.VMEM((RB, FBW), jnp.float32),
        pltpu.VMEM((RB, FBW), jnp.float32),
        pltpu.SemaphoreType.DMA,
        pltpu.SemaphoreType.DMA,
        pltpu.SemaphoreType.DMA,
        pltpu.SemaphoreType.DMA,
    ],
)(_sc_body)


def kernel(x, xr_x, xr_dx, yr_x, yr_dx):
    xx = xr_x[0].reshape(1, N_FEATURES)
    yx = yr_x[0].reshape(1, N_FEATURES)
    xdxT = xr_dx[0].T
    ydxT = yr_dx[0].T
    tab = _prep(xx, xdxT, yx, ydxT)
    out = _sc_main(x.reshape(NRB, RB, N_FEATURES), tab.reshape(-1))
    return out.reshape(BATCH, N_FEATURES)

# --- scband reference (transcript-rebuilt; emitter-appended) ---
"""Pipeline reference for scband-piecewise-35905926595296 (READ-ONLY COPY).

The authoritative reference and input builder live on the scoring server;
editing this copy changes nothing except your own understanding.
"""

import jax, jax.numpy as jnp
import numpy as np

N_PIECES = 16
N_FEATURES = 1024
BATCH = 8192
LOWER_X, UPPER_X = 0.0, 1.0
LOWER_Y, UPPER_Y = 0.0, 1.0


def _piecerange_params(n_pieces, n_features, lower, upper):
    # Mirrors PieceRange.linspace + PieceRange.__init__ (inverse-softplus storage of dx)
    pieces = np.linspace(lower, upper, n_pieces + 1).astype(np.float64)
    pieces = np.tile(pieces[None, :], (n_features, 1))
    x = pieces[..., 0:1]
    dx = pieces[..., 1:] - pieces[..., :-1]
    dx = np.log(np.exp(dx) - 1.0)
    # n_features given -> add leading broadcast dim: x [1, F, 1], dx [1, F, P]
    return jnp.asarray(x[None], dtype=jnp.float32), jnp.asarray(dx[None], dtype=jnp.float32)


def _pieces(x, dx, lower, upper):
    # Mirrors PieceRange.pieces()
    d = jnp.cumsum(jax.nn.softplus(dx), axis=-1)
    xc = jnp.concatenate([x, d + x], axis=-1) - lower
    change = (upper - lower) / (xc[..., -1:] - xc[..., 0:1])
    return xc * change + lower


def setup_inputs(seed: int = 0) -> dict:
    key = jax.random.key(seed)
    x = jax.random.uniform(key, (BATCH, N_FEATURES), dtype=jnp.float32)
    xr_x, xr_dx = _piecerange_params(N_PIECES, N_FEATURES, LOWER_X, UPPER_X)
    yr_x, yr_dx = _piecerange_params(N_PIECES, N_FEATURES, LOWER_Y, UPPER_Y)
    return {"x": x, "xr_x": xr_x, "xr_dx": xr_dx, "yr_x": yr_x, "yr_dx": yr_dx}


def reference(x, xr_x, xr_dx, yr_x, yr_dx):
    # Mirrors Piecewise.forward
    xb = x[..., None]  # [B, F, 1]
    x_pieces = _pieces(xr_x, xr_dx, LOWER_X, UPPER_X)  # [1, F, P+1]
    y_pieces = _pieces(yr_x, yr_dx, LOWER_Y, UPPER_Y)  # [1, F, P+1]
    slope = (y_pieces[..., 1:] - y_pieces[..., :-1]) / (x_pieces[..., 1:] - x_pieces[..., :-1])
    roffset = UPPER_Y - UPPER_X
    loffset = LOWER_Y - LOWER_X
    loob = ((xb < x_pieces[..., 0:1]) * (xb + loffset)).squeeze(-1)
    roob = ((xb > x_pieces[..., -1:]) * (xb + roffset)).squeeze(-1)
    inseg = (xb >= x_pieces[..., :-1]) & (xb <= x_pieces[..., 1:])
    out = (((xb - x_pieces[..., :-1]) * slope + y_pieces[..., :-1]) * inseg).sum(axis=-1)
    return out + loob + roob

if __name__ == "__main__":
    import jax
    _d = setup_inputs()
    print(jax.jit(kernel)(*tuple(_d.values())))

</pallas_src>

<mosaic_0001>
#map = affine_map<(d0, d1) -> (0, 0, 0)>
#map1 = affine_map<(d0, d1) -> (0)>
module attributes {stable_mosaic.version = 14 : i64} {
  func.func @_sc_body(%arg0: i32, %arg1: i32, %arg2: memref<64x128x1024xf32, #tpu.memory_space<hbm>>, %arg3: memref<57344xf32, #tpu.memory_space<hbm>>, %arg4: memref<64x128x1024xf32, #tpu.memory_space<hbm>>, %arg5: memref<57344xf32, #tpu.memory_space<vmem>>, %arg6: memref<128x128xf32, #tpu.memory_space<vmem>>, %arg7: memref<128x128xf32, #tpu.memory_space<vmem>>, %arg8: memref<128x128xf32, #tpu.memory_space<vmem>>, %arg9: memref<128x128xf32, #tpu.memory_space<vmem>>, %arg10: memref<!tpu.dma_semaphore, #tpu.memory_space<semaphore_mem>>, %arg11: memref<!tpu.dma_semaphore, #tpu.memory_space<semaphore_mem>>, %arg12: memref<!tpu.dma_semaphore, #tpu.memory_space<semaphore_mem>>, %arg13: memref<!tpu.dma_semaphore, #tpu.memory_space<semaphore_mem>>) attributes {dimension_semantics = [#tpu.dimension_semantics<core_parallel>, #tpu.dimension_semantics<subcore_parallel>], iteration_bounds = array<i64: 2, 16>, scalar_prefetch = 0 : i64, scratch_operands = 9 : i64, tpu.core_type = #tpu.core_type<sc_vector_subcore>, window_params = [{transform_indices = #map}, {transform_indices = #map1}, {transform_indices = #map}]} {
    %mul3A = arith.constant 2 : i32
    %mul3A_0 = arith.muli %arg1, %mul3A : i32
    %add3A = arith.addi %mul3A_0, %arg0 : i32
    %rem3A = arith.constant 8 : i32
    %rem3A_1 = arith.remsi %add3A, %rem3A : i32
    %jit3A = arith.constant 8 : i32
    %div3A = arith.divsi %add3A, %jit3A : i32
    %sign3A = arith.constant 0 : i32
    %sign3A_2 = arith.cmpi sgt, %add3A, %sign3A : i32
    %sign3A_3 = arith.extui %sign3A_2 : i1 to i32
    %sign3A_4 = arith.constant 0 : i32
    %sign3A_5 = arith.cmpi slt, %add3A, %sign3A_4 : i32
    %sign3A_6 = arith.extui %sign3A_5 : i1 to i32
    %sign3A_7 = arith.subi %sign3A_3, %sign3A_6 : i32
    %sign3A_8 = arith.constant 0 : i32
    %sign3A_9 = arith.cmpi sgt, %jit3A, %sign3A_8 : i32
    %sign3A_10 = arith.extui %sign3A_9 : i1 to i32
    %sign3A_11 = arith.constant 0 : i32
    %sign3A_12 = arith.cmpi slt, %jit3A, %sign3A_11 : i32
    %sign3A_13 = arith.extui %sign3A_12 : i1 to i32
    %sign3A_14 = arith.subi %sign3A_10, %sign3A_13 : i32
    %ne3A = arith.cmpi ne, %sign3A_7, %sign3A_14 : i32
    %rem3A_15 = arith.remsi %add3A, %jit3A : i32
    %ne3A_16 = arith.constant 0 : i32
    %ne3A_17 = arith.cmpi ne, %rem3A_15, %ne3A_16 : i32
    %and3A = arith.andi %ne3A, %ne3A_17 : i1
    %sub3A = arith.constant 1 : i32
    %sub3A_18 = arith.subi %div3A, %sub3A : i32
    %select_n3A = arith.select %and3A, %sub3A_18, %div3A : i32
    %mul3A_19 = arith.constant 128 : i32
    %mul3A_20 = arith.muli %rem3A_1, %mul3A_19 : i32
    %mul3A_21 = arith.constant 16 : i32
    %mul3A_22 = arith.muli %select_n3A, %mul3A_21 : i32
    %iota3A = tpu.iota {dimensions = array<i32: 0>} : vector<16xi32>
    "tpu.region"() ({
      %run_scoped3A = tpu.sem_alloc : memref<!tpu.dma_semaphore, #tpu.memory_space<semaphore_mem>>
      tpu.enqueue_dma source(%arg3 : memref<57344xf32, #tpu.memory_space<hbm>>) target(%arg5 : memref<57344xf32, #tpu.memory_space<vmem>>) target_semaphore(%run_scoped3A : memref<!tpu.dma_semaphore, #tpu.memory_space<semaphore_mem>>)
      tpu.wait_dma2 semaphore(%run_scoped3A : memref<!tpu.dma_semaphore, #tpu.memory_space<semaphore_mem>>) src(%arg3 : memref<57344xf32, #tpu.memory_space<hbm>>) dst(%arg5 : memref<57344xf32, #tpu.memory_space<vmem>>)
      tpu.yield
    }) : () -> ()
    %dma_start3A = arith.constant 0 : i32
    %dma_start3A_23 = tpu.memref_slice %arg2[%mul3A_22, %dma_start3A, %mul3A_20] : memref<64x128x1024xf32, #tpu.memory_space<hbm>> -> memref<1x128x128xf32, #tpu.memory_space<hbm>>
    %dma_start3A_24 = tpu.memref_squeeze %dma_start3A_23 : memref<1x128x128xf32, #tpu.memory_space<hbm>> -> memref<128x128xf32, #tpu.memory_space<hbm>>
    %dma_start3A_25 = arith.constant 0 : i32
    %dma_start3A_26 = tpu.memref_slice %arg2[%mul3A_22, %dma_start3A_25, %mul3A_20] : memref<64x128x1024xf32, #tpu.memory_space<hbm>> -> memref<1x128x128xf32, #tpu.memory_space<hbm>>
    %dma_start3A_27 = tpu.memref_squeeze %dma_start3A_26 : memref<1x128x128xf32, #tpu.memory_space<hbm>> -> memref<128x128xf32, #tpu.memory_space<hbm>>
    tpu.enqueue_dma source(%dma_start3A_27 : memref<128x128xf32, #tpu.memory_space<hbm>>) target(%arg6 : memref<128x128xf32, #tpu.memory_space<vmem>>) target_semaphore(%arg10 : memref<!tpu.dma_semaphore, #tpu.memory_space<semaphore_mem>>)
    %scan3A = arith.constant 0 : i32
    %scan3A_28 = arith.constant 0 : i32
    %scan3A_29 = arith.constant 8 : i32
    %scan3A_30 = arith.addi %scan3A_28, %scan3A_29 : i32
    %scan3A_31 = arith.constant 1 : i32
    %scan3A_32 = scf.for %scan3A_51 = %scan3A_28 to %scan3A_30 step %scan3A_31 iter_args(%scan3A_52 = %scan3A) -> (i32)  : i32 {
      %mul3A_53 = arith.constant 2 : i32
      %mul3A_54 = arith.muli %mul3A_53, %scan3A_51 : i32
      %add3A_55 = arith.addi %mul3A_22, %mul3A_54 : i32
      %add3A_56 = arith.constant 1 : i32
      %add3A_57 = arith.addi %add3A_55, %add3A_56 : i32
      %dma_start3A_58 = arith.constant 0 : i32
      %dma_start3A_59 = tpu.memref_slice %arg2[%add3A_57, %dma_start3A_58, %mul3A_20] : memref<64x128x1024xf32, #tpu.memory_space<hbm>> -> memref<1x128x128xf32, #tpu.memory_space<hbm>>
      %dma_start3A_60 = tpu.memref_squeeze %dma_start3A_59 : memref<1x128x128xf32, #tpu.memory_space<hbm>> -> memref<128x128xf32, #tpu.memory_space<hbm>>
      %dma_start3A_61 = arith.constant 0 : i32
      %dma_start3A_62 = tpu.memref_slice %arg2[%add3A_57, %dma_start3A_61, %mul3A_20] : memref<64x128x1024xf32, #tpu.memory_space<hbm>> -> memref<1x128x128xf32, #tpu.memory_space<hbm>>
      %dma_start3A_63 = tpu.memref_squeeze %dma_start3A_62 : memref<1x128x128xf32, #tpu.memory_space<hbm>> -> memref<128x128xf32, #tpu.memory_space<hbm>>
      tpu.enqueue_dma source(%dma_start3A_63 : memref<128x128xf32, #tpu.memory_space<hbm>>) target(%arg7 : memref<128x128xf32, #tpu.memory_space<vmem>>) target_semaphore(%arg11 : memref<!tpu.dma_semaphore, #tpu.memory_space<semaphore_mem>>)
      %dma_wait3A_64 = arith.constant 0 : i32
      %dma_wait3A_65 = tpu.memref_slice %arg2[%add3A_55, %dma_wait3A_64, %mul3A_20] : memref<64x128x1024xf32, #tpu.memory_space<hbm>> -> memref<1x128x128xf32, #tpu.memory_space<hbm>>
      %dma_wait3A_66 = tpu.memref_squeeze %dma_wait3A_65 : memref<1x128x128xf32, #tpu.memory_space<hbm>> -> memref<128x128xf32, #tpu.memory_space<hbm>>
      %dma_wait3A_67 = arith.constant 0 : i32
      %dma_wait3A_68 = tpu.memref_slice %arg2[%add3A_55, %dma_wait3A_67, %mul3A_20] : memref<64x128x1024xf32, #tpu.memory_space<hbm>> -> memref<1x128x128xf32, #tpu.memory_space<hbm>>
      %dma_wait3A_69 = tpu.memref_squeeze %dma_wait3A_68 : memref<1x128x128xf32, #tpu.memory_space<hbm>> -> memref<128x128xf32, #tpu.memory_space<hbm>>
      tpu.wait_dma2 semaphore(%arg10 : memref<!tpu.dma_semaphore, #tpu.memory_space<semaphore_mem>>) src(%dma_wait3A_69 : memref<128x128xf32, #tpu.memory_space<hbm>>) dst(%arg6 : memref<128x128xf32, #tpu.memory_space<vmem>>)
      %gt3A = arith.constant 0 : i32
      %gt3A_70 = arith.cmpi sgt, %scan3A_51, %gt3A : i32
      %convert_element_type3A = arith.extui %gt3A_70 : i1 to i32
      %cond3A = arith.constant 0 : i32
      %cond3A_71 = arith.cmpi ne, %convert_element_type3A, %cond3A : i32
      scf.if %cond3A_71 {
        %dma_wait3A_114 = arith.constant 0 : i32
        %dma_wait3A_115 = tpu.memref_slice %arg4[%add3A_55, %dma_wait3A_114, %mul3A_20] : memref<64x128x1024xf32, #tpu.memory_space<hbm>> -> memref<1x128x128xf32, #tpu.memory_space<hbm>>
        %dma_wait3A_116 = tpu.memref_squeeze %dma_wait3A_115 : memref<1x128x128xf32, #tpu.memory_space<hbm>> -> memref<128x128xf32, #tpu.memory_space<hbm>>
        %dma_wait3A_117 = arith.constant 0 : i32
        %dma_wait3A_118 = tpu.memref_slice %arg4[%add3A_55, %dma_wait3A_117, %mul3A_20] : memref<64x128x1024xf32, #tpu.memory_space<hbm>> -> memref<1x128x128xf32, #tpu.memory_space<hbm>>
        %dma_wait3A_119 = tpu.memref_squeeze %dma_wait3A_118 : memref<1x128x128xf32, #tpu.memory_space<hbm>> -> memref<128x128xf32, #tpu.memory_space<hbm>>
        tpu.wait_dma2 semaphore(%arg12 : memref<!tpu.dma_semaphore, #tpu.memory_space<semaphore_mem>>) src(%arg8 : memref<128x128xf32, #tpu.memory_space<vmem>>) dst(%dma_wait3A_119 : memref<128x128xf32, #tpu.memory_space<hbm>>)
      } else {
      }
      %parallel_loop3A = arith.constant 0 : i32
      %parallel_loop3A_72 = arith.constant 8 : i32
      %parallel_loop3A_73 = arith.constant 1 : i32
      scf.for %parallel_loop3A_114 = %parallel_loop3A to %parallel_loop3A_72 step %parallel_loop3A_73  : i32 {
        %parallel_loop3A_115 = arith.constant 16 : i32
        %parallel_loop3A_116 = arith.muli %parallel_loop3A_114, %parallel_loop3A_115 : i32
        %parallel_loop3A_117 = arith.addi %mul3A_20, %parallel_loop3A_116 : i32
        %parallel_loop3A_118 = vector.broadcast %parallel_loop3A_117 : i32 to vector<16xi32>
        %parallel_loop3A_119 = arith.addi %parallel_loop3A_118, %iota3A : vector<16xi32>
        %parallel_loop3A_120 = arith.index_cast %parallel_loop3A_117 : i32 to index
        %parallel_loop3A_121 = tpu.vector_load %arg5[%parallel_loop3A_120] {strides = array<i32>} : memref<57344xf32, #tpu.memory_space<vmem>>, vector<16xf32>,
        %parallel_loop3A_122 = arith.constant 16384 : i32
        %parallel_loop3A_123 = arith.addi %parallel_loop3A_122, %parallel_loop3A_117 : i32
        %parallel_loop3A_124 = arith.index_cast %parallel_loop3A_123 : i32 to index
        %parallel_loop3A_125 = tpu.vector_load %arg5[%parallel_loop3A_124] {strides = array<i32>} : memref<57344xf32, #tpu.memory_space<vmem>>, vector<16xf32>,
        %parallel_loop3A_126 = arith.constant 8192 : i32
        %parallel_loop3A_127 = arith.addi %parallel_loop3A_126, %parallel_loop3A_117 : i32
        %parallel_loop3A_128 = arith.index_cast %parallel_loop3A_127 : i32 to index
        %parallel_loop3A_129 = tpu.vector_load %arg5[%parallel_loop3A_128] {strides = array<i32>} : memref<57344xf32, #tpu.memory_space<vmem>>, vector<16xf32>,
        %parallel_loop3A_130 = arith.constant 4096 : i32
        %parallel_loop3A_131 = arith.addi %parallel_loop3A_130, %parallel_loop3A_117 : i32
        %parallel_loop3A_132 = arith.index_cast %parallel_loop3A_131 : i32 to index
        %parallel_loop3A_133 = tpu.vector_load %arg5[%parallel_loop3A_132] {strides = array<i32>} : memref<57344xf32, #tpu.memory_space<vmem>>, vector<16xf32>,
        %parallel_loop3A_134 = arith.constant 12288 : i32
        %parallel_loop3A_135 = arith.addi %parallel_loop3A_134, %parallel_loop3A_117 : i32
        %parallel_loop3A_136 = arith.index_cast %parallel_loop3A_135 : i32 to index
        %parallel_loop3A_137 = tpu.vector_load %arg5[%parallel_loop3A_136] {strides = array<i32>} : memref<57344xf32, #tpu.memory_space<vmem>>, vector<16xf32>,
        %parallel_loop3A_138 = arith.constant 0 : i32
        %parallel_loop3A_139 = arith.constant 128 : i32
        %parallel_loop3A_140 = arith.constant 1 : i32
        scf.for %parallel_loop3A_141 = %parallel_loop3A_138 to %parallel_loop3A_139 step %parallel_loop3A_140  : i32 {
          %parallel_loop3A_142 = arith.index_cast %parallel_loop3A_141 : i32 to index
          %parallel_loop3A_143 = arith.index_cast %parallel_loop3A_116 : i32 to index
          %parallel_loop3A_144 = tpu.vector_load %arg6[%parallel_loop3A_142, %parallel_loop3A_143] {strides = array<i32>} : memref<128x128xf32, #tpu.memory_space<vmem>>, vector<16xf32>,
          %parallel_loop3A_145 = arith.cmpf oge, %parallel_loop3A_144, %parallel_loop3A_129 : vector<16xf32>
          %parallel_loop3A_146 = arith.constant 8192 : i32
          %parallel_loop3A_147 = vector.broadcast %parallel_loop3A_146 : i32 to vector<16xi32>
          %parallel_loop3A_148 = arith.addi %parallel_loop3A_119, %parallel_loop3A_147 : vector<16xi32>
          %parallel_loop3A_149 = arith.select %parallel_loop3A_145, %parallel_loop3A_148, %parallel_loop3A_119 : vector<16xi1>, vector<16xi32>
          %parallel_loop3A_150 = arith.select %parallel_loop3A_145, %parallel_loop3A_137, %parallel_loop3A_133 : vector<16xi1>, vector<16xf32>
          %parallel_loop3A_151 = arith.constant 4096 : i32
          %parallel_loop3A_152 = vector.broadcast %parallel_loop3A_151 : i32 to vector<16xi32>
          %parallel_loop3A_153 = arith.addi %parallel_loop3A_149, %parallel_loop3A_152 : vector<16xi32>
          %parallel_loop3A_154 = arith.cmpf oge, %parallel_loop3A_144, %parallel_loop3A_150 : vector<16xf32>
          %parallel_loop3A_155 = arith.select %parallel_loop3A_154, %parallel_loop3A_153, %parallel_loop3A_149 : vector<16xi1>, vector<16xi32>
          %parallel_loop3A_156 = arith.constant 2048 : i32
          %parallel_loop3A_157 = vector.broadcast %parallel_loop3A_156 : i32 to vector<16xi32>
          %parallel_loop3A_158 = arith.addi %parallel_loop3A_155, %parallel_loop3A_157 : vector<16xi32>
          %parallel_loop3A_159 = tpu.vector_load_idx %arg5[%parallel_loop3A_158] : memref<57344xf32, #tpu.memory_space<vmem>>[vector<16xi32>], vector<16xf32>,
          %parallel_loop3A_160 = arith.cmpf oge, %parallel_loop3A_144, %parallel_loop3A_159 : vector<16xf32>
          %parallel_loop3A_161 = arith.select %parallel_loop3A_160, %parallel_loop3A_158, %parallel_loop3A_155 : vector<16xi1>, vector<16xi32>
          %parallel_loop3A_162 = arith.constant 1024 : i32
          %parallel_loop3A_163 = vector.broadcast %parallel_loop3A_162 : i32 to vector<16xi32>
          %parallel_loop3A_164 = arith.addi %parallel_loop3A_161, %parallel_loop3A_163 : vector<16xi32>
          %parallel_loop3A_165 = tpu.vector_load_idx %arg5[%parallel_loop3A_164] : memref<57344xf32, #tpu.memory_space<vmem>>[vector<16xi32>], vector<16xf32>,
          %parallel_loop3A_166 = arith.cmpf oge, %parallel_loop3A_144, %parallel_loop3A_165 : vector<16xf32>
          %parallel_loop3A_167 = arith.select %parallel_loop3A_166, %parallel_loop3A_164, %parallel_loop3A_161 : vector<16xi1>, vector<16xi32>
          %parallel_loop3A_168 = arith.constant 17408 : i32
          %parallel_loop3A_169 = vector.broadcast %parallel_loop3A_168 : i32 to vector<16xi32>
          %parallel_loop3A_170 = arith.addi %parallel_loop3A_167, %parallel_loop3A_169 : vector<16xi32>
          %parallel_loop3A_171 = tpu.vector_load_idx %arg5[%parallel_loop3A_170] : memref<57344xf32, #tpu.memory_space<vmem>>[vector<16xi32>], vector<16xf32>,
          %parallel_loop3A_172 = arith.constant 33792 : i32
          %parallel_loop3A_173 = vector.broadcast %parallel_loop3A_172 : i32 to vector<16xi32>
          %parallel_loop3A_174 = arith.addi %parallel_loop3A_167, %parallel_loop3A_173 : vector<16xi32>
          %parallel_loop3A_175 = tpu.vector_load_idx %arg5[%parallel_loop3A_174] : memref<57344xf32, #tpu.memory_space<vmem>>[vector<16xi32>], vector<16xf32>,
          %parallel_loop3A_176 = arith.mulf %parallel_loop3A_144, %parallel_loop3A_171 : vector<16xf32>
          %parallel_loop3A_177 = arith.addf %parallel_loop3A_176, %parallel_loop3A_175 : vector<16xf32>
          %parallel_loop3A_178 = arith.cmpf oge, %parallel_loop3A_144, %parallel_loop3A_121 : vector<16xf32>
          %parallel_loop3A_179 = arith.cmpf ole, %parallel_loop3A_144, %parallel_loop3A_125 : vector<16xf32>
          %parallel_loop3A_180 = arith.andi %parallel_loop3A_178, %parallel_loop3A_179 : vector<16xi1>
          %parallel_loop3A_181 = arith.select %parallel_loop3A_180, %parallel_loop3A_177, %parallel_loop3A_144 : vector<16xi1>, vector<16xf32>
          %parallel_loop3A_182 = arith.index_cast %parallel_loop3A_141 : i32 to index
          %parallel_loop3A_183 = arith.index_cast %parallel_loop3A_116 : i32 to index
          %parallel_loop3A_184 = tpu.vector_load %arg8[%parallel_loop3A_182, %parallel_loop3A_183] {strides = array<i32>} : memref<128x128xf32, #tpu.memory_space<vmem>>, vector<16xf32>,
          tpu.vector_store %arg8[%parallel_loop3A_182, %parallel_loop3A_183], %parallel_loop3A_181 {strides = array<i32>} : memref<128x128xf32, #tpu.memory_space<vmem>>, vector<16xf32>,
        } {sc.loop_unroll_factor = 16 : i64, sc.parallel_access}
      } {sc.loop_unroll_factor = 1 : i64, sc.parallel_access}
      %dma_start3A_74 = arith.constant 0 : i32
      %dma_start3A_75 = tpu.memref_slice %arg4[%add3A_55, %dma_start3A_74, %mul3A_20] : memref<64x128x1024xf32, #tpu.memory_space<hbm>> -> memref<1x128x128xf32, #tpu.memory_space<hbm>>
      %dma_start3A_76 = tpu.memref_squeeze %dma_start3A_75 : memref<1x128x128xf32, #tpu.memory_space<hbm>> -> memref<128x128xf32, #tpu.memory_space<hbm>>
      %dma_start3A_77 = arith.constant 0 : i32
      %dma_start3A_78 = tpu.memref_slice %arg4[%add3A_55, %dma_start3A_77, %mul3A_20] : memref<64x128x1024xf32, #tpu.memory_space<hbm>> -> memref<1x128x128xf32, #tpu.memory_space<hbm>>
      %dma_start3A_79 = tpu.memref_squeeze %dma_start3A_78 : memref<1x128x128xf32, #tpu.memory_space<hbm>> -> memref<128x128xf32, #tpu.memory_space<hbm>>
      tpu.enqueue_dma source(%arg8 : memref<128x128xf32, #tpu.memory_space<vmem>>) target(%dma_start3A_79 : memref<128x128xf32, #tpu.memory_space<hbm>>) target_semaphore(%arg12 : memref<!tpu.dma_semaphore, #tpu.memory_space<semaphore_mem>>)
      %mul3A_80 = arith.constant 2 : i32
      %mul3A_81 = arith.muli %mul3A_80, %scan3A_51 : i32
      %add3A_82 = arith.constant 2 : i32
      %add3A_83 = arith.addi %mul3A_81, %add3A_82 : i32
      %rem3A_84 = arith.constant 16 : i32
      %rem3A_85 = arith.remsi %add3A_83, %rem3A_84 : i32
      %add3A_86 = arith.addi %mul3A_22, %rem3A_85 : i32
      %dma_start3A_87 = arith.constant 0 : i32
      %dma_start3A_88 = tpu.memref_slice %arg2[%add3A_86, %dma_start3A_87, %mul3A_20] : memref<64x128x1024xf32, #tpu.memory_space<hbm>> -> memref<1x128x128xf32, #tpu.memory_space<hbm>>
      %dma_start3A_89 = tpu.memref_squeeze %dma_start3A_88 : memref<1x128x128xf32, #tpu.memory_space<hbm>> -> memref<128x128xf32, #tpu.memory_space<hbm>>
      %dma_start3A_90 = arith.constant 0 : i32
      %dma_start3A_91 = tpu.memref_slice %arg2[%add3A_86, %dma_start3A_90, %mul3A_20] : memref<64x128x1024xf32, #tpu.memory_space<hbm>> -> memref<1x128x128xf32, #tpu.memory_space<hbm>>
      %dma_start3A_92 = tpu.memref_squeeze %dma_start3A_91 : memref<1x128x128xf32, #tpu.memory_space<hbm>> -> memref<128x128xf32, #tpu.memory_space<hbm>>
      tpu.enqueue_dma source(%dma_start3A_92 : memref<128x128xf32, #tpu.memory_space<hbm>>) target(%arg6 : memref<128x128xf32, #tpu.memory_space<vmem>>) target_semaphore(%arg10 : memref<!tpu.dma_semaphore, #tpu.memory_space<semaphore_mem>>)
      %dma_wait3A_93 = arith.constant 0 : i32
      %dma_wait3A_94 = tpu.memref_slice %arg2[%add3A_57, %dma_wait3A_93, %mul3A_20] : memref<64x128x1024xf32, #tpu.memory_space<hbm>> -> memref<1x128x128xf32, #tpu.memory_space<hbm>>
      %dma_wait3A_95 = tpu.memref_squeeze %dma_wait3A_94 : memref<1x128x128xf32, #tpu.memory_space<hbm>> -> memref<128x128xf32, #tpu.memory_space<hbm>>
      %dma_wait3A_96 = arith.constant 0 : i32
      %dma_wait3A_97 = tpu.memref_slice %arg2[%add3A_57, %dma_wait3A_96, %mul3A_20] : memref<64x128x1024xf32, #tpu.memory_space<hbm>> -> memref<1x128x128xf32, #tpu.memory_space<hbm>>
      %dma_wait3A_98 = tpu.memref_squeeze %dma_wait3A_97 : memref<1x128x128xf32, #tpu.memory_space<hbm>> -> memref<128x128xf32, #tpu.memory_space<hbm>>
      tpu.wait_dma2 semaphore(%arg11 : memref<!tpu.dma_semaphore, #tpu.memory_space<semaphore_mem>>) src(%dma_wait3A_98 : memref<128x128xf32, #tpu.memory_space<hbm>>) dst(%arg7 : memref<128x128xf32, #tpu.memory_space<vmem>>)
      %gt3A_99 = arith.constant 0 : i32
      %gt3A_100 = arith.cmpi sgt, %scan3A_51, %gt3A_99 : i32
      %convert_element_type3A_101 = arith.extui %gt3A_100 : i1 to i32
      %cond3A_102 = arith.constant 0 : i32
      %cond3A_103 = arith.cmpi ne, %convert_element_type3A_101, %cond3A_102 : i32
      scf.if %cond3A_103 {
        %dma_wait3A_114 = arith.constant 0 : i32
        %dma_wait3A_115 = tpu.memref_slice %arg4[%add3A_57, %dma_wait3A_114, %mul3A_20] : memref<64x128x1024xf32, #tpu.memory_space<hbm>> -> memref<1x128x128xf32, #tpu.memory_space<hbm>>
        %dma_wait3A_116 = tpu.memref_squeeze %dma_wait3A_115 : memref<1x128x128xf32, #tpu.memory_space<hbm>> -> memref<128x128xf32, #tpu.memory_space<hbm>>
        %dma_wait3A_117 = arith.constant 0 : i32
        %dma_wait3A_118 = tpu.memref_slice %arg4[%add3A_57, %dma_wait3A_117, %mul3A_20] : memref<64x128x1024xf32, #tpu.memory_space<hbm>> -> memref<1x128x128xf32, #tpu.memory_space<hbm>>
        %dma_wait3A_119 = tpu.memref_squeeze %dma_wait3A_118 : memref<1x128x128xf32, #tpu.memory_space<hbm>> -> memref<128x128xf32, #tpu.memory_space<hbm>>
        tpu.wait_dma2 semaphore(%arg13 : memref<!tpu.dma_semaphore, #tpu.memory_space<semaphore_mem>>) src(%arg9 : memref<128x128xf32, #tpu.memory_space<vmem>>) dst(%dma_wait3A_119 : memref<128x128xf32, #tpu.memory_space<hbm>>)
      } else {
      }
      %parallel_loop3A_104 = arith.constant 0 : i32
      %parallel_loop3A_105 = arith.constant 8 : i32
      %parallel_loop3A_106 = arith.constant 1 : i32
      scf.for %parallel_loop3A_114 = %parallel_loop3A_104 to %parallel_loop3A_105 step %parallel_loop3A_106  : i32 {
        %parallel_loop3A_115 = arith.constant 16 : i32
        %parallel_loop3A_116 = arith.muli %parallel_loop3A_114, %parallel_loop3A_115 : i32
        %parallel_loop3A_117 = arith.addi %mul3A_20, %parallel_loop3A_116 : i32
        %parallel_loop3A_118 = vector.broadcast %parallel_loop3A_117 : i32 to vector<16xi32>
        %parallel_loop3A_119 = arith.addi %parallel_loop3A_118, %iota3A : vector<16xi32>
        %parallel_loop3A_120 = arith.index_cast %parallel_loop3A_117 : i32 to index
        %parallel_loop3A_121 = tpu.vector_load %arg5[%parallel_loop3A_120] {strides = array<i32>} : memref<57344xf32, #tpu.memory_space<vmem>>, vector<16xf32>,
        %parallel_loop3A_122 = arith.constant 16384 : i32
        %parallel_loop3A_123 = arith.addi %parallel_loop3A_122, %parallel_loop3A_117 : i32
        %parallel_loop3A_124 = arith.index_cast %parallel_loop3A_123 : i32 to index
        %parallel_loop3A_125 = tpu.vector_load %arg5[%parallel_loop3A_124] {strides = array<i32>} : memref<57344xf32, #tpu.memory_space<vmem>>, vector<16xf32>,
        %parallel_loop3A_126 = arith.constant 8192 : i32
        %parallel_loop3A_127 = arith.addi %parallel_loop3A_126, %parallel_loop3A_117 : i32
        %parallel_loop3A_128 = arith.index_cast %parallel_loop3A_127 : i32 to index
        %parallel_loop3A_129 = tpu.vector_load %arg5[%parallel_loop3A_128] {strides = array<i32>} : memref<57344xf32, #tpu.memory_space<vmem>>, vector<16xf32>,
        %parallel_loop3A_130 = arith.constant 4096 : i32
        %parallel_loop3A_131 = arith.addi %parallel_loop3A_130, %parallel_loop3A_117 : i32
        %parallel_loop3A_132 = arith.index_cast %parallel_loop3A_131 : i32 to index
        %parallel_loop3A_133 = tpu.vector_load %arg5[%parallel_loop3A_132] {strides = array<i32>} : memref<57344xf32, #tpu.memory_space<vmem>>, vector<16xf32>,
        %parallel_loop3A_134 = arith.constant 12288 : i32
        %parallel_loop3A_135 = arith.addi %parallel_loop3A_134, %parallel_loop3A_117 : i32
        %parallel_loop3A_136 = arith.index_cast %parallel_loop3A_135 : i32 to index
        %parallel_loop3A_137 = tpu.vector_load %arg5[%parallel_loop3A_136] {strides = array<i32>} : memref<57344xf32, #tpu.memory_space<vmem>>, vector<16xf32>,
        %parallel_loop3A_138 = arith.constant 0 : i32
        %parallel_loop3A_139 = arith.constant 128 : i32
        %parallel_loop3A_140 = arith.constant 1 : i32
        scf.for %parallel_loop3A_141 = %parallel_loop3A_138 to %parallel_loop3A_139 step %parallel_loop3A_140  : i32 {
          %parallel_loop3A_142 = arith.index_cast %parallel_loop3A_141 : i32 to index
          %parallel_loop3A_143 = arith.index_cast %parallel_loop3A_116 : i32 to index
          %parallel_loop3A_144 = tpu.vector_load %arg7[%parallel_loop3A_142, %parallel_loop3A_143] {strides = array<i32>} : memref<128x128xf32, #tpu.memory_space<vmem>>, vector<16xf32>,
          %parallel_loop3A_145 = arith.cmpf oge, %parallel_loop3A_144, %parallel_loop3A_129 : vector<16xf32>
          %parallel_loop3A_146 = arith.constant 8192 : i32
          %parallel_loop3A_147 = vector.broadcast %parallel_loop3A_146 : i32 to vector<16xi32>
          %parallel_loop3A_148 = arith.addi %parallel_loop3A_119, %parallel_loop3A_147 : vector<16xi32>
          %parallel_loop3A_149 = arith.select %parallel_loop3A_145, %parallel_loop3A_148, %parallel_loop3A_119 : vector<16xi1>, vector<16xi32>
          %parallel_loop3A_150 = arith.select %parallel_loop3A_145, %parallel_loop3A_137, %parallel_loop3A_133 : vector<16xi1>, vector<16xf32>
          %parallel_loop3A_151 = arith.constant 4096 : i32
          %parallel_loop3A_152 = vector.broadcast %parallel_loop3A_151 : i32 to vector<16xi32>
          %parallel_loop3A_153 = arith.addi %parallel_loop3A_149, %parallel_loop3A_152 : vector<16xi32>
          %parallel_loop3A_154 = arith.cmpf oge, %parallel_loop3A_144, %parallel_loop3A_150 : vector<16xf32>
          %parallel_loop3A_155 = arith.select %parallel_loop3A_154, %parallel_loop3A_153, %parallel_loop3A_149 : vector<16xi1>, vector<16xi32>
          %parallel_loop3A_156 = arith.constant 2048 : i32
          %parallel_loop3A_157 = vector.broadcast %parallel_loop3A_156 : i32 to vector<16xi32>
          %parallel_loop3A_158 = arith.addi %parallel_loop3A_155, %parallel_loop3A_157 : vector<16xi32>
          %parallel_loop3A_159 = tpu.vector_load_idx %arg5[%parallel_loop3A_158] : memref<57344xf32, #tpu.memory_space<vmem>>[vector<16xi32>], vector<16xf32>,
          %parallel_loop3A_160 = arith.cmpf oge, %parallel_loop3A_144, %parallel_loop3A_159 : vector<16xf32>
          %parallel_loop3A_161 = arith.select %parallel_loop3A_160, %parallel_loop3A_158, %parallel_loop3A_155 : vector<16xi1>, vector<16xi32>
          %parallel_loop3A_162 = arith.constant 1024 : i32
          %parallel_loop3A_163 = vector.broadcast %parallel_loop3A_162 : i32 to vector<16xi32>
          %parallel_loop3A_164 = arith.addi %parallel_loop3A_161, %parallel_loop3A_163 : vector<16xi32>
          %parallel_loop3A_165 = tpu.vector_load_idx %arg5[%parallel_loop3A_164] : memref<57344xf32, #tpu.memory_space<vmem>>[vector<16xi32>], vector<16xf32>,
          %parallel_loop3A_166 = arith.cmpf oge, %parallel_loop3A_144, %parallel_loop3A_165 : vector<16xf32>
          %parallel_loop3A_167 = arith.select %parallel_loop3A_166, %parallel_loop3A_164, %parallel_loop3A_161 : vector<16xi1>, vector<16xi32>
          %parallel_loop3A_168 = arith.constant 17408 : i32
          %parallel_loop3A_169 = vector.broadcast %parallel_loop3A_168 : i32 to vector<16xi32>
          %parallel_loop3A_170 = arith.addi %parallel_loop3A_167, %parallel_loop3A_169 : vector<16xi32>
          %parallel_loop3A_171 = tpu.vector_load_idx %arg5[%parallel_loop3A_170] : memref<57344xf32, #tpu.memory_space<vmem>>[vector<16xi32>], vector<16xf32>,
          %parallel_loop3A_172 = arith.constant 33792 : i32
          %parallel_loop3A_173 = vector.broadcast %parallel_loop3A_172 : i32 to vector<16xi32>
          %parallel_loop3A_174 = arith.addi %parallel_loop3A_167, %parallel_loop3A_173 : vector<16xi32>
          %parallel_loop3A_175 = tpu.vector_load_idx %arg5[%parallel_loop3A_174] : memref<57344xf32, #tpu.memory_space<vmem>>[vector<16xi32>], vector<16xf32>,
          %parallel_loop3A_176 = arith.mulf %parallel_loop3A_144, %parallel_loop3A_171 : vector<16xf32>
          %parallel_loop3A_177 = arith.addf %parallel_loop3A_176, %parallel_loop3A_175 : vector<16xf32>
          %parallel_loop3A_178 = arith.cmpf oge, %parallel_loop3A_144, %parallel_loop3A_121 : vector<16xf32>
          %parallel_loop3A_179 = arith.cmpf ole, %parallel_loop3A_144, %parallel_loop3A_125 : vector<16xf32>
          %parallel_loop3A_180 = arith.andi %parallel_loop3A_178, %parallel_loop3A_179 : vector<16xi1>
          %parallel_loop3A_181 = arith.select %parallel_loop3A_180, %parallel_loop3A_177, %parallel_loop3A_144 : vector<16xi1>, vector<16xf32>
          %parallel_loop3A_182 = arith.index_cast %parallel_loop3A_141 : i32 to index
          %parallel_loop3A_183 = arith.index_cast %parallel_loop3A_116 : i32 to index
          %parallel_loop3A_184 = tpu.vector_load %arg9[%parallel_loop3A_182, %parallel_loop3A_183] {strides = array<i32>} : memref<128x128xf32, #tpu.memory_space<vmem>>, vector<16xf32>,
          tpu.vector_store %arg9[%parallel_loop3A_182, %parallel_loop3A_183], %parallel_loop3A_181 {strides = array<i32>} : memref<128x128xf32, #tpu.memory_space<vmem>>, vector<16xf32>,
        } {sc.loop_unroll_factor = 16 : i64, sc.parallel_access}
      } {sc.loop_unroll_factor = 1 : i64, sc.parallel_access}
      %dma_start3A_107 = arith.constant 0 : i32
      %dma_start3A_108 = tpu.memref_slice %arg4[%add3A_57, %dma_start3A_107, %mul3A_20] : memref<64x128x1024xf32, #tpu.memory_space<hbm>> -> memref<1x128x128xf32, #tpu.memory_space<hbm>>
      %dma_start3A_109 = tpu.memref_squeeze %dma_start3A_108 : memref<1x128x128xf32, #tpu.memory_space<hbm>> -> memref<128x128xf32, #tpu.memory_space<hbm>>
      %dma_start3A_110 = arith.constant 0 : i32
      %dma_start3A_111 = tpu.memref_slice %arg4[%add3A_57, %dma_start3A_110, %mul3A_20] : memref<64x128x1024xf32, #tpu.memory_space<hbm>> -> memref<1x128x128xf32, #tpu.memory_space<hbm>>
      %dma_start3A_112 = tpu.memref_squeeze %dma_start3A_111 : memref<1x128x128xf32, #tpu.memory_space<hbm>> -> memref<128x128xf32, #tpu.memory_space<hbm>>
      tpu.enqueue_dma source(%arg9 : memref<128x128xf32, #tpu.memory_space<vmem>>) target(%dma_start3A_112 : memref<128x128xf32, #tpu.memory_space<hbm>>) target_semaphore(%arg13 : memref<!tpu.dma_semaphore, #tpu.memory_space<semaphore_mem>>)
      %scan3A_113 = arith.constant 0 : i32
      scf.yield %scan3A_113 : i32
    }
    %scan3A_33 = arith.constant 8 : i32
    %dma_wait3A = arith.constant 0 : i32
    %dma_wait3A_34 = tpu.memref_slice %arg2[%mul3A_22, %dma_wait3A, %mul3A_20] : memref<64x128x1024xf32, #tpu.memory_space<hbm>> -> memref<1x128x128xf32, #tpu.memory_space<hbm>>
    %dma_wait3A_35 = tpu.memref_squeeze %dma_wait3A_34 : memref<1x128x128xf32, #tpu.memory_space<hbm>> -> memref<128x128xf32, #tpu.memory_space<hbm>>
    %dma_wait3A_36 = arith.constant 0 : i32
    %dma_wait3A_37 = tpu.memref_slice %arg2[%mul3A_22, %dma_wait3A_36, %mul3A_20] : memref<64x128x1024xf32, #tpu.memory_space<hbm>> -> memref<1x128x128xf32, #tpu.memory_space<hbm>>
    %dma_wait3A_38 = tpu.memref_squeeze %dma_wait3A_37 : memref<1x128x128xf32, #tpu.memory_space<hbm>> -> memref<128x128xf32, #tpu.memory_space<hbm>>
    tpu.wait_dma2 semaphore(%arg10 : memref<!tpu.dma_semaphore, #tpu.memory_space<semaphore_mem>>) src(%dma_wait3A_38 : memref<128x128xf32, #tpu.memory_space<hbm>>) dst(%arg6 : memref<128x128xf32, #tpu.memory_space<vmem>>)
    %dma_wait3A_39 = arith.constant 0 : i32
    %dma_wait3A_40 = tpu.memref_slice %arg4[%mul3A_22, %dma_wait3A_39, %mul3A_20] : memref<64x128x1024xf32, #tpu.memory_space<hbm>> -> memref<1x128x128xf32, #tpu.memory_space<hbm>>
    %dma_wait3A_41 = tpu.memref_squeeze %dma_wait3A_40 : memref<1x128x128xf32, #tpu.memory_space<hbm>> -> memref<128x128xf32, #tpu.memory_space<hbm>>
    %dma_wait3A_42 = arith.constant 0 : i32
    %dma_wait3A_43 = tpu.memref_slice %arg4[%mul3A_22, %dma_wait3A_42, %mul3A_20] : memref<64x128x1024xf32, #tpu.memory_space<hbm>> -> memref<1x128x128xf32, #tpu.memory_space<hbm>>
    %dma_wait3A_44 = tpu.memref_squeeze %dma_wait3A_43 : memref<1x128x128xf32, #tpu.memory_space<hbm>> -> memref<128x128xf32, #tpu.memory_space<hbm>>
    tpu.wait_dma2 semaphore(%arg12 : memref<!tpu.dma_semaphore, #tpu.memory_space<semaphore_mem>>) src(%arg8 : memref<128x128xf32, #tpu.memory_space<vmem>>) dst(%dma_wait3A_44 : memref<128x128xf32, #tpu.memory_space<hbm>>)
    %dma_wait3A_45 = arith.constant 0 : i32
    %dma_wait3A_46 = tpu.memref_slice %arg4[%mul3A_22, %dma_wait3A_45, %mul3A_20] : memref<64x128x1024xf32, #tpu.memory_space<hbm>> -> memref<1x128x128xf32, #tpu.memory_space<hbm>>
    %dma_wait3A_47 = tpu.memref_squeeze %dma_wait3A_46 : memref<1x128x128xf32, #tpu.memory_space<hbm>> -> memref<128x128xf32, #tpu.memory_space<hbm>>
    %dma_wait3A_48 = arith.constant 0 : i32
    %dma_wait3A_49 = tpu.memref_slice %arg4[%mul3A_22, %dma_wait3A_48, %mul3A_20] : memref<64x128x1024xf32, #tpu.memory_space<hbm>> -> memref<1x128x128xf32, #tpu.memory_space<hbm>>
    %dma_wait3A_50 = tpu.memref_squeeze %dma_wait3A_49 : memref<1x128x128xf32, #tpu.memory_space<hbm>> -> memref<128x128xf32, #tpu.memory_space<hbm>>
    tpu.wait_dma2 semaphore(%arg13 : memref<!tpu.dma_semaphore, #tpu.memory_space<semaphore_mem>>) src(%arg9 : memref<128x128xf32, #tpu.memory_space<vmem>>) dst(%dma_wait3A_50 : memref<128x128xf32, #tpu.memory_space<hbm>>)
    return
  }
}

module attributes {stable_mosaic.version = 14 : i64} {
  func.func @_prep_body(%arg0: memref<1x1024xf32, #tpu.memory_space<vmem>>, %arg1: memref<16x1024xf32, #tpu.memory_space<vmem>>, %arg2: memref<1x1024xf32, #tpu.memory_space<vmem>>, %arg3: memref<16x1024xf32, #tpu.memory_space<vmem>>, %arg4: memref<56x1024xf32, #tpu.memory_space<vmem>>) attributes {dimension_semantics = [], scalar_prefetch = 0 : i64, scratch_operands = 0 : i64, tpu.core_type = #tpu.core_type<tc>} {
    %get3A = arith.constant 0 : index
    %get3A_0 = arith.constant 0 : index
    %get3A_1 = vector.load %arg0[%get3A, %get3A_0] : memref<1x1024xf32, #tpu.memory_space<vmem>>, vector<1x1024xf32>
    %get3A_2 = vector.shape_cast %get3A_1 : vector<1x1024xf32> to vector<1024xf32>
    %get3A_3 = arith.constant 0 : index
    %get3A_4 = arith.constant 0 : index
    %get3A_5 = vector.load %arg1[%get3A_3, %get3A_4] : memref<16x1024xf32, #tpu.memory_space<vmem>>, vector<1x1024xf32>
    %get3A_6 = vector.shape_cast %get3A_5 : vector<1x1024xf32> to vector<1024xf32>
    %max3A = arith.constant 0.000000e+00 : f32
    %max3A_7 = vector.broadcast %max3A : f32 to vector<1024xf32>
    %max3A_8 = arith.maximumf %get3A_6, %max3A_7 : vector<1024xf32>
    %abs3A = math.absf %get3A_6 : vector<1024xf32>
    %neg3A = arith.constant 0.000000e+00 : f32
    %neg3A_9 = vector.broadcast %neg3A : f32 to vector<1024xf32>
    %neg3A_10 = arith.subf %neg3A_9, %abs3A : vector<1024xf32>
    %exp3A = math.exp %neg3A_10 : vector<1024xf32>
    %add3A = arith.constant 1.000000e+00 : f32
    %add3A_11 = vector.broadcast %add3A : f32 to vector<1024xf32>
    %add3A_12 = arith.addf %add3A_11, %exp3A : vector<1024xf32>
    %log3A = math.log %add3A_12 : vector<1024xf32>
    %add3A_13 = arith.addf %max3A_8, %log3A : vector<1024xf32>
    %get3A_14 = arith.constant 1 : index
    %get3A_15 = arith.constant 0 : index
    %get3A_16 = vector.load %arg1[%get3A_14, %get3A_15] : memref<16x1024xf32, #tpu.memory_space<vmem>>, vector<1x1024xf32>
    %get3A_17 = vector.shape_cast %get3A_16 : vector<1x1024xf32> to vector<1024xf32>
    %max3A_18 = arith.constant 0.000000e+00 : f32
    %max3A_19 = vector.broadcast %max3A_18 : f32 to vector<1024xf32>
    %max3A_20 = arith.maximumf %get3A_17, %max3A_19 : vector<1024xf32>
    %abs3A_21 = math.absf %get3A_17 : vector<1024xf32>
    %neg3A_22 = arith.constant 0.000000e+00 : f32
    %neg3A_23 = vector.broadcast %neg3A_22 : f32 to vector<1024xf32>
    %neg3A_24 = arith.subf %neg3A_23, %abs3A_21 : vector<1024xf32>
    %exp3A_25 = math.exp %neg3A_24 : vector<1024xf32>
    %add3A_26 = arith.constant 1.000000e+00 : f32
    %add3A_27 = vector.broadcast %add3A_26 : f32 to vector<1024xf32>
    %add3A_28 = arith.addf %add3A_27, %exp3A_25 : vector<1024xf32>
    %log3A_29 = math.log %add3A_28 : vector<1024xf32>
    %add3A_30 = arith.addf %max3A_20, %log3A_29 : vector<1024xf32>
    %add3A_31 = arith.addf %add3A_13, %add3A_30 : vector<1024xf32>
    %get3A_32 = arith.constant 2 : index
    %get3A_33 = arith.constant 0 : index
    %get3A_34 = vector.load %arg1[%get3A_32, %get3A_33] : memref<16x1024xf32, #tpu.memory_space<vmem>>, vector<1x1024xf32>
    %get3A_35 = vector.shape_cast %get3A_34 : vector<1x1024xf32> to vector<1024xf32>
    %max3A_36 = arith.constant 0.000000e+00 : f32
    %max3A_37 = vector.broadcast %max3A_36 : f32 to vector<1024xf32>
    %max3A_38 = arith.maximumf %get3A_35, %max3A_37 : vector<1024xf32>
    %abs3A_39 = math.absf %get3A_35 : vector<1024xf32>
    %neg3A_40 = arith.constant 0.000000e+00 : f32
    %neg3A_41 = vector.broadcast %neg3A_40 : f32 to vector<1024xf32>
    %neg3A_42 = arith.subf %neg3A_41, %abs3A_39 : vector<1024xf32>
    %exp3A_43 = math.exp %neg3A_42 : vector<1024xf32>
    %add3A_44 = arith.constant 1.000000e+00 : f32
    %add3A_45 = vector.broadcast %add3A_44 : f32 to vector<1024xf32>
    %add3A_46 = arith.addf %add3A_45, %exp3A_43 : vector<1024xf32>
    %log3A_47 = math.log %add3A_46 : vector<1024xf32>
    %add3A_48 = arith.addf %max3A_38, %log3A_47 : vector<1024xf32>
    %add3A_49 = arith.addf %add3A_31, %add3A_48 : vector<1024xf32>
    %get3A_50 = arith.constant 3 : index
    %get3A_51 = arith.constant 0 : index
    %get3A_52 = vector.load %arg1[%get3A_50, %get3A_51] : memref<16x1024xf32, #tpu.memory_space<vmem>>, vector<1x1024xf32>
    %get3A_53 = vector.shape_cast %get3A_52 : vector<1x1024xf32> to vector<1024xf32>
    %max3A_54 = arith.constant 0.000000e+00 : f32
    %max3A_55 = vector.broadcast %max3A_54 : f32 to vector<1024xf32>
    %max3A_56 = arith.maximumf %get3A_53, %max3A_55 : vector<1024xf32>
    %abs3A_57 = math.absf %get3A_53 : vector<1024xf32>
    %neg3A_58 = arith.constant 0.000000e+00 : f32
    %neg3A_59 = vector.broadcast %neg3A_58 : f32 to vector<1024xf32>
    %neg3A_60 = arith.subf %neg3A_59, %abs3A_57 : vector<1024xf32>
    %exp3A_61 = math.exp %neg3A_60 : vector<1024xf32>
    %add3A_62 = arith.constant 1.000000e+00 : f32
    %add3A_63 = vector.broadcast %add3A_62 : f32 to vector<1024xf32>
    %add3A_64 = arith.addf %add3A_63, %exp3A_61 : vector<1024xf32>
    %log3A_65 = math.log %add3A_64 : vector<1024xf32>
    %add3A_66 = arith.addf %max3A_56, %log3A_65 : vector<1024xf32>
    %add3A_67 = arith.addf %add3A_49, %add3A_66 : vector<1024xf32>
    %get3A_68 = arith.constant 4 : index
    %get3A_69 = arith.constant 0 : index
    %get3A_70 = vector.load %arg1[%get3A_68, %get3A_69] : memref<16x1024xf32, #tpu.memory_space<vmem>>, vector<1x1024xf32>
    %get3A_71 = vector.shape_cast %get3A_70 : vector<1x1024xf32> to vector<1024xf32>
    %max3A_72 = arith.constant 0.000000e+00 : f32
    %max3A_73 = vector.broadcast %max3A_72 : f32 to vector<1024xf32>
    %max3A_74 = arith.maximumf %get3A_71, %max3A_73 : vector<1024xf32>
    %abs3A_75 = math.absf %get3A_71 : vector<1024xf32>
    %neg3A_76 = arith.constant 0.000000e+00 : f32
    %neg3A_77 = vector.broadcast %neg3A_76 : f32 to vector<1024xf32>
    %neg3A_78 = arith.subf %neg3A_77, %abs3A_75 : vector<1024xf32>
    %exp3A_79 = math.exp %neg3A_78 : vector<1024xf32>
    %add3A_80 = arith.constant 1.000000e+00 : f32
    %add3A_81 = vector.broadcast %add3A_80 : f32 to vector<1024xf32>
    %add3A_82 = arith.addf %add3A_81, %exp3A_79 : vector<1024xf32>
    %log3A_83 = math.log %add3A_82 : vector<1024xf32>
    %add3A_84 = arith.addf %max3A_74, %log3A_83 : vector<1024xf32>
    %add3A_85 = arith.addf %add3A_67, %add3A_84 : vector<1024xf32>
    %get3A_86 = arith.constant 5 : index
    %get3A_87 = arith.constant 0 : index
    %get3A_88 = vector.load %arg1[%get3A_86, %get3A_87] : memref<16x1024xf32, #tpu.memory_space<vmem>>, vector<1x1024xf32>
    %get3A_89 = vector.shape_cast %get3A_88 : vector<1x1024xf32> to vector<1024xf32>
    %max3A_90 = arith.constant 0.000000e+00 : f32
    %max3A_91 = vector.broadcast %max3A_90 : f32 to vector<1024xf32>
    %max3A_92 = arith.maximumf %get3A_89, %max3A_91 : vector<1024xf32>
    %abs3A_93 = math.absf %get3A_89 : vector<1024xf32>
    %neg3A_94 = arith.constant 0.000000e+00 : f32
    %neg3A_95 = vector.broadcast %neg3A_94 : f32 to vector<1024xf32>
    %neg3A_96 = arith.subf %neg3A_95, %abs3A_93 : vector<1024xf32>
    %exp3A_97 = math.exp %neg3A_96 : vector<1024xf32>
    %add3A_98 = arith.constant 1.000000e+00 : f32
    %add3A_99 = vector.broadcast %add3A_98 : f32 to vector<1024xf32>
    %add3A_100 = arith.addf %add3A_99, %exp3A_97 : vector<1024xf32>
    %log3A_101 = math.log %add3A_100 : vector<1024xf32>
    %add3A_102 = arith.addf %max3A_92, %log3A_101 : vector<1024xf32>
    %add3A_103 = arith.addf %add3A_85, %add3A_102 : vector<1024xf32>
    %get3A_104 = arith.constant 6 : index
    %get3A_105 = arith.constant 0 : index
    %get3A_106 = vector.load %arg1[%get3A_104, %get3A_105] : memref<16x1024xf32, #tpu.memory_space<vmem>>, vector<1x1024xf32>
    %get3A_107 = vector.shape_cast %get3A_106 : vector<1x1024xf32> to vector<1024xf32>
    %max3A_108 = arith.constant 0.000000e+00 : f32
    %max3A_109 = vector.broadcast %max3A_108 : f32 to vector<1024xf32>
    %max3A_110 = arith.maximumf %get3A_107, %max3A_109 : vector<1024xf32>
    %abs3A_111 = math.absf %get3A_107 : vector<1024xf32>
    %neg3A_112 = arith.constant 0.000000e+00 : f32
    %neg3A_113 = vector.broadcast %neg3A_112 : f32 to vector<1024xf32>
    %neg3A_114 = arith.subf %neg3A_113, %abs3A_111 : vector<1024xf32>
    %exp3A_115 = math.exp %neg3A_114 : vector<1024xf32>
    %add3A_116 = arith.constant 1.000000e+00 : f32
    %add3A_117 = vector.broadcast %add3A_116 : f32 to vector<1024xf32>
    %add3A_118 = arith.addf %add3A_117, %exp3A_115 : vector<1024xf32>
    %log3A_119 = math.log %add3A_118 : vector<1024xf32>
    %add3A_120 = arith.addf %max3A_110, %log3A_119 : vector<1024xf32>
    %add3A_121 = arith.addf %add3A_103, %add3A_120 : vector<1024xf32>
    %get3A_122 = arith.constant 7 : index
    %get3A_123 = arith.constant 0 : index
    %get3A_124 = vector.load %arg1[%get3A_122, %get3A_123] : memref<16x1024xf32, #tpu.memory_space<vmem>>, vector<1x1024xf32>
    %get3A_125 = vector.shape_cast %get3A_124 : vector<1x1024xf32> to vector<1024xf32>
    %max3A_126 = arith.constant 0.000000e+00 : f32
    %max3A_127 = vector.broadcast %max3A_126 : f32 to vector<1024xf32>
    %max3A_128 = arith.maximumf %get3A_125, %max3A_127 : vector<1024xf32>
    %abs3A_129 = math.absf %get3A_125 : vector<1024xf32>
    %neg3A_130 = arith.constant 0.000000e+00 : f32
    %neg3A_131 = vector.broadcast %neg3A_130 : f32 to vector<1024xf32>
    %neg3A_132 = arith.subf %neg3A_131, %abs3A_129 : vector<1024xf32>
    %exp3A_133 = math.exp %neg3A_132 : vector<1024xf32>
    %add3A_134 = arith.constant 1.000000e+00 : f32
    %add3A_135 = vector.broadcast %add3A_134 : f32 to vector<1024xf32>
    %add3A_136 = arith.addf %add3A_135, %exp3A_133 : vector<1024xf32>
    %log3A_137 = math.log %add3A_136 : vector<1024xf32>
    %add3A_138 = arith.addf %max3A_128, %log3A_137 : vector<1024xf32>
    %add3A_139 = arith.addf %add3A_121, %add3A_138 : vector<1024xf32>
    %get3A_140 = arith.constant 8 : index
    %get3A_141 = arith.constant 0 : index
    %get3A_142 = vector.load %arg1[%get3A_140, %get3A_141] : memref<16x1024xf32, #tpu.memory_space<vmem>>, vector<1x1024xf32>
    %get3A_143 = vector.shape_cast %get3A_142 : vector<1x1024xf32> to vector<1024xf32>
    %max3A_144 = arith.constant 0.000000e+00 : f32
    %max3A_145 = vector.broadcast %max3A_144 : f32 to vector<1024xf32>
    %max3A_146 = arith.maximumf %get3A_143, %max3A_145 : vector<1024xf32>
    %abs3A_147 = math.absf %get3A_143 : vector<1024xf32>
    %neg3A_148 = arith.constant 0.000000e+00 : f32
    %neg3A_149 = vector.broadcast %neg3A_148 : f32 to vector<1024xf32>
    %neg3A_150 = arith.subf %neg3A_149, %abs3A_147 : vector<1024xf32>
    %exp3A_151 = math.exp %neg3A_150 : vector<1024xf32>
    %add3A_152 = arith.constant 1.000000e+00 : f32
    %add3A_153 = vector.broadcast %add3A_152 : f32 to vector<1024xf32>
    %add3A_154 = arith.addf %add3A_153, %exp3A_151 : vector<1024xf32>
    %log3A_155 = math.log %add3A_154 : vector<1024xf32>
    %add3A_156 = arith.addf %max3A_146, %log3A_155 : vector<1024xf32>
    %add3A_157 = arith.addf %add3A_139, %add3A_156 : vector<1024xf32>
    %get3A_158 = arith.constant 9 : index
    %get3A_159 = arith.constant 0 : index
    %get3A_160 = vector.load %arg1[%get3A_158, %get3A_159] : memref<16x1024xf32, #tpu.memory_space<vmem>>, vector<1x1024xf32>
    %get3A_161 = vector.shape_cast %get3A_160 : vector<1x1024xf32> to vector<1024xf32>
    %max3A_162 = arith.constant 0.000000e+00 : f32
    %max3A_163 = vector.broadcast %max3A_162 : f32 to vector<1024xf32>
    %max3A_164 = arith.maximumf %get3A_161, %max3A_163 : vector<1024xf32>
    %abs3A_165 = math.absf %get3A_161 : vector<1024xf32>
    %neg3A_166 = arith.constant 0.000000e+00 : f32
    %neg3A_167 = vector.broadcast %neg3A_166 : f32 to vector<1024xf32>
    %neg3A_168 = arith.subf %neg3A_167, %abs3A_165 : vector<1024xf32>
    %exp3A_169 = math.exp %neg3A_168 : vector<1024xf32>
    %add3A_170 = arith.constant 1.000000e+00 : f32
    %add3A_171 = vector.broadcast %add3A_170 : f32 to vector<1024xf32>
    %add3A_172 = arith.addf %add3A_171, %exp3A_169 : vector<1024xf32>
    %log3A_173 = math.log %add3A_172 : vector<1024xf32>
    %add3A_174 = arith.addf %max3A_164, %log3A_173 : vector<1024xf32>
    %add3A_175 = arith.addf %add3A_157, %add3A_174 : vector<1024xf32>
    %get3A_176 = arith.constant 10 : index
    %get3A_177 = arith.constant 0 : index
    %get3A_178 = vector.load %arg1[%get3A_176, %get3A_177] : memref<16x1024xf32, #tpu.memory_space<vmem>>, vector<1x1024xf32>
    %get3A_179 = vector.shape_cast %get3A_178 : vector<1x1024xf32> to vector<1024xf32>
    %max3A_180 = arith.constant 0.000000e+00 : f32
    %max3A_181 = vector.broadcast %max3A_180 : f32 to vector<1024xf32>
    %max3A_182 = arith.maximumf %get3A_179, %max3A_181 : vector<1024xf32>
    %abs3A_183 = math.absf %get3A_179 : vector<1024xf32>
    %neg3A_184 = arith.constant 0.000000e+00 : f32
    %neg3A_185 = vector.broadcast %neg3A_184 : f32 to vector<1024xf32>
    %neg3A_186 = arith.subf %neg3A_185, %abs3A_183 : vector<1024xf32>
    %exp3A_187 = math.exp %neg3A_186 : vector<1024xf32>
    %add3A_188 = arith.constant 1.000000e+00 : f32
    %add3A_189 = vector.broadcast %add3A_188 : f32 to vector<1024xf32>
    %add3A_190 = arith.addf %add3A_189, %exp3A_187 : vector<1024xf32>
    %log3A_191 = math.log %add3A_190 : vector<1024xf32>
    %add3A_192 = arith.addf %max3A_182, %log3A_191 : vector<1024xf32>
    %add3A_193 = arith.addf %add3A_175, %add3A_192 : vector<1024xf32>
    %get3A_194 = arith.constant 11 : index
    %get3A_195 = arith.constant 0 : index
    %get3A_196 = vector.load %arg1[%get3A_194, %get3A_195] : memref<16x1024xf32, #tpu.memory_space<vmem>>, vector<1x1024xf32>
    %get3A_197 = vector.shape_cast %get3A_196 : vector<1x1024xf32> to vector<1024xf32>
    %max3A_198 = arith.constant 0.000000e+00 : f32
    %max3A_199 = vector.broadcast %max3A_198 : f32 to vector<1024xf32>
    %max3A_200 = arith.maximumf %get3A_197, %max3A_199 : vector<1024xf32>
    %abs3A_201 = math.absf %get3A_197 : vector<1024xf32>
    %neg3A_202 = arith.constant 0.000000e+00 : f32
    %neg3A_203 = vector.broadcast %neg3A_202 : f32 to vector<1024xf32>
    %neg3A_204 = arith.subf %neg3A_203, %abs3A_201 : vector<1024xf32>
    %exp3A_205 = math.exp %neg3A_204 : vector<1024xf32>
    %add3A_206 = arith.constant 1.000000e+00 : f32
    %add3A_207 = vector.broadcast %add3A_206 : f32 to vector<1024xf32>
    %add3A_208 = arith.addf %add3A_207, %exp3A_205 : vector<1024xf32>
    %log3A_209 = math.log %add3A_208 : vector<1024xf32>
    %add3A_210 = arith.addf %max3A_200, %log3A_209 : vector<1024xf32>
    %add3A_211 = arith.addf %add3A_193, %add3A_210 : vector<1024xf32>
    %get3A_212 = arith.constant 12 : index
    %get3A_213 = arith.constant 0 : index
    %get3A_214 = vector.load %arg1[%get3A_212, %get3A_213] : memref<16x1024xf32, #tpu.memory_space<vmem>>, vector<1x1024xf32>
    %get3A_215 = vector.shape_cast %get3A_214 : vector<1x1024xf32> to vector<1024xf32>
    %max3A_216 = arith.constant 0.000000e+00 : f32
    %max3A_217 = vector.broadcast %max3A_216 : f32 to vector<1024xf32>
    %max3A_218 = arith.maximumf %get3A_215, %max3A_217 : vector<1024xf32>
    %abs3A_219 = math.absf %get3A_215 : vector<1024xf32>
    %neg3A_220 = arith.constant 0.000000e+00 : f32
    %neg3A_221 = vector.broadcast %neg3A_220 : f32 to vector<1024xf32>
    %neg3A_222 = arith.subf %neg3A_221, %abs3A_219 : vector<1024xf32>
    %exp3A_223 = math.exp %neg3A_222 : vector<1024xf32>
    %add3A_224 = arith.constant 1.000000e+00 : f32
    %add3A_225 = vector.broadcast %add3A_224 : f32 to vector<1024xf32>
    %add3A_226 = arith.addf %add3A_225, %exp3A_223 : vector<1024xf32>
    %log3A_227 = math.log %add3A_226 : vector<1024xf32>
    %add3A_228 = arith.addf %max3A_218, %log3A_227 : vector<1024xf32>
    %add3A_229 = arith.addf %add3A_211, %add3A_228 : vector<1024xf32>
    %get3A_230 = arith.constant 13 : index
    %get3A_231 = arith.constant 0 : index
    %get3A_232 = vector.load %arg1[%get3A_230, %get3A_231] : memref<16x1024xf32, #tpu.memory_space<vmem>>, vector<1x1024xf32>
    %get3A_233 = vector.shape_cast %get3A_232 : vector<1x1024xf32> to vector<1024xf32>
    %max3A_234 = arith.constant 0.000000e+00 : f32
    %max3A_235 = vector.broadcast %max3A_234 : f32 to vector<1024xf32>
    %max3A_236 = arith.maximumf %get3A_233, %max3A_235 : vector<1024xf32>
    %abs3A_237 = math.absf %get3A_233 : vector<1024xf32>
    %neg3A_238 = arith.constant 0.000000e+00 : f32
    %neg3A_239 = vector.broadcast %neg3A_238 : f32 to vector<1024xf32>
    %neg3A_240 = arith.subf %neg3A_239, %abs3A_237 : vector<1024xf32>
    %exp3A_241 = math.exp %neg3A_240 : vector<1024xf32>
    %add3A_242 = arith.constant 1.000000e+00 : f32
    %add3A_243 = vector.broadcast %add3A_242 : f32 to vector<1024xf32>
    %add3A_244 = arith.addf %add3A_243, %exp3A_241 : vector<1024xf32>
    %log3A_245 = math.log %add3A_244 : vector<1024xf32>
    %add3A_246 = arith.addf %max3A_236, %log3A_245 : vector<1024xf32>
    %add3A_247 = arith.addf %add3A_229, %add3A_246 : vector<1024xf32>
    %get3A_248 = arith.constant 14 : index
    %get3A_249 = arith.constant 0 : index
    %get3A_250 = vector.load %arg1[%get3A_248, %get3A_249] : memref<16x1024xf32, #tpu.memory_space<vmem>>, vector<1x1024xf32>
    %get3A_251 = vector.shape_cast %get3A_250 : vector<1x1024xf32> to vector<1024xf32>
    %max3A_252 = arith.constant 0.000000e+00 : f32
    %max3A_253 = vector.broadcast %max3A_252 : f32 to vector<1024xf32>
    %max3A_254 = arith.maximumf %get3A_251, %max3A_253 : vector<1024xf32>
    %abs3A_255 = math.absf %get3A_251 : vector<1024xf32>
    %neg3A_256 = arith.constant 0.000000e+00 : f32
    %neg3A_257 = vector.broadcast %neg3A_256 : f32 to vector<1024xf32>
    %neg3A_258 = arith.subf %neg3A_257, %abs3A_255 : vector<1024xf32>
    %exp3A_259 = math.exp %neg3A_258 : vector<1024xf32>
    %add3A_260 = arith.constant 1.000000e+00 : f32
    %add3A_261 = vector.broadcast %add3A_260 : f32 to vector<1024xf32>
    %add3A_262 = arith.addf %add3A_261, %exp3A_259 : vector<1024xf32>
    %log3A_263 = math.log %add3A_262 : vector<1024xf32>
    %add3A_264 = arith.addf %max3A_254, %log3A_263 : vector<1024xf32>
    %add3A_265 = arith.addf %add3A_247, %add3A_264 : vector<1024xf32>
    %get3A_266 = arith.constant 15 : index
    %get3A_267 = arith.constant 0 : index
    %get3A_268 = vector.load %arg1[%get3A_266, %get3A_267] : memref<16x1024xf32, #tpu.memory_space<vmem>>, vector<1x1024xf32>
    %get3A_269 = vector.shape_cast %get3A_268 : vector<1x1024xf32> to vector<1024xf32>
    %max3A_270 = arith.constant 0.000000e+00 : f32
    %max3A_271 = vector.broadcast %max3A_270 : f32 to vector<1024xf32>
    %max3A_272 = arith.maximumf %get3A_269, %max3A_271 : vector<1024xf32>
    %abs3A_273 = math.absf %get3A_269 : vector<1024xf32>
    %neg3A_274 = arith.constant 0.000000e+00 : f32
    %neg3A_275 = vector.broadcast %neg3A_274 : f32 to vector<1024xf32>
    %neg3A_276 = arith.subf %neg3A_275, %abs3A_273 : vector<1024xf32>
    %exp3A_277 = math.exp %neg3A_276 : vector<1024xf32>
    %add3A_278 = arith.constant 1.000000e+00 : f32
    %add3A_279 = vector.broadcast %add3A_278 : f32 to vector<1024xf32>
    %add3A_280 = arith.addf %add3A_279, %exp3A_277 : vector<1024xf32>
    %log3A_281 = math.log %add3A_280 : vector<1024xf32>
    %add3A_282 = arith.addf %max3A_272, %log3A_281 : vector<1024xf32>
    %add3A_283 = arith.addf %add3A_265, %add3A_282 : vector<1024xf32>
    %sub3A = arith.constant 0.000000e+00 : f32
    %sub3A_284 = vector.broadcast %sub3A : f32 to vector<1024xf32>
    %sub3A_285 = arith.subf %get3A_2, %sub3A_284 : vector<1024xf32>
    %add3A_286 = arith.addf %get3A_2, %add3A_13 : vector<1024xf32>
    %sub3A_287 = arith.constant 0.000000e+00 : f32
    %sub3A_288 = vector.broadcast %sub3A_287 : f32 to vector<1024xf32>
    %sub3A_289 = arith.subf %add3A_286, %sub3A_288 : vector<1024xf32>
    %add3A_290 = arith.addf %get3A_2, %add3A_31 : vector<1024xf32>
    %sub3A_291 = arith.constant 0.000000e+00 : f32
    %sub3A_292 = vector.broadcast %sub3A_291 : f32 to vector<1024xf32>
    %sub3A_293 = arith.subf %add3A_290, %sub3A_292 : vector<1024xf32>
    %add3A_294 = arith.addf %get3A_2, %add3A_49 : vector<1024xf32>
    %sub3A_295 = arith.constant 0.000000e+00 : f32
    %sub3A_296 = vector.broadcast %sub3A_295 : f32 to vector<1024xf32>
    %sub3A_297 = arith.subf %add3A_294, %sub3A_296 : vector<1024xf32>
    %add3A_298 = arith.addf %get3A_2, %add3A_67 : vector<1024xf32>
    %sub3A_299 = arith.constant 0.000000e+00 : f32
    %sub3A_300 = vector.broadcast %sub3A_299 : f32 to vector<1024xf32>
    %sub3A_301 = arith.subf %add3A_298, %sub3A_300 : vector<1024xf32>
    %add3A_302 = arith.addf %get3A_2, %add3A_85 : vector<1024xf32>
    %sub3A_303 = arith.constant 0.000000e+00 : f32
    %sub3A_304 = vector.broadcast %sub3A_303 : f32 to vector<1024xf32>
    %sub3A_305 = arith.subf %add3A_302, %sub3A_304 : vector<1024xf32>
    %add3A_306 = arith.addf %get3A_2, %add3A_103 : vector<1024xf32>
    %sub3A_307 = arith.constant 0.000000e+00 : f32
    %sub3A_308 = vector.broadcast %sub3A_307 : f32 to vector<1024xf32>
    %sub3A_309 = arith.subf %add3A_306, %sub3A_308 : vector<1024xf32>
    %add3A_310 = arith.addf %get3A_2, %add3A_121 : vector<1024xf32>
    %sub3A_311 = arith.constant 0.000000e+00 : f32
    %sub3A_312 = vector.broadcast %sub3A_311 : f32 to vector<1024xf32>
    %sub3A_313 = arith.subf %add3A_310, %sub3A_312 : vector<1024xf32>
    %add3A_314 = arith.addf %get3A_2, %add3A_139 : vector<1024xf32>
    %sub3A_315 = arith.constant 0.000000e+00 : f32
    %sub3A_316 = vector.broadcast %sub3A_315 : f32 to vector<1024xf32>
    %sub3A_317 = arith.subf %add3A_314, %sub3A_316 : vector<1024xf32>
    %add3A_318 = arith.addf %get3A_2, %add3A_157 : vector<1024xf32>
    %sub3A_319 = arith.constant 0.000000e+00 : f32
    %sub3A_320 = vector.broadcast %sub3A_319 : f32 to vector<1024xf32>
    %sub3A_321 = arith.subf %add3A_318, %sub3A_320 : vector<1024xf32>
    %add3A_322 = arith.addf %get3A_2, %add3A_175 : vector<1024xf32>
    %sub3A_323 = arith.constant 0.000000e+00 : f32
    %sub3A_324 = vector.broadcast %sub3A_323 : f32 to vector<1024xf32>
    %sub3A_325 = arith.subf %add3A_322, %sub3A_324 : vector<1024xf32>
    %add3A_326 = arith.addf %get3A_2, %add3A_193 : vector<1024xf32>
    %sub3A_327 = arith.constant 0.000000e+00 : f32
    %sub3A_328 = vector.broadcast %sub3A_327 : f32 to vector<1024xf32>
    %sub3A_329 = arith.subf %add3A_326, %sub3A_328 : vector<1024xf32>
    %add3A_330 = arith.addf %get3A_2, %add3A_211 : vector<1024xf32>
    %sub3A_331 = arith.constant 0.000000e+00 : f32
    %sub3A_332 = vector.broadcast %sub3A_331 : f32 to vector<1024xf32>
    %sub3A_333 = arith.subf %add3A_330, %sub3A_332 : vector<1024xf32>
    %add3A_334 = arith.addf %get3A_2, %add3A_229 : vector<1024xf32>
    %sub3A_335 = arith.constant 0.000000e+00 : f32
    %sub3A_336 = vector.broadcast %sub3A_335 : f32 to vector<1024xf32>
    %sub3A_337 = arith.subf %add3A_334, %sub3A_336 : vector<1024xf32>
    %add3A_338 = arith.addf %get3A_2, %add3A_247 : vector<1024xf32>
    %sub3A_339 = arith.constant 0.000000e+00 : f32
    %sub3A_340 = vector.broadcast %sub3A_339 : f32 to vector<1024xf32>
    %sub3A_341 = arith.subf %add3A_338, %sub3A_340 : vector<1024xf32>
    %add3A_342 = arith.addf %get3A_2, %add3A_265 : vector<1024xf32>
    %sub3A_343 = arith.constant 0.000000e+00 : f32
    %sub3A_344 = vector.broadcast %sub3A_343 : f32 to vector<1024xf32>
    %sub3A_345 = arith.subf %add3A_342, %sub3A_344 : vector<1024xf32>
    %add3A_346 = arith.addf %get3A_2, %add3A_283 : vector<1024xf32>
    %sub3A_347 = arith.constant 0.000000e+00 : f32
    %sub3A_348 = vector.broadcast %sub3A_347 : f32 to vector<1024xf32>
    %sub3A_349 = arith.subf %add3A_346, %sub3A_348 : vector<1024xf32>
    %sub3A_350 = arith.subf %sub3A_349, %sub3A_285 : vector<1024xf32>
    %div3A = arith.constant 1.000000e+00 : f32
    %div3A_351 = vector.broadcast %div3A : f32 to vector<1024xf32>
    %div3A_352 = arith.divf %div3A_351, %sub3A_350 : vector<1024xf32>
    %mul3A = arith.mulf %sub3A_285, %div3A_352 : vector<1024xf32>
    %add3A_353 = arith.constant 0.000000e+00 : f32
    %add3A_354 = vector.broadcast %add3A_353 : f32 to vector<1024xf32>
    %add3A_355 = arith.addf %mul3A, %add3A_354 : vector<1024xf32>
    %mul3A_356 = arith.mulf %sub3A_289, %div3A_352 : vector<1024xf32>
    %add3A_357 = arith.constant 0.000000e+00 : f32
    %add3A_358 = vector.broadcast %add3A_357 : f32 to vector<1024xf32>
    %add3A_359 = arith.addf %mul3A_356, %add3A_358 : vector<1024xf32>
    %mul3A_360 = arith.mulf %sub3A_293, %div3A_352 : vector<1024xf32>
    %add3A_361 = arith.constant 0.000000e+00 : f32
    %add3A_362 = vector.broadcast %add3A_361 : f32 to vector<1024xf32>
    %add3A_363 = arith.addf %mul3A_360, %add3A_362 : vector<1024xf32>
    %mul3A_364 = arith.mulf %sub3A_297, %div3A_352 : vector<1024xf32>
    %add3A_365 = arith.constant 0.000000e+00 : f32
    %add3A_366 = vector.broadcast %add3A_365 : f32 to vector<1024xf32>
    %add3A_367 = arith.addf %mul3A_364, %add3A_366 : vector<1024xf32>
    %mul3A_368 = arith.mulf %sub3A_301, %div3A_352 : vector<1024xf32>
    %add3A_369 = arith.constant 0.000000e+00 : f32
    %add3A_370 = vector.broadcast %add3A_369 : f32 to vector<1024xf32>
    %add3A_371 = arith.addf %mul3A_368, %add3A_370 : vector<1024xf32>
    %mul3A_372 = arith.mulf %sub3A_305, %div3A_352 : vector<1024xf32>
    %add3A_373 = arith.constant 0.000000e+00 : f32
    %add3A_374 = vector.broadcast %add3A_373 : f32 to vector<1024xf32>
    %add3A_375 = arith.addf %mul3A_372, %add3A_374 : vector<1024xf32>
    %mul3A_376 = arith.mulf %sub3A_309, %div3A_352 : vector<1024xf32>
    %add3A_377 = arith.constant 0.000000e+00 : f32
    %add3A_378 = vector.broadcast %add3A_377 : f32 to vector<1024xf32>
    %add3A_379 = arith.addf %mul3A_376, %add3A_378 : vector<1024xf32>
    %mul3A_380 = arith.mulf %sub3A_313, %div3A_352 : vector<1024xf32>
    %add3A_381 = arith.constant 0.000000e+00 : f32
    %add3A_382 = vector.broadcast %add3A_381 : f32 to vector<1024xf32>
    %add3A_383 = arith.addf %mul3A_380, %add3A_382 : vector<1024xf32>
    %mul3A_384 = arith.mulf %sub3A_317, %div3A_352 : vector<1024xf32>
    %add3A_385 = arith.constant 0.000000e+00 : f32
    %add3A_386 = vector.broadcast %add3A_385 : f32 to vector<1024xf32>
    %add3A_387 = arith.addf %mul3A_384, %add3A_386 : vector<1024xf32>
    %mul3A_388 = arith.mulf %sub3A_321, %div3A_352 : vector<1024xf32>
    %add3A_389 = arith.constant 0.000000e+00 : f32
    %add3A_390 = vector.broadcast %add3A_389 : f32 to vector<1024xf32>
    %add3A_391 = arith.addf %mul3A_388, %add3A_390 : vector<1024xf32>
    %mul3A_392 = arith.mulf %sub3A_325, %div3A_352 : vector<1024xf32>
    %add3A_393 = arith.constant 0.000000e+00 : f32
    %add3A_394 = vector.broadcast %add3A_393 : f32 to vector<1024xf32>
    %add3A_395 = arith.addf %mul3A_392, %add3A_394 : vector<1024xf32>
    %mul3A_396 = arith.mulf %sub3A_329, %div3A_352 : vector<1024xf32>
    %add3A_397 = arith.constant 0.000000e+00 : f32
    %add3A_398 = vector.broadcast %add3A_397 : f32 to vector<1024xf32>
    %add3A_399 = arith.addf %mul3A_396, %add3A_398 : vector<1024xf32>
    %mul3A_400 = arith.mulf %sub3A_333, %div3A_352 : vector<1024xf32>
    %add3A_401 = arith.constant 0.000000e+00 : f32
    %add3A_402 = vector.broadcast %add3A_401 : f32 to vector<1024xf32>
    %add3A_403 = arith.addf %mul3A_400, %add3A_402 : vector<1024xf32>
    %mul3A_404 = arith.mulf %sub3A_337, %div3A_352 : vector<1024xf32>
    %add3A_405 = arith.constant 0.000000e+00 : f32
    %add3A_406 = vector.broadcast %add3A_405 : f32 to vector<1024xf32>
    %add3A_407 = arith.addf %mul3A_404, %add3A_406 : vector<1024xf32>
    %mul3A_408 = arith.mulf %sub3A_341, %div3A_352 : vector<1024xf32>
    %add3A_409 = arith.constant 0.000000e+00 : f32
    %add3A_410 = vector.broadcast %add3A_409 : f32 to vector<1024xf32>
    %add3A_411 = arith.addf %mul3A_408, %add3A_410 : vector<1024xf32>
    %mul3A_412 = arith.mulf %sub3A_345, %div3A_352 : vector<1024xf32>
    %add3A_413 = arith.constant 0.000000e+00 : f32
    %add3A_414 = vector.broadcast %add3A_413 : f32 to vector<1024xf32>
    %add3A_415 = arith.addf %mul3A_412, %add3A_414 : vector<1024xf32>
    %mul3A_416 = arith.mulf %sub3A_349, %div3A_352 : vector<1024xf32>
    %add3A_417 = arith.constant 0.000000e+00 : f32
    %add3A_418 = vector.broadcast %add3A_417 : f32 to vector<1024xf32>
    %add3A_419 = arith.addf %mul3A_416, %add3A_418 : vector<1024xf32>
    %get3A_420 = arith.constant 0 : index
    %get3A_421 = arith.constant 0 : index
    %get3A_422 = vector.load %arg2[%get3A_420, %get3A_421] : memref<1x1024xf32, #tpu.memory_space<vmem>>, vector<1x1024xf32>
    %get3A_423 = vector.shape_cast %get3A_422 : vector<1x1024xf32> to vector<1024xf32>
    %get3A_424 = arith.constant 0 : index
    %get3A_425 = arith.constant 0 : index
    %get3A_426 = vector.load %arg3[%get3A_424, %get3A_425] : memref<16x1024xf32, #tpu.memory_space<vmem>>, vector<1x1024xf32>
    %get3A_427 = vector.shape_cast %get3A_426 : vector<1x1024xf32> to vector<1024xf32>
    %max3A_428 = arith.constant 0.000000e+00 : f32
    %max3A_429 = vector.broadcast %max3A_428 : f32 to vector<1024xf32>
    %max3A_430 = arith.maximumf %get3A_427, %max3A_429 : vector<1024xf32>
    %abs3A_431 = math.absf %get3A_427 : vector<1024xf32>
    %neg3A_432 = arith.constant 0.000000e+00 : f32
    %neg3A_433 = vector.broadcast %neg3A_432 : f32 to vector<1024xf32>
    %neg3A_434 = arith.subf %neg3A_433, %abs3A_431 : vector<1024xf32>
    %exp3A_435 = math.exp %neg3A_434 : vector<1024xf32>
    %add3A_436 = arith.constant 1.000000e+00 : f32
    %add3A_437 = vector.broadcast %add3A_436 : f32 to vector<1024xf32>
    %add3A_438 = arith.addf %add3A_437, %exp3A_435 : vector<1024xf32>
    %log3A_439 = math.log %add3A_438 : vector<1024xf32>
    %add3A_440 = arith.addf %max3A_430, %log3A_439 : vector<1024xf32>
    %get3A_441 = arith.constant 1 : index
    %get3A_442 = arith.constant 0 : index
    %get3A_443 = vector.load %arg3[%get3A_441, %get3A_442] : memref<16x1024xf32, #tpu.memory_space<vmem>>, vector<1x1024xf32>
    %get3A_444 = vector.shape_cast %get3A_443 : vector<1x1024xf32> to vector<1024xf32>
    %max3A_445 = arith.constant 0.000000e+00 : f32
    %max3A_446 = vector.broadcast %max3A_445 : f32 to vector<1024xf32>
    %max3A_447 = arith.maximumf %get3A_444, %max3A_446 : vector<1024xf32>
    %abs3A_448 = math.absf %get3A_444 : vector<1024xf32>
    %neg3A_449 = arith.constant 0.000000e+00 : f32
    %neg3A_450 = vector.broadcast %neg3A_449 : f32 to vector<1024xf32>
    %neg3A_451 = arith.subf %neg3A_450, %abs3A_448 : vector<1024xf32>
    %exp3A_452 = math.exp %neg3A_451 : vector<1024xf32>
    %add3A_453 = arith.constant 1.000000e+00 : f32
    %add3A_454 = vector.broadcast %add3A_453 : f32 to vector<1024xf32>
    %add3A_455 = arith.addf %add3A_454, %exp3A_452 : vector<1024xf32>
    %log3A_456 = math.log %add3A_455 : vector<1024xf32>
    %add3A_457 = arith.addf %max3A_447, %log3A_456 : vector<1024xf32>
    %add3A_458 = arith.addf %add3A_440, %add3A_457 : vector<1024xf32>
    %get3A_459 = arith.constant 2 : index
    %get3A_460 = arith.constant 0 : index
    %get3A_461 = vector.load %arg3[%get3A_459, %get3A_460] : memref<16x1024xf32, #tpu.memory_space<vmem>>, vector<1x1024xf32>
    %get3A_462 = vector.shape_cast %get3A_461 : vector<1x1024xf32> to vector<1024xf32>
    %max3A_463 = arith.constant 0.000000e+00 : f32
    %max3A_464 = vector.broadcast %max3A_463 : f32 to vector<1024xf32>
    %max3A_465 = arith.maximumf %get3A_462, %max3A_464 : vector<1024xf32>
    %abs3A_466 = math.absf %get3A_462 : vector<1024xf32>
    %neg3A_467 = arith.constant 0.000000e+00 : f32
    %neg3A_468 = vector.broadcast %neg3A_467 : f32 to vector<1024xf32>
    %neg3A_469 = arith.subf %neg3A_468, %abs3A_466 : vector<1024xf32>
    %exp3A_470 = math.exp %neg3A_469 : vector<1024xf32>
    %add3A_471 = arith.constant 1.000000e+00 : f32
    %add3A_472 = vector.broadcast %add3A_471 : f32 to vector<1024xf32>
    %add3A_473 = arith.addf %add3A_472, %exp3A_470 : vector<1024xf32>
    %log3A_474 = math.log %add3A_473 : vector<1024xf32>
    %add3A_475 = arith.addf %max3A_465, %log3A_474 : vector<1024xf32>
    %add3A_476 = arith.addf %add3A_458, %add3A_475 : vector<1024xf32>
    %get3A_477 = arith.constant 3 : index
    %get3A_478 = arith.constant 0 : index
    %get3A_479 = vector.load %arg3[%get3A_477, %get3A_478] : memref<16x1024xf32, #tpu.memory_space<vmem>>, vector<1x1024xf32>
    %get3A_480 = vector.shape_cast %get3A_479 : vector<1x1024xf32> to vector<1024xf32>
    %max3A_481 = arith.constant 0.000000e+00 : f32
    %max3A_482 = vector.broadcast %max3A_481 : f32 to vector<1024xf32>
    %max3A_483 = arith.maximumf %get3A_480, %max3A_482 : vector<1024xf32>
    %abs3A_484 = math.absf %get3A_480 : vector<1024xf32>
    %neg3A_485 = arith.constant 0.000000e+00 : f32
    %neg3A_486 = vector.broadcast %neg3A_485 : f32 to vector<1024xf32>
    %neg3A_487 = arith.subf %neg3A_486, %abs3A_484 : vector<1024xf32>
    %exp3A_488 = math.exp %neg3A_487 : vector<1024xf32>
    %add3A_489 = arith.constant 1.000000e+00 : f32
    %add3A_490 = vector.broadcast %add3A_489 : f32 to vector<1024xf32>
    %add3A_491 = arith.addf %add3A_490, %exp3A_488 : vector<1024xf32>
    %log3A_492 = math.log %add3A_491 : vector<1024xf32>
    %add3A_493 = arith.addf %max3A_483, %log3A_492 : vector<1024xf32>
    %add3A_494 = arith.addf %add3A_476, %add3A_493 : vector<1024xf32>
    %get3A_495 = arith.constant 4 : index
    %get3A_496 = arith.constant 0 : index
    %get3A_497 = vector.load %arg3[%get3A_495, %get3A_496] : memref<16x1024xf32, #tpu.memory_space<vmem>>, vector<1x1024xf32>
    %get3A_498 = vector.shape_cast %get3A_497 : vector<1x1024xf32> to vector<1024xf32>
    %max3A_499 = arith.constant 0.000000e+00 : f32
    %max3A_500 = vector.broadcast %max3A_499 : f32 to vector<1024xf32>
    %max3A_501 = arith.maximumf %get3A_498, %max3A_500 : vector<1024xf32>
    %abs3A_502 = math.absf %get3A_498 : vector<1024xf32>
    %neg3A_503 = arith.constant 0.000000e+00 : f32
    %neg3A_504 = vector.broadcast %neg3A_503 : f32 to vector<1024xf32>
    %neg3A_505 = arith.subf %neg3A_504, %abs3A_502 : vector<1024xf32>
    %exp3A_506 = math.exp %neg3A_505 : vector<1024xf32>
    %add3A_507 = arith.constant 1.000000e+00 : f32
    %add3A_508 = vector.broadcast %add3A_507 : f32 to vector<1024xf32>
    %add3A_509 = arith.addf %add3A_508, %exp3A_506 : vector<1024xf32>
    %log3A_510 = math.log %add3A_509 : vector<1024xf32>
    %add3A_511 = arith.addf %max3A_501, %log3A_510 : vector<1024xf32>
    %add3A_512 = arith.addf %add3A_494, %add3A_511 : vector<1024xf32>
    %get3A_513 = arith.constant 5 : index
    %get3A_514 = arith.constant 0 : index
    %get3A_515 = vector.load %arg3[%get3A_513, %get3A_514] : memref<16x1024xf32, #tpu.memory_space<vmem>>, vector<1x1024xf32>
    %get3A_516 = vector.shape_cast %get3A_515 : vector<1x1024xf32> to vector<1024xf32>
    %max3A_517 = arith.constant 0.000000e+00 : f32
    %max3A_518 = vector.broadcast %max3A_517 : f32 to vector<1024xf32>
    %max3A_519 = arith.maximumf %get3A_516, %max3A_518 : vector<1024xf32>
    %abs3A_520 = math.absf %get3A_516 : vector<1024xf32>
    %neg3A_521 = arith.constant 0.000000e+00 : f32
    %neg3A_522 = vector.broadcast %neg3A_521 : f32 to vector<1024xf32>
    %neg3A_523 = arith.subf %neg3A_522, %abs3A_520 : vector<1024xf32>
    %exp3A_524 = math.exp %neg3A_523 : vector<1024xf32>
    %add3A_525 = arith.constant 1.000000e+00 : f32
    %add3A_526 = vector.broadcast %add3A_525 : f32 to vector<1024xf32>
    %add3A_527 = arith.addf %add3A_526, %exp3A_524 : vector<1024xf32>
    %log3A_528 = math.log %add3A_527 : vector<1024xf32>
    %add3A_529 = arith.addf %max3A_519, %log3A_528 : vector<1024xf32>
    %add3A_530 = arith.addf %add3A_512, %add3A_529 : vector<1024xf32>
    %get3A_531 = arith.constant 6 : index
    %get3A_532 = arith.constant 0 : index
    %get3A_533 = vector.load %arg3[%get3A_531, %get3A_532] : memref<16x1024xf32, #tpu.memory_space<vmem>>, vector<1x1024xf32>
    %get3A_534 = vector.shape_cast %get3A_533 : vector<1x1024xf32> to vector<1024xf32>
    %max3A_535 = arith.constant 0.000000e+00 : f32
    %max3A_536 = vector.broadcast %max3A_535 : f32 to vector<1024xf32>
    %max3A_537 = arith.maximumf %get3A_534, %max3A_536 : vector<1024xf32>
    %abs3A_538 = math.absf %get3A_534 : vector<1024xf32>
    %neg3A_539 = arith.constant 0.000000e+00 : f32
    %neg3A_540 = vector.broadcast %neg3A_539 : f32 to vector<1024xf32>
    %neg3A_541 = arith.subf %neg3A_540, %abs3A_538 : vector<1024xf32>
    %exp3A_542 = math.exp %neg3A_541 : vector<1024xf32>
    %add3A_543 = arith.constant 1.000000e+00 : f32
    %add3A_544 = vector.broadcast %add3A_543 : f32 to vector<1024xf32>
    %add3A_545 = arith.addf %add3A_544, %exp3A_542 : vector<1024xf32>
    %log3A_546 = math.log %add3A_545 : vector<1024xf32>
    %add3A_547 = arith.addf %max3A_537, %log3A_546 : vector<1024xf32>
    %add3A_548 = arith.addf %add3A_530, %add3A_547 : vector<1024xf32>
    %get3A_549 = arith.constant 7 : index
    %get3A_550 = arith.constant 0 : index
    %get3A_551 = vector.load %arg3[%get3A_549, %get3A_550] : memref<16x1024xf32, #tpu.memory_space<vmem>>, vector<1x1024xf32>
    %get3A_552 = vector.shape_cast %get3A_551 : vector<1x1024xf32> to vector<1024xf32>
    %max3A_553 = arith.constant 0.000000e+00 : f32
    %max3A_554 = vector.broadcast %max3A_553 : f32 to vector<1024xf32>
    %max3A_555 = arith.maximumf %get3A_552, %max3A_554 : vector<1024xf32>
    %abs3A_556 = math.absf %get3A_552 : vector<1024xf32>
    %neg3A_557 = arith.constant 0.000000e+00 : f32
    %neg3A_558 = vector.broadcast %neg3A_557 : f32 to vector<1024xf32>
    %neg3A_559 = arith.subf %neg3A_558, %abs3A_556 : vector<1024xf32>
    %exp3A_560 = math.exp %neg3A_559 : vector<1024xf32>
    %add3A_561 = arith.constant 1.000000e+00 : f32
    %add3A_562 = vector.broadcast %add3A_561 : f32 to vector<1024xf32>
    %add3A_563 = arith.addf %add3A_562, %exp3A_560 : vector<1024xf32>
    %log3A_564 = math.log %add3A_563 : vector<1024xf32>
    %add3A_565 = arith.addf %max3A_555, %log3A_564 : vector<1024xf32>
    %add3A_566 = arith.addf %add3A_548, %add3A_565 : vector<1024xf32>
    %get3A_567 = arith.constant 8 : index
    %get3A_568 = arith.constant 0 : index
    %get3A_569 = vector.load %arg3[%get3A_567, %get3A_568] : memref<16x1024xf32, #tpu.memory_space<vmem>>, vector<1x1024xf32>
    %get3A_570 = vector.shape_cast %get3A_569 : vector<1x1024xf32> to vector<1024xf32>
    %max3A_571 = arith.constant 0.000000e+00 : f32
    %max3A_572 = vector.broadcast %max3A_571 : f32 to vector<1024xf32>
    %max3A_573 = arith.maximumf %get3A_570, %max3A_572 : vector<1024xf32>
    %abs3A_574 = math.absf %get3A_570 : vector<1024xf32>
    %neg3A_575 = arith.constant 0.000000e+00 : f32
    %neg3A_576 = vector.broadcast %neg3A_575 : f32 to vector<1024xf32>
    %neg3A_577 = arith.subf %neg3A_576, %abs3A_574 : vector<1024xf32>
    %exp3A_578 = math.exp %neg3A_577 : vector<1024xf32>
    %add3A_579 = arith.constant 1.000000e+00 : f32
    %add3A_580 = vector.broadcast %add3A_579 : f32 to vector<1024xf32>
    %add3A_581 = arith.addf %add3A_580, %exp3A_578 : vector<1024xf32>
    %log3A_582 = math.log %add3A_581 : vector<1024xf32>
    %add3A_583 = arith.addf %max3A_573, %log3A_582 : vector<1024xf32>
    %add3A_584 = arith.addf %add3A_566, %add3A_583 : vector<1024xf32>
    %get3A_585 = arith.constant 9 : index
    %get3A_586 = arith.constant 0 : index
    %get3A_587 = vector.load %arg3[%get3A_585, %get3A_586] : memref<16x1024xf32, #tpu.memory_space<vmem>>, vector<1x1024xf32>
    %get3A_588 = vector.shape_cast %get3A_587 : vector<1x1024xf32> to vector<1024xf32>
    %max3A_589 = arith.constant 0.000000e+00 : f32
    %max3A_590 = vector.broadcast %max3A_589 : f32 to vector<1024xf32>
    %max3A_591 = arith.maximumf %get3A_588, %max3A_590 : vector<1024xf32>
    %abs3A_592 = math.absf %get3A_588 : vector<1024xf32>
    %neg3A_593 = arith.constant 0.000000e+00 : f32
    %neg3A_594 = vector.broadcast %neg3A_593 : f32 to vector<1024xf32>
    %neg3A_595 = arith.subf %neg3A_594, %abs3A_592 : vector<1024xf32>
    %exp3A_596 = math.exp %neg3A_595 : vector<1024xf32>
    %add3A_597 = arith.constant 1.000000e+00 : f32
    %add3A_598 = vector.broadcast %add3A_597 : f32 to vector<1024xf32>
    %add3A_599 = arith.addf %add3A_598, %exp3A_596 : vector<1024xf32>
    %log3A_600 = math.log %add3A_599 : vector<1024xf32>
    %add3A_601 = arith.addf %max3A_591, %log3A_600 : vector<1024xf32>
    %add3A_602 = arith.addf %add3A_584, %add3A_601 : vector<1024xf32>
    %get3A_603 = arith.constant 10 : index
    %get3A_604 = arith.constant 0 : index
    %get3A_605 = vector.load %arg3[%get3A_603, %get3A_604] : memref<16x1024xf32, #tpu.memory_space<vmem>>, vector<1x1024xf32>
    %get3A_606 = vector.shape_cast %get3A_605 : vector<1x1024xf32> to vector<1024xf32>
    %max3A_607 = arith.constant 0.000000e+00 : f32
    %max3A_608 = vector.broadcast %max3A_607 : f32 to vector<1024xf32>
    %max3A_609 = arith.maximumf %get3A_606, %max3A_608 : vector<1024xf32>
    %abs3A_610 = math.absf %get3A_606 : vector<1024xf32>
    %neg3A_611 = arith.constant 0.000000e+00 : f32
    %neg3A_612 = vector.broadcast %neg3A_611 : f32 to vector<1024xf32>
    %neg3A_613 = arith.subf %neg3A_612, %abs3A_610 : vector<1024xf32>
    %exp3A_614 = math.exp %neg3A_613 : vector<1024xf32>
    %add3A_615 = arith.constant 1.000000e+00 : f32
    %add3A_616 = vector.broadcast %add3A_615 : f32 to vector<1024xf32>
    %add3A_617 = arith.addf %add3A_616, %exp3A_614 : vector<1024xf32>
    %log3A_618 = math.log %add3A_617 : vector<1024xf32>
    %add3A_619 = arith.addf %max3A_609, %log3A_618 : vector<1024xf32>
    %add3A_620 = arith.addf %add3A_602, %add3A_619 : vector<1024xf32>
    %get3A_621 = arith.constant 11 : index
    %get3A_622 = arith.constant 0 : index
    %get3A_623 = vector.load %arg3[%get3A_621, %get3A_622] : memref<16x1024xf32, #tpu.memory_space<vmem>>, vector<1x1024xf32>
    %get3A_624 = vector.shape_cast %get3A_623 : vector<1x1024xf32> to vector<1024xf32>
    %max3A_625 = arith.constant 0.000000e+00 : f32
    %max3A_626 = vector.broadcast %max3A_625 : f32 to vector<1024xf32>
    %max3A_627 = arith.maximumf %get3A_624, %max3A_626 : vector<1024xf32>
    %abs3A_628 = math.absf %get3A_624 : vector<1024xf32>
    %neg3A_629 = arith.constant 0.000000e+00 : f32
    %neg3A_630 = vector.broadcast %neg3A_629 : f32 to vector<1024xf32>
    %neg3A_631 = arith.subf %neg3A_630, %abs3A_628 : vector<1024xf32>
    %exp3A_632 = math.exp %neg3A_631 : vector<1024xf32>
    %add3A_633 = arith.constant 1.000000e+00 : f32
    %add3A_634 = vector.broadcast %add3A_633 : f32 to vector<1024xf32>
    %add3A_635 = arith.addf %add3A_634, %exp3A_632 : vector<1024xf32>
    %log3A_636 = math.log %add3A_635 : vector<1024xf32>
    %add3A_637 = arith.addf %max3A_627, %log3A_636 : vector<1024xf32>
    %add3A_638 = arith.addf %add3A_620, %add3A_637 : vector<1024xf32>
    %get3A_639 = arith.constant 12 : index
    %get3A_640 = arith.constant 0 : index
    %get3A_641 = vector.load %arg3[%get3A_639, %get3A_640] : memref<16x1024xf32, #tpu.memory_space<vmem>>, vector<1x1024xf32>
    %get3A_642 = vector.shape_cast %get3A_641 : vector<1x1024xf32> to vector<1024xf32>
    %max3A_643 = arith.constant 0.000000e+00 : f32
    %max3A_644 = vector.broadcast %max3A_643 : f32 to vector<1024xf32>
    %max3A_645 = arith.maximumf %get3A_642, %max3A_644 : vector<1024xf32>
    %abs3A_646 = math.absf %get3A_642 : vector<1024xf32>
    %neg3A_647 = arith.constant 0.000000e+00 : f32
    %neg3A_648 = vector.broadcast %neg3A_647 : f32 to vector<1024xf32>
    %neg3A_649 = arith.subf %neg3A_648, %abs3A_646 : vector<1024xf32>
    %exp3A_650 = math.exp %neg3A_649 : vector<1024xf32>
    %add3A_651 = arith.constant 1.000000e+00 : f32
    %add3A_652 = vector.broadcast %add3A_651 : f32 to vector<1024xf32>
    %add3A_653 = arith.addf %add3A_652, %exp3A_650 : vector<1024xf32>
    %log3A_654 = math.log %add3A_653 : vector<1024xf32>
    %add3A_655 = arith.addf %max3A_645, %log3A_654 : vector<1024xf32>
    %add3A_656 = arith.addf %add3A_638, %add3A_655 : vector<1024xf32>
    %get3A_657 = arith.constant 13 : index
    %get3A_658 = arith.constant 0 : index
    %get3A_659 = vector.load %arg3[%get3A_657, %get3A_658] : memref<16x1024xf32, #tpu.memory_space<vmem>>, vector<1x1024xf32>
    %get3A_660 = vector.shape_cast %get3A_659 : vector<1x1024xf32> to vector<1024xf32>
    %max3A_661 = arith.constant 0.000000e+00 : f32
    %max3A_662 = vector.broadcast %max3A_661 : f32 to vector<1024xf32>
    %max3A_663 = arith.maximumf %get3A_660, %max3A_662 : vector<1024xf32>
    %abs3A_664 = math.absf %get3A_660 : vector<1024xf32>
    %neg3A_665 = arith.constant 0.000000e+00 : f32
    %neg3A_666 = vector.broadcast %neg3A_665 : f32 to vector<1024xf32>
    %neg3A_667 = arith.subf %neg3A_666, %abs3A_664 : vector<1024xf32>
    %exp3A_668 = math.exp %neg3A_667 : vector<1024xf32>
    %add3A_669 = arith.constant 1.000000e+00 : f32
    %add3A_670 = vector.broadcast %add3A_669 : f32 to vector<1024xf32>
    %add3A_671 = arith.addf %add3A_670, %exp3A_668 : vector<1024xf32>
    %log3A_672 = math.log %add3A_671 : vector<1024xf32>
    %add3A_673 = arith.addf %max3A_663, %log3A_672 : vector<1024xf32>
    %add3A_674 = arith.addf %add3A_656, %add3A_673 : vector<1024xf32>
    %get3A_675 = arith.constant 14 : index
    %get3A_676 = arith.constant 0 : index
    %get3A_677 = vector.load %arg3[%get3A_675, %get3A_676] : memref<16x1024xf32, #tpu.memory_space<vmem>>, vector<1x1024xf32>
    %get3A_678 = vector.shape_cast %get3A_677 : vector<1x1024xf32> to vector<1024xf32>
    %max3A_679 = arith.constant 0.000000e+00 : f32
    %max3A_680 = vector.broadcast %max3A_679 : f32 to vector<1024xf32>
    %max3A_681 = arith.maximumf %get3A_678, %max3A_680 : vector<1024xf32>
    %abs3A_682 = math.absf %get3A_678 : vector<1024xf32>
    %neg3A_683 = arith.constant 0.000000e+00 : f32
    %neg3A_684 = vector.broadcast %neg3A_683 : f32 to vector<1024xf32>
    %neg3A_685 = arith.subf %neg3A_684, %abs3A_682 : vector<1024xf32>
    %exp3A_686 = math.exp %neg3A_685 : vector<1024xf32>
    %add3A_687 = arith.constant 1.000000e+00 : f32
    %add3A_688 = vector.broadcast %add3A_687 : f32 to vector<1024xf32>
    %add3A_689 = arith.addf %add3A_688, %exp3A_686 : vector<1024xf32>
    %log3A_690 = math.log %add3A_689 : vector<1024xf32>
    %add3A_691 = arith.addf %max3A_681, %log3A_690 : vector<1024xf32>
    %add3A_692 = arith.addf %add3A_674, %add3A_691 : vector<1024xf32>
    %get3A_693 = arith.constant 15 : index
    %get3A_694 = arith.constant 0 : index
    %get3A_695 = vector.load %arg3[%get3A_693, %get3A_694] : memref<16x1024xf32, #tpu.memory_space<vmem>>, vector<1x1024xf32>
    %get3A_696 = vector.shape_cast %get3A_695 : vector<1x1024xf32> to vector<1024xf32>
    %max3A_697 = arith.constant 0.000000e+00 : f32
    %max3A_698 = vector.broadcast %max3A_697 : f32 to vector<1024xf32>
    %max3A_699 = arith.maximumf %get3A_696, %max3A_698 : vector<1024xf32>
    %abs3A_700 = math.absf %get3A_696 : vector<1024xf32>
    %neg3A_701 = arith.constant 0.000000e+00 : f32
    %neg3A_702 = vector.broadcast %neg3A_701 : f32 to vector<1024xf32>
    %neg3A_703 = arith.subf %neg3A_702, %abs3A_700 : vector<1024xf32>
    %exp3A_704 = math.exp %neg3A_703 : vector<1024xf32>
    %add3A_705 = arith.constant 1.000000e+00 : f32
    %add3A_706 = vector.broadcast %add3A_705 : f32 to vector<1024xf32>
    %add3A_707 = arith.addf %add3A_706, %exp3A_704 : vector<1024xf32>
    %log3A_708 = math.log %add3A_707 : vector<1024xf32>
    %add3A_709 = arith.addf %max3A_699, %log3A_708 : vector<1024xf32>
    %add3A_710 = arith.addf %add3A_692, %add3A_709 : vector<1024xf32>
    %sub3A_711 = arith.constant 0.000000e+00 : f32
    %sub3A_712 = vector.broadcast %sub3A_711 : f32 to vector<1024xf32>
    %sub3A_713 = arith.subf %get3A_423, %sub3A_712 : vector<1024xf32>
    %add3A_714 = arith.addf %get3A_423, %add3A_440 : vector<1024xf32>
    %sub3A_715 = arith.constant 0.000000e+00 : f32
    %sub3A_716 = vector.broadcast %sub3A_715 : f32 to vector<1024xf32>
    %sub3A_717 = arith.subf %add3A_714, %sub3A_716 : vector<1024xf32>
    %add3A_718 = arith.addf %get3A_423, %add3A_458 : vector<1024xf32>
    %sub3A_719 = arith.constant 0.000000e+00 : f32
    %sub3A_720 = vector.broadcast %sub3A_719 : f32 to vector<1024xf32>
    %sub3A_721 = arith.subf %add3A_718, %sub3A_720 : vector<1024xf32>
    %add3A_722 = arith.addf %get3A_423, %add3A_476 : vector<1024xf32>
    %sub3A_723 = arith.constant 0.000000e+00 : f32
    %sub3A_724 = vector.broadcast %sub3A_723 : f32 to vector<1024xf32>
    %sub3A_725 = arith.subf %add3A_722, %sub3A_724 : vector<1024xf32>
    %add3A_726 = arith.addf %get3A_423, %add3A_494 : vector<1024xf32>
    %sub3A_727 = arith.constant 0.000000e+00 : f32
    %sub3A_728 = vector.broadcast %sub3A_727 : f32 to vector<1024xf32>
    %sub3A_729 = arith.subf %add3A_726, %sub3A_728 : vector<1024xf32>
    %add3A_730 = arith.addf %get3A_423, %add3A_512 : vector<1024xf32>
    %sub3A_731 = arith.constant 0.000000e+00 : f32
    %sub3A_732 = vector.broadcast %sub3A_731 : f32 to vector<1024xf32>
    %sub3A_733 = arith.subf %add3A_730, %sub3A_732 : vector<1024xf32>
    %add3A_734 = arith.addf %get3A_423, %add3A_530 : vector<1024xf32>
    %sub3A_735 = arith.constant 0.000000e+00 : f32
    %sub3A_736 = vector.broadcast %sub3A_735 : f32 to vector<1024xf32>
    %sub3A_737 = arith.subf %add3A_734, %sub3A_736 : vector<1024xf32>
    %add3A_738 = arith.addf %get3A_423, %add3A_548 : vector<1024xf32>
    %sub3A_739 = arith.constant 0.000000e+00 : f32
    %sub3A_740 = vector.broadcast %sub3A_739 : f32 to vector<1024xf32>
    %sub3A_741 = arith.subf %add3A_738, %sub3A_740 : vector<1024xf32>
    %add3A_742 = arith.addf %get3A_423, %add3A_566 : vector<1024xf32>
    %sub3A_743 = arith.constant 0.000000e+00 : f32
    %sub3A_744 = vector.broadcast %sub3A_743 : f32 to vector<1024xf32>
    %sub3A_745 = arith.subf %add3A_742, %sub3A_744 : vector<1024xf32>
    %add3A_746 = arith.addf %get3A_423, %add3A_584 : vector<1024xf32>
    %sub3A_747 = arith.constant 0.000000e+00 : f32
    %sub3A_748 = vector.broadcast %sub3A_747 : f32 to vector<1024xf32>
    %sub3A_749 = arith.subf %add3A_746, %sub3A_748 : vector<1024xf32>
    %add3A_750 = arith.addf %get3A_423, %add3A_602 : vector<1024xf32>
    %sub3A_751 = arith.constant 0.000000e+00 : f32
    %sub3A_752 = vector.broadcast %sub3A_751 : f32 to vector<1024xf32>
    %sub3A_753 = arith.subf %add3A_750, %sub3A_752 : vector<1024xf32>
    %add3A_754 = arith.addf %get3A_423, %add3A_620 : vector<1024xf32>
    %sub3A_755 = arith.constant 0.000000e+00 : f32
    %sub3A_756 = vector.broadcast %sub3A_755 : f32 to vector<1024xf32>
    %sub3A_757 = arith.subf %add3A_754, %sub3A_756 : vector<1024xf32>
    %add3A_758 = arith.addf %get3A_423, %add3A_638 : vector<1024xf32>
    %sub3A_759 = arith.constant 0.000000e+00 : f32
    %sub3A_760 = vector.broadcast %sub3A_759 : f32 to vector<1024xf32>
    %sub3A_761 = arith.subf %add3A_758, %sub3A_760 : vector<1024xf32>
    %add3A_762 = arith.addf %get3A_423, %add3A_656 : vector<1024xf32>
    %sub3A_763 = arith.constant 0.000000e+00 : f32
    %sub3A_764 = vector.broadcast %sub3A_763 : f32 to vector<1024xf32>
    %sub3A_765 = arith.subf %add3A_762, %sub3A_764 : vector<1024xf32>
    %add3A_766 = arith.addf %get3A_423, %add3A_674 : vector<1024xf32>
    %sub3A_767 = arith.constant 0.000000e+00 : f32
    %sub3A_768 = vector.broadcast %sub3A_767 : f32 to vector<1024xf32>
    %sub3A_769 = arith.subf %add3A_766, %sub3A_768 : vector<1024xf32>
    %add3A_770 = arith.addf %get3A_423, %add3A_692 : vector<1024xf32>
    %sub3A_771 = arith.constant 0.000000e+00 : f32
    %sub3A_772 = vector.broadcast %sub3A_771 : f32 to vector<1024xf32>
    %sub3A_773 = arith.subf %add3A_770, %sub3A_772 : vector<1024xf32>
    %add3A_774 = arith.addf %get3A_423, %add3A_710 : vector<1024xf32>
    %sub3A_775 = arith.constant 0.000000e+00 : f32
    %sub3A_776 = vector.broadcast %sub3A_775 : f32 to vector<1024xf32>
    %sub3A_777 = arith.subf %add3A_774, %sub3A_776 : vector<1024xf32>
    %sub3A_778 = arith.subf %sub3A_777, %sub3A_713 : vector<1024xf32>
    %div3A_779 = arith.constant 1.000000e+00 : f32
    %div3A_780 = vector.broadcast %div3A_779 : f32 to vector<1024xf32>
    %div3A_781 = arith.divf %div3A_780, %sub3A_778 : vector<1024xf32>
    %mul3A_782 = arith.mulf %sub3A_713, %div3A_781 : vector<1024xf32>
    %add3A_783 = arith.constant 0.000000e+00 : f32
    %add3A_784 = vector.broadcast %add3A_783 : f32 to vector<1024xf32>
    %add3A_785 = arith.addf %mul3A_782, %add3A_784 : vector<1024xf32>
    %mul3A_786 = arith.mulf %sub3A_717, %div3A_781 : vector<1024xf32>
    %add3A_787 = arith.constant 0.000000e+00 : f32
    %add3A_788 = vector.broadcast %add3A_787 : f32 to vector<1024xf32>
    %add3A_789 = arith.addf %mul3A_786, %add3A_788 : vector<1024xf32>
    %mul3A_790 = arith.mulf %sub3A_721, %div3A_781 : vector<1024xf32>
    %add3A_791 = arith.constant 0.000000e+00 : f32
    %add3A_792 = vector.broadcast %add3A_791 : f32 to vector<1024xf32>
    %add3A_793 = arith.addf %mul3A_790, %add3A_792 : vector<1024xf32>
    %mul3A_794 = arith.mulf %sub3A_725, %div3A_781 : vector<1024xf32>
    %add3A_795 = arith.constant 0.000000e+00 : f32
    %add3A_796 = vector.broadcast %add3A_795 : f32 to vector<1024xf32>
    %add3A_797 = arith.addf %mul3A_794, %add3A_796 : vector<1024xf32>
    %mul3A_798 = arith.mulf %sub3A_729, %div3A_781 : vector<1024xf32>
    %add3A_799 = arith.constant 0.000000e+00 : f32
    %add3A_800 = vector.broadcast %add3A_799 : f32 to vector<1024xf32>
    %add3A_801 = arith.addf %mul3A_798, %add3A_800 : vector<1024xf32>
    %mul3A_802 = arith.mulf %sub3A_733, %div3A_781 : vector<1024xf32>
    %add3A_803 = arith.constant 0.000000e+00 : f32
    %add3A_804 = vector.broadcast %add3A_803 : f32 to vector<1024xf32>
    %add3A_805 = arith.addf %mul3A_802, %add3A_804 : vector<1024xf32>
    %mul3A_806 = arith.mulf %sub3A_737, %div3A_781 : vector<1024xf32>
    %add3A_807 = arith.constant 0.000000e+00 : f32
    %add3A_808 = vector.broadcast %add3A_807 : f32 to vector<1024xf32>
    %add3A_809 = arith.addf %mul3A_806, %add3A_808 : vector<1024xf32>
    %mul3A_810 = arith.mulf %sub3A_741, %div3A_781 : vector<1024xf32>
    %add3A_811 = arith.constant 0.000000e+00 : f32
    %add3A_812 = vector.broadcast %add3A_811 : f32 to vector<1024xf32>
    %add3A_813 = arith.addf %mul3A_810, %add3A_812 : vector<1024xf32>
    %mul3A_814 = arith.mulf %sub3A_745, %div3A_781 : vector<1024xf32>
    %add3A_815 = arith.constant 0.000000e+00 : f32
    %add3A_816 = vector.broadcast %add3A_815 : f32 to vector<1024xf32>
    %add3A_817 = arith.addf %mul3A_814, %add3A_816 : vector<1024xf32>
    %mul3A_818 = arith.mulf %sub3A_749, %div3A_781 : vector<1024xf32>
    %add3A_819 = arith.constant 0.000000e+00 : f32
    %add3A_820 = vector.broadcast %add3A_819 : f32 to vector<1024xf32>
    %add3A_821 = arith.addf %mul3A_818, %add3A_820 : vector<1024xf32>
    %mul3A_822 = arith.mulf %sub3A_753, %div3A_781 : vector<1024xf32>
    %add3A_823 = arith.constant 0.000000e+00 : f32
    %add3A_824 = vector.broadcast %add3A_823 : f32 to vector<1024xf32>
    %add3A_825 = arith.addf %mul3A_822, %add3A_824 : vector<1024xf32>
    %mul3A_826 = arith.mulf %sub3A_757, %div3A_781 : vector<1024xf32>
    %add3A_827 = arith.constant 0.000000e+00 : f32
    %add3A_828 = vector.broadcast %add3A_827 : f32 to vector<1024xf32>
    %add3A_829 = arith.addf %mul3A_826, %add3A_828 : vector<1024xf32>
    %mul3A_830 = arith.mulf %sub3A_761, %div3A_781 : vector<1024xf32>
    %add3A_831 = arith.constant 0.000000e+00 : f32
    %add3A_832 = vector.broadcast %add3A_831 : f32 to vector<1024xf32>
    %add3A_833 = arith.addf %mul3A_830, %add3A_832 : vector<1024xf32>
    %mul3A_834 = arith.mulf %sub3A_765, %div3A_781 : vector<1024xf32>
    %add3A_835 = arith.constant 0.000000e+00 : f32
    %add3A_836 = vector.broadcast %add3A_835 : f32 to vector<1024xf32>
    %add3A_837 = arith.addf %mul3A_834, %add3A_836 : vector<1024xf32>
    %mul3A_838 = arith.mulf %sub3A_769, %div3A_781 : vector<1024xf32>
    %add3A_839 = arith.constant 0.000000e+00 : f32
    %add3A_840 = vector.broadcast %add3A_839 : f32 to vector<1024xf32>
    %add3A_841 = arith.addf %mul3A_838, %add3A_840 : vector<1024xf32>
    %mul3A_842 = arith.mulf %sub3A_773, %div3A_781 : vector<1024xf32>
    %add3A_843 = arith.constant 0.000000e+00 : f32
    %add3A_844 = vector.broadcast %add3A_843 : f32 to vector<1024xf32>
    %add3A_845 = arith.addf %mul3A_842, %add3A_844 : vector<1024xf32>
    %mul3A_846 = arith.mulf %sub3A_777, %div3A_781 : vector<1024xf32>
    %add3A_847 = arith.constant 0.000000e+00 : f32
    %add3A_848 = vector.broadcast %add3A_847 : f32 to vector<1024xf32>
    %add3A_849 = arith.addf %mul3A_846, %add3A_848 : vector<1024xf32>
    %swap3A = arith.constant 0 : index
    %swap3A_850 = arith.constant 0 : index
    %swap3A_851 = vector.load %arg4[%swap3A, %swap3A_850] : memref<56x1024xf32, #tpu.memory_space<vmem>>, vector<1x1024xf32>
    %swap3A_852 = vector.shape_cast %swap3A_851 : vector<1x1024xf32> to vector<1024xf32>
    %swap3A_853 = vector.shape_cast %add3A_355 : vector<1024xf32> to vector<1x1024xf32>
    tpu.vector_store %arg4[%swap3A, %swap3A_850], %swap3A_853 {strides = array<i32>} : memref<56x1024xf32, #tpu.memory_space<vmem>>, vector<1x1024xf32>,
    %swap3A_854 = arith.constant 1 : index
    %swap3A_855 = arith.constant 0 : index
    %swap3A_856 = vector.load %arg4[%swap3A_854, %swap3A_855] : memref<56x1024xf32, #tpu.memory_space<vmem>>, vector<1x1024xf32>
    %swap3A_857 = vector.shape_cast %swap3A_856 : vector<1x1024xf32> to vector<1024xf32>
    %swap3A_858 = vector.shape_cast %add3A_359 : vector<1024xf32> to vector<1x1024xf32>
    tpu.vector_store %arg4[%swap3A_854, %swap3A_855], %swap3A_858 {strides = array<i32>} : memref<56x1024xf32, #tpu.memory_space<vmem>>, vector<1x1024xf32>,
    %swap3A_859 = arith.constant 2 : index
    %swap3A_860 = arith.constant 0 : index
    %swap3A_861 = vector.load %arg4[%swap3A_859, %swap3A_860] : memref<56x1024xf32, #tpu.memory_space<vmem>>, vector<1x1024xf32>
    %swap3A_862 = vector.shape_cast %swap3A_861 : vector<1x1024xf32> to vector<1024xf32>
    %swap3A_863 = vector.shape_cast %add3A_363 : vector<1024xf32> to vector<1x1024xf32>
    tpu.vector_store %arg4[%swap3A_859, %swap3A_860], %swap3A_863 {strides = array<i32>} : memref<56x1024xf32, #tpu.memory_space<vmem>>, vector<1x1024xf32>,
    %swap3A_864 = arith.constant 3 : index
    %swap3A_865 = arith.constant 0 : index
    %swap3A_866 = vector.load %arg4[%swap3A_864, %swap3A_865] : memref<56x1024xf32, #tpu.memory_space<vmem>>, vector<1x1024xf32>
    %swap3A_867 = vector.shape_cast %swap3A_866 : vector<1x1024xf32> to vector<1024xf32>
    %swap3A_868 = vector.shape_cast %add3A_367 : vector<1024xf32> to vector<1x1024xf32>
    tpu.vector_store %arg4[%swap3A_864, %swap3A_865], %swap3A_868 {strides = array<i32>} : memref<56x1024xf32, #tpu.memory_space<vmem>>, vector<1x1024xf32>,
    %swap3A_869 = arith.constant 4 : index
    %swap3A_870 = arith.constant 0 : index
    %swap3A_871 = vector.load %arg4[%swap3A_869, %swap3A_870] : memref<56x1024xf32, #tpu.memory_space<vmem>>, vector<1x1024xf32>
    %swap3A_872 = vector.shape_cast %swap3A_871 : vector<1x1024xf32> to vector<1024xf32>
    %swap3A_873 = vector.shape_cast %add3A_371 : vector<1024xf32> to vector<1x1024xf32>
    tpu.vector_store %arg4[%swap3A_869, %swap3A_870], %swap3A_873 {strides = array<i32>} : memref<56x1024xf32, #tpu.memory_space<vmem>>, vector<1x1024xf32>,
    %swap3A_874 = arith.constant 5 : index
    %swap3A_875 = arith.constant 0 : index
    %swap3A_876 = vector.load %arg4[%swap3A_874, %swap3A_875] : memref<56x1024xf32, #tpu.memory_space<vmem>>, vector<1x1024xf32>
    %swap3A_877 = vector.shape_cast %swap3A_876 : vector<1x1024xf32> to vector<1024xf32>
    %swap3A_878 = vector.shape_cast %add3A_375 : vector<1024xf32> to vector<1x1024xf32>
    tpu.vector_store %arg4[%swap3A_874, %swap3A_875], %swap3A_878 {strides = array<i32>} : memref<56x1024xf32, #tpu.memory_space<vmem>>, vector<1x1024xf32>,
    %swap3A_879 = arith.constant 6 : index
    %swap3A_880 = arith.constant 0 : index
    %swap3A_881 = vector.load %arg4[%swap3A_879, %swap3A_880] : memref<56x1024xf32, #tpu.memory_space<vmem>>, vector<1x1024xf32>
    %swap3A_882 = vector.shape_cast %swap3A_881 : vector<1x1024xf32> to vector<1024xf32>
    %swap3A_883 = vector.shape_cast %add3A_379 : vector<1024xf32> to vector<1x1024xf32>
    tpu.vector_store %arg4[%swap3A_879, %swap3A_880], %swap3A_883 {strides = array<i32>} : memref<56x1024xf32, #tpu.memory_space<vmem>>, vector<1x1024xf32>,
    %swap3A_884 = arith.constant 7 : index
    %swap3A_885 = arith.constant 0 : index
    %swap3A_886 = vector.load %arg4[%swap3A_884, %swap3A_885] : memref<56x1024xf32, #tpu.memory_space<vmem>>, vector<1x1024xf32>
    %swap3A_887 = vector.shape_cast %swap3A_886 : vector<1x1024xf32> to vector<1024xf32>
    %swap3A_888 = vector.shape_cast %add3A_383 : vector<1024xf32> to vector<1x1024xf32>
    tpu.vector_store %arg4[%swap3A_884, %swap3A_885], %swap3A_888 {strides = array<i32>} : memref<56x1024xf32, #tpu.memory_space<vmem>>, vector<1x1024xf32>,
    %swap3A_889 = arith.constant 8 : index
    %swap3A_890 = arith.constant 0 : index
    %swap3A_891 = vector.load %arg4[%swap3A_889, %swap3A_890] : memref<56x1024xf32, #tpu.memory_space<vmem>>, vector<1x1024xf32>
    %swap3A_892 = vector.shape_cast %swap3A_891 : vector<1x1024xf32> to vector<1024xf32>
    %swap3A_893 = vector.shape_cast %add3A_387 : vector<1024xf32> to vector<1x1024xf32>
    tpu.vector_store %arg4[%swap3A_889, %swap3A_890], %swap3A_893 {strides = array<i32>} : memref<56x1024xf32, #tpu.memory_space<vmem>>, vector<1x1024xf32>,
    %swap3A_894 = arith.constant 9 : index
    %swap3A_895 = arith.constant 0 : index
    %swap3A_896 = vector.load %arg4[%swap3A_894, %swap3A_895] : memref<56x1024xf32, #tpu.memory_space<vmem>>, vector<1x1024xf32>
    %swap3A_897 = vector.shape_cast %swap3A_896 : vector<1x1024xf32> to vector<1024xf32>
    %swap3A_898 = vector.shape_cast %add3A_391 : vector<1024xf32> to vector<1x1024xf32>
    tpu.vector_store %arg4[%swap3A_894, %swap3A_895], %swap3A_898 {strides = array<i32>} : memref<56x1024xf32, #tpu.memory_space<vmem>>, vector<1x1024xf32>,
    %swap3A_899 = arith.constant 10 : index
    %swap3A_900 = arith.constant 0 : index
    %swap3A_901 = vector.load %arg4[%swap3A_899, %swap3A_900] : memref<56x1024xf32, #tpu.memory_space<vmem>>, vector<1x1024xf32>
    %swap3A_902 = vector.shape_cast %swap3A_901 : vector<1x1024xf32> to vector<1024xf32>
    %swap3A_903 = vector.shape_cast %add3A_395 : vector<1024xf32> to vector<1x1024xf32>
    tpu.vector_store %arg4[%swap3A_899, %swap3A_900], %swap3A_903 {strides = array<i32>} : memref<56x1024xf32, #tpu.memory_space<vmem>>, vector<1x1024xf32>,
    %swap3A_904 = arith.constant 11 : index
    %swap3A_905 = arith.constant 0 : index
    %swap3A_906 = vector.load %arg4[%swap3A_904, %swap3A_905] : memref<56x1024xf32, #tpu.memory_space<vmem>>, vector<1x1024xf32>
    %swap3A_907 = vector.shape_cast %swap3A_906 : vector<1x1024xf32> to vector<1024xf32>
    %swap3A_908 = vector.shape_cast %add3A_399 : vector<1024xf32> to vector<1x1024xf32>
    tpu.vector_store %arg4[%swap3A_904, %swap3A_905], %swap3A_908 {strides = array<i32>} : memref<56x1024xf32, #tpu.memory_space<vmem>>, vector<1x1024xf32>,
    %swap3A_909 = arith.constant 12 : index
    %swap3A_910 = arith.constant 0 : index
    %swap3A_911 = vector.load %arg4[%swap3A_909, %swap3A_910] : memref<56x1024xf32, #tpu.memory_space<vmem>>, vector<1x1024xf32>
    %swap3A_912 = vector.shape_cast %swap3A_911 : vector<1x1024xf32> to vector<1024xf32>
    %swap3A_913 = vector.shape_cast %add3A_403 : vector<1024xf32> to vector<1x1024xf32>
    tpu.vector_store %arg4[%swap3A_909, %swap3A_910], %swap3A_913 {strides = array<i32>} : memref<56x1024xf32, #tpu.memory_space<vmem>>, vector<1x1024xf32>,
    %swap3A_914 = arith.constant 13 : index
    %swap3A_915 = arith.constant 0 : index
    %swap3A_916 = vector.load %arg4[%swap3A_914, %swap3A_915] : memref<56x1024xf32, #tpu.memory_space<vmem>>, vector<1x1024xf32>
    %swap3A_917 = vector.shape_cast %swap3A_916 : vector<1x1024xf32> to vector<1024xf32>
    %swap3A_918 = vector.shape_cast %add3A_407 : vector<1024xf32> to vector<1x1024xf32>
    tpu.vector_store %arg4[%swap3A_914, %swap3A_915], %swap3A_918 {strides = array<i32>} : memref<56x1024xf32, #tpu.memory_space<vmem>>, vector<1x1024xf32>,
    %swap3A_919 = arith.constant 14 : index
    %swap3A_920 = arith.constant 0 : index
    %swap3A_921 = vector.load %arg4[%swap3A_919, %swap3A_920] : memref<56x1024xf32, #tpu.memory_space<vmem>>, vector<1x1024xf32>
    %swap3A_922 = vector.shape_cast %swap3A_921 : vector<1x1024xf32> to vector<1024xf32>
    %swap3A_923 = vector.shape_cast %add3A_411 : vector<1024xf32> to vector<1x1024xf32>
    tpu.vector_store %arg4[%swap3A_919, %swap3A_920], %swap3A_923 {strides = array<i32>} : memref<56x1024xf32, #tpu.memory_space<vmem>>, vector<1x1024xf32>,
    %swap3A_924 = arith.constant 15 : index
    %swap3A_925 = arith.constant 0 : index
    %swap3A_926 = vector.load %arg4[%swap3A_924, %swap3A_925] : memref<56x1024xf32, #tpu.memory_space<vmem>>, vector<1x1024xf32>
    %swap3A_927 = vector.shape_cast %swap3A_926 : vector<1x1024xf32> to vector<1024xf32>
    %swap3A_928 = vector.shape_cast %add3A_415 : vector<1024xf32> to vector<1x1024xf32>
    tpu.vector_store %arg4[%swap3A_924, %swap3A_925], %swap3A_928 {strides = array<i32>} : memref<56x1024xf32, #tpu.memory_space<vmem>>, vector<1x1024xf32>,
    %swap3A_929 = arith.constant 16 : index
    %swap3A_930 = arith.constant 0 : index
    %swap3A_931 = vector.load %arg4[%swap3A_929, %swap3A_930] : memref<56x1024xf32, #tpu.memory_space<vmem>>, vector<1x1024xf32>
    %swap3A_932 = vector.shape_cast %swap3A_931 : vector<1x1024xf32> to vector<1024xf32>
    %swap3A_933 = vector.shape_cast %add3A_419 : vector<1024xf32> to vector<1x1024xf32>
    tpu.vector_store %arg4[%swap3A_929, %swap3A_930], %swap3A_933 {strides = array<i32>} : memref<56x1024xf32, #tpu.memory_space<vmem>>, vector<1x1024xf32>,
    %sub3A_934 = arith.subf %add3A_789, %add3A_785 : vector<1024xf32>
    %sub3A_935 = arith.subf %add3A_359, %add3A_355 : vector<1024xf32>
    %div3A_936 = arith.divf %sub3A_934, %sub3A_935 : vector<1024xf32>
    %swap3A_937 = arith.constant 17 : index
    %swap3A_938 = arith.constant 0 : index
    %swap3A_939 = vector.load %arg4[%swap3A_937, %swap3A_938] : memref<56x1024xf32, #tpu.memory_space<vmem>>, vector<1x1024xf32>
    %swap3A_940 = vector.shape_cast %swap3A_939 : vector<1x1024xf32> to vector<1024xf32>
    %swap3A_941 = vector.shape_cast %div3A_936 : vector<1024xf32> to vector<1x1024xf32>
    tpu.vector_store %arg4[%swap3A_937, %swap3A_938], %swap3A_941 {strides = array<i32>} : memref<56x1024xf32, #tpu.memory_space<vmem>>, vector<1x1024xf32>,
    %mul3A_942 = arith.mulf %add3A_355, %div3A_936 : vector<1024xf32>
    %sub3A_943 = arith.subf %add3A_785, %mul3A_942 : vector<1024xf32>
    %swap3A_944 = arith.constant 33 : index
    %swap3A_945 = arith.constant 0 : index
    %swap3A_946 = vector.load %arg4[%swap3A_944, %swap3A_945] : memref<56x1024xf32, #tpu.memory_space<vmem>>, vector<1x1024xf32>
    %swap3A_947 = vector.shape_cast %swap3A_946 : vector<1x1024xf32> to vector<1024xf32>
    %swap3A_948 = vector.shape_cast %sub3A_943 : vector<1024xf32> to vector<1x1024xf32>
    tpu.vector_store %arg4[%swap3A_944, %swap3A_945], %swap3A_948 {strides = array<i32>} : memref<56x1024xf32, #tpu.memory_space<vmem>>, vector<1x1024xf32>,
    %sub3A_949 = arith.subf %add3A_793, %add3A_789 : vector<1024xf32>
    %sub3A_950 = arith.subf %add3A_363, %add3A_359 : vector<1024xf32>
    %div3A_951 = arith.divf %sub3A_949, %sub3A_950 : vector<1024xf32>
    %swap3A_952 = arith.constant 18 : index
    %swap3A_953 = arith.constant 0 : index
    %swap3A_954 = vector.load %arg4[%swap3A_952, %swap3A_953] : memref<56x1024xf32, #tpu.memory_space<vmem>>, vector<1x1024xf32>
    %swap3A_955 = vector.shape_cast %swap3A_954 : vector<1x1024xf32> to vector<1024xf32>
    %swap3A_956 = vector.shape_cast %div3A_951 : vector<1024xf32> to vector<1x1024xf32>
    tpu.vector_store %arg4[%swap3A_952, %swap3A_953], %swap3A_956 {strides = array<i32>} : memref<56x1024xf32, #tpu.memory_space<vmem>>, vector<1x1024xf32>,
    %mul3A_957 = arith.mulf %add3A_359, %div3A_951 : vector<1024xf32>
    %sub3A_958 = arith.subf %add3A_789, %mul3A_957 : vector<1024xf32>
    %swap3A_959 = arith.constant 34 : index
    %swap3A_960 = arith.constant 0 : index
    %swap3A_961 = vector.load %arg4[%swap3A_959, %swap3A_960] : memref<56x1024xf32, #tpu.memory_space<vmem>>, vector<1x1024xf32>
    %swap3A_962 = vector.shape_cast %swap3A_961 : vector<1x1024xf32> to vector<1024xf32>
    %swap3A_963 = vector.shape_cast %sub3A_958 : vector<1024xf32> to vector<1x1024xf32>
    tpu.vector_store %arg4[%swap3A_959, %swap3A_960], %swap3A_963 {strides = array<i32>} : memref<56x1024xf32, #tpu.memory_space<vmem>>, vector<1x1024xf32>,
    %sub3A_964 = arith.subf %add3A_797, %add3A_793 : vector<1024xf32>
    %sub3A_965 = arith.subf %add3A_367, %add3A_363 : vector<1024xf32>
    %div3A_966 = arith.divf %sub3A_964, %sub3A_965 : vector<1024xf32>
    %swap3A_967 = arith.constant 19 : index
    %swap3A_968 = arith.constant 0 : index
    %swap3A_969 = vector.load %arg4[%swap3A_967, %swap3A_968] : memref<56x1024xf32, #tpu.memory_space<vmem>>, vector<1x1024xf32>
    %swap3A_970 = vector.shape_cast %swap3A_969 : vector<1x1024xf32> to vector<1024xf32>
    %swap3A_971 = vector.shape_cast %div3A_966 : vector<1024xf32> to vector<1x1024xf32>
    tpu.vector_store %arg4[%swap3A_967, %swap3A_968], %swap3A_971 {strides = array<i32>} : memref<56x1024xf32, #tpu.memory_space<vmem>>, vector<1x1024xf32>,
    %mul3A_972 = arith.mulf %add3A_363, %div3A_966 : vector<1024xf32>
    %sub3A_973 = arith.subf %add3A_793, %mul3A_972 : vector<1024xf32>
    %swap3A_974 = arith.constant 35 : index
    %swap3A_975 = arith.constant 0 : index
    %swap3A_976 = vector.load %arg4[%swap3A_974, %swap3A_975] : memref<56x1024xf32, #tpu.memory_space<vmem>>, vector<1x1024xf32>
    %swap3A_977 = vector.shape_cast %swap3A_976 : vector<1x1024xf32> to vector<1024xf32>
    %swap3A_978 = vector.shape_cast %sub3A_973 : vector<1024xf32> to vector<1x1024xf32>
    tpu.vector_store %arg4[%swap3A_974, %swap3A_975], %swap3A_978 {strides = array<i32>} : memref<56x1024xf32, #tpu.memory_space<vmem>>, vector<1x1024xf32>,
    %sub3A_979 = arith.subf %add3A_801, %add3A_797 : vector<1024xf32>
    %sub3A_980 = arith.subf %add3A_371, %add3A_367 : vector<1024xf32>
    %div3A_981 = arith.divf %sub3A_979, %sub3A_980 : vector<1024xf32>
    %swap3A_982 = arith.constant 20 : index
    %swap3A_983 = arith.constant 0 : index
    %swap3A_984 = vector.load %arg4[%swap3A_982, %swap3A_983] : memref<56x1024xf32, #tpu.memory_space<vmem>>, vector<1x1024xf32>
    %swap3A_985 = vector.shape_cast %swap3A_984 : vector<1x1024xf32> to vector<1024xf32>
    %swap3A_986 = vector.shape_cast %div3A_981 : vector<1024xf32> to vector<1x1024xf32>
    tpu.vector_store %arg4[%swap3A_982, %swap3A_983], %swap3A_986 {strides = array<i32>} : memref<56x1024xf32, #tpu.memory_space<vmem>>, vector<1x1024xf32>,
    %mul3A_987 = arith.mulf %add3A_367, %div3A_981 : vector<1024xf32>
    %sub3A_988 = arith.subf %add3A_797, %mul3A_987 : vector<1024xf32>
    %swap3A_989 = arith.constant 36 : index
    %swap3A_990 = arith.constant 0 : index
    %swap3A_991 = vector.load %arg4[%swap3A_989, %swap3A_990] : memref<56x1024xf32, #tpu.memory_space<vmem>>, vector<1x1024xf32>
    %swap3A_992 = vector.shape_cast %swap3A_991 : vector<1x1024xf32> to vector<1024xf32>
    %swap3A_993 = vector.shape_cast %sub3A_988 : vector<1024xf32> to vector<1x1024xf32>
    tpu.vector_store %arg4[%swap3A_989, %swap3A_990], %swap3A_993 {strides = array<i32>} : memref<56x1024xf32, #tpu.memory_space<vmem>>, vector<1x1024xf32>,
    %sub3A_994 = arith.subf %add3A_805, %add3A_801 : vector<1024xf32>
    %sub3A_995 = arith.subf %add3A_375, %add3A_371 : vector<1024xf32>
    %div3A_996 = arith.divf %sub3A_994, %sub3A_995 : vector<1024xf32>
    %swap3A_997 = arith.constant 21 : index
    %swap3A_998 = arith.constant 0 : index
    %swap3A_999 = vector.load %arg4[%swap3A_997, %swap3A_998] : memref<56x1024xf32, #tpu.memory_space<vmem>>, vector<1x1024xf32>
    %swap3A_1000 = vector.shape_cast %swap3A_999 : vector<1x1024xf32> to vector<1024xf32>
    %swap3A_1001 = vector.shape_cast %div3A_996 : vector<1024xf32> to vector<1x1024xf32>
    tpu.vector_store %arg4[%swap3A_997, %swap3A_998], %swap3A_1001 {strides = array<i32>} : memref<56x1024xf32, #tpu.memory_space<vmem>>, vector<1x1024xf32>,
    %mul3A_1002 = arith.mulf %add3A_371, %div3A_996 : vector<1024xf32>
    %sub3A_1003 = arith.subf %add3A_801, %mul3A_1002 : vector<1024xf32>
    %swap3A_1004 = arith.constant 37 : index
    %swap3A_1005 = arith.constant 0 : index
    %swap3A_1006 = vector.load %arg4[%swap3A_1004, %swap3A_1005] : memref<56x1024xf32, #tpu.memory_space<vmem>>, vector<1x1024xf32>
    %swap3A_1007 = vector.shape_cast %swap3A_1006 : vector<1x1024xf32> to vector<1024xf32>
    %swap3A_1008 = vector.shape_cast %sub3A_1003 : vector<1024xf32> to vector<1x1024xf32>
    tpu.vector_store %arg4[%swap3A_1004, %swap3A_1005], %swap3A_1008 {strides = array<i32>} : memref<56x1024xf32, #tpu.memory_space<vmem>>, vector<1x1024xf32>,
    %sub3A_1009 = arith.subf %add3A_809, %add3A_805 : vector<1024xf32>
    %sub3A_1010 = arith.subf %add3A_379, %add3A_375 : vector<1024xf32>
    %div3A_1011 = arith.divf %sub3A_1009, %sub3A_1010 : vector<1024xf32>
    %swap3A_1012 = arith.constant 22 : index
    %swap3A_1013 = arith.constant 0 : index
    %swap3A_1014 = vector.load %arg4[%swap3A_1012, %swap3A_1013] : memref<56x1024xf32, #tpu.memory_space<vmem>>, vector<1x1024xf32>
    %swap3A_1015 = vector.shape_cast %swap3A_1014 : vector<1x1024xf32> to vector<1024xf32>
    %swap3A_1016 = vector.shape_cast %div3A_1011 : vector<1024xf32> to vector<1x1024xf32>
    tpu.vector_store %arg4[%swap3A_1012, %swap3A_1013], %swap3A_1016 {strides = array<i32>} : memref<56x1024xf32, #tpu.memory_space<vmem>>, vector<1x1024xf32>,
    %mul3A_1017 = arith.mulf %add3A_375, %div3A_1011 : vector<1024xf32>
    %sub3A_1018 = arith.subf %add3A_805, %mul3A_1017 : vector<1024xf32>
    %swap3A_1019 = arith.constant 38 : index
    %swap3A_1020 = arith.constant 0 : index
    %swap3A_1021 = vector.load %arg4[%swap3A_1019, %swap3A_1020] : memref<56x1024xf32, #tpu.memory_space<vmem>>, vector<1x1024xf32>
    %swap3A_1022 = vector.shape_cast %swap3A_1021 : vector<1x1024xf32> to vector<1024xf32>
    %swap3A_1023 = vector.shape_cast %sub3A_1018 : vector<1024xf32> to vector<1x1024xf32>
    tpu.vector_store %arg4[%swap3A_1019, %swap3A_1020], %swap3A_1023 {strides = array<i32>} : memref<56x1024xf32, #tpu.memory_space<vmem>>, vector<1x1024xf32>,
    %sub3A_1024 = arith.subf %add3A_813, %add3A_809 : vector<1024xf32>
    %sub3A_1025 = arith.subf %add3A_383, %add3A_379 : vector<1024xf32>
    %div3A_1026 = arith.divf %sub3A_1024, %sub3A_1025 : vector<1024xf32>
    %swap3A_1027 = arith.constant 23 : index
    %swap3A_1028 = arith.constant 0 : index
    %swap3A_1029 = vector.load %arg4[%swap3A_1027, %swap3A_1028] : memref<56x1024xf32, #tpu.memory_space<vmem>>, vector<1x1024xf32>
    %swap3A_1030 = vector.shape_cast %swap3A_1029 : vector<1x1024xf32> to vector<1024xf32>
    %swap3A_1031 = vector.shape_cast %div3A_1026 : vector<1024xf32> to vector<1x1024xf32>
    tpu.vector_store %arg4[%swap3A_1027, %swap3A_1028], %swap3A_1031 {strides = array<i32>} : memref<56x1024xf32, #tpu.memory_space<vmem>>, vector<1x1024xf32>,
    %mul3A_1032 = arith.mulf %add3A_379, %div3A_1026 : vector<1024xf32>
    %sub3A_1033 = arith.subf %add3A_809, %mul3A_1032 : vector<1024xf32>
    %swap3A_1034 = arith.constant 39 : index
    %swap3A_1035 = arith.constant 0 : index
    %swap3A_1036 = vector.load %arg4[%swap3A_1034, %swap3A_1035] : memref<56x1024xf32, #tpu.memory_space<vmem>>, vector<1x1024xf32>
    %swap3A_1037 = vector.shape_cast %swap3A_1036 : vector<1x1024xf32> to vector<1024xf32>
    %swap3A_1038 = vector.shape_cast %sub3A_1033 : vector<1024xf32> to vector<1x1024xf32>
    tpu.vector_store %arg4[%swap3A_1034, %swap3A_1035], %swap3A_1038 {strides = array<i32>} : memref<56x1024xf32, #tpu.memory_space<vmem>>, vector<1x1024xf32>,
    %sub3A_1039 = arith.subf %add3A_817, %add3A_813 : vector<1024xf32>
    %sub3A_1040 = arith.subf %add3A_387, %add3A_383 : vector<1024xf32>
    %div3A_1041 = arith.divf %sub3A_1039, %sub3A_1040 : vector<1024xf32>
    %swap3A_1042 = arith.constant 24 : index
    %swap3A_1043 = arith.constant 0 : index
    %swap3A_1044 = vector.load %arg4[%swap3A_1042, %swap3A_1043] : memref<56x1024xf32, #tpu.memory_space<vmem>>, vector<1x1024xf32>
    %swap3A_1045 = vector.shape_cast %swap3A_1044 : vector<1x1024xf32> to vector<1024xf32>
    %swap3A_1046 = vector.shape_cast %div3A_1041 : vector<1024xf32> to vector<1x1024xf32>
    tpu.vector_store %arg4[%swap3A_1042, %swap3A_1043], %swap3A_1046 {strides = array<i32>} : memref<56x1024xf32, #tpu.memory_space<vmem>>, vector<1x1024xf32>,
    %mul3A_1047 = arith.mulf %add3A_383, %div3A_1041 : vector<1024xf32>
    %sub3A_1048 = arith.subf %add3A_813, %mul3A_1047 : vector<1024xf32>
    %swap3A_1049 = arith.constant 40 : index
    %swap3A_1050 = arith.constant 0 : index
    %swap3A_1051 = vector.load %arg4[%swap3A_1049, %swap3A_1050] : memref<56x1024xf32, #tpu.memory_space<vmem>>, vector<1x1024xf32>
    %swap3A_1052 = vector.shape_cast %swap3A_1051 : vector<1x1024xf32> to vector<1024xf32>
    %swap3A_1053 = vector.shape_cast %sub3A_1048 : vector<1024xf32> to vector<1x1024xf32>
    tpu.vector_store %arg4[%swap3A_1049, %swap3A_1050], %swap3A_1053 {strides = array<i32>} : memref<56x1024xf32, #tpu.memory_space<vmem>>, vector<1x1024xf32>,
    %sub3A_1054 = arith.subf %add3A_821, %add3A_817 : vector<1024xf32>
    %sub3A_1055 = arith.subf %add3A_391, %add3A_387 : vector<1024xf32>
    %div3A_1056 = arith.divf %sub3A_1054, %sub3A_1055 : vector<1024xf32>
    %swap3A_1057 = arith.constant 25 : index
    %swap3A_1058 = arith.constant 0 : index
    %swap3A_1059 = vector.load %arg4[%swap3A_1057, %swap3A_1058] : memref<56x1024xf32, #tpu.memory_space<vmem>>, vector<1x1024xf32>
    %swap3A_1060 = vector.shape_cast %swap3A_1059 : vector<1x1024xf32> to vector<1024xf32>
    %swap3A_1061 = vector.shape_cast %div3A_1056 : vector<1024xf32> to vector<1x1024xf32>
    tpu.vector_store %arg4[%swap3A_1057, %swap3A_1058], %swap3A_1061 {strides = array<i32>} : memref<56x1024xf32, #tpu.memory_space<vmem>>, vector<1x1024xf32>,
    %mul3A_1062 = arith.mulf %add3A_387, %div3A_1056 : vector<1024xf32>
    %sub3A_1063 = arith.subf %add3A_817, %mul3A_1062 : vector<1024xf32>
    %swap3A_1064 = arith.constant 41 : index
    %swap3A_1065 = arith.constant 0 : index
    %swap3A_1066 = vector.load %arg4[%swap3A_1064, %swap3A_1065] : memref<56x1024xf32, #tpu.memory_space<vmem>>, vector<1x1024xf32>
    %swap3A_1067 = vector.shape_cast %swap3A_1066 : vector<1x1024xf32> to vector<1024xf32>
    %swap3A_1068 = vector.shape_cast %sub3A_1063 : vector<1024xf32> to vector<1x1024xf32>
    tpu.vector_store %arg4[%swap3A_1064, %swap3A_1065], %swap3A_1068 {strides = array<i32>} : memref<56x1024xf32, #tpu.memory_space<vmem>>, vector<1x1024xf32>,
    %sub3A_1069 = arith.subf %add3A_825, %add3A_821 : vector<1024xf32>
    %sub3A_1070 = arith.subf %add3A_395, %add3A_391 : vector<1024xf32>
    %div3A_1071 = arith.divf %sub3A_1069, %sub3A_1070 : vector<1024xf32>
    %swap3A_1072 = arith.constant 26 : index
    %swap3A_1073 = arith.constant 0 : index
    %swap3A_1074 = vector.load %arg4[%swap3A_1072, %swap3A_1073] : memref<56x1024xf32, #tpu.memory_space<vmem>>, vector<1x1024xf32>
    %swap3A_1075 = vector.shape_cast %swap3A_1074 : vector<1x1024xf32> to vector<1024xf32>
    %swap3A_1076 = vector.shape_cast %div3A_1071 : vector<1024xf32> to vector<1x1024xf32>
    tpu.vector_store %arg4[%swap3A_1072, %swap3A_1073], %swap3A_1076 {strides = array<i32>} : memref<56x1024xf32, #tpu.memory_space<vmem>>, vector<1x1024xf32>,
    %mul3A_1077 = arith.mulf %add3A_391, %div3A_1071 : vector<1024xf32>
    %sub3A_1078 = arith.subf %add3A_821, %mul3A_1077 : vector<1024xf32>
    %swap3A_1079 = arith.constant 42 : index
    %swap3A_1080 = arith.constant 0 : index
    %swap3A_1081 = vector.load %arg4[%swap3A_1079, %swap3A_1080] : memref<56x1024xf32, #tpu.memory_space<vmem>>, vector<1x1024xf32>
    %swap3A_1082 = vector.shape_cast %swap3A_1081 : vector<1x1024xf32> to vector<1024xf32>
    %swap3A_1083 = vector.shape_cast %sub3A_1078 : vector<1024xf32> to vector<1x1024xf32>
    tpu.vector_store %arg4[%swap3A_1079, %swap3A_1080], %swap3A_1083 {strides = array<i32>} : memref<56x1024xf32, #tpu.memory_space<vmem>>, vector<1x1024xf32>,
    %sub3A_1084 = arith.subf %add3A_829, %add3A_825 : vector<1024xf32>
    %sub3A_1085 = arith.subf %add3A_399, %add3A_395 : vector<1024xf32>
    %div3A_1086 = arith.divf %sub3A_1084, %sub3A_1085 : vector<1024xf32>
    %swap3A_1087 = arith.constant 27 : index
    %swap3A_1088 = arith.constant 0 : index
    %swap3A_1089 = vector.load %arg4[%swap3A_1087, %swap3A_1088] : memref<56x1024xf32, #tpu.memory_space<vmem>>, vector<1x1024xf32>
    %swap3A_1090 = vector.shape_cast %swap3A_1089 : vector<1x1024xf32> to vector<1024xf32>
    %swap3A_1091 = vector.shape_cast %div3A_1086 : vector<1024xf32> to vector<1x1024xf32>
    tpu.vector_store %arg4[%swap3A_1087, %swap3A_1088], %swap3A_1091 {strides = array<i32>} : memref<56x1024xf32, #tpu.memory_space<vmem>>, vector<1x1024xf32>,
    %mul3A_1092 = arith.mulf %add3A_395, %div3A_1086 : vector<1024xf32>
    %sub3A_1093 = arith.subf %add3A_825, %mul3A_1092 : vector<1024xf32>
    %swap3A_1094 = arith.constant 43 : index
    %swap3A_1095 = arith.constant 0 : index
    %swap3A_1096 = vector.load %arg4[%swap3A_1094, %swap3A_1095] : memref<56x1024xf32, #tpu.memory_space<vmem>>, vector<1x1024xf32>
    %swap3A_1097 = vector.shape_cast %swap3A_1096 : vector<1x1024xf32> to vector<1024xf32>
    %swap3A_1098 = vector.shape_cast %sub3A_1093 : vector<1024xf32> to vector<1x1024xf32>
    tpu.vector_store %arg4[%swap3A_1094, %swap3A_1095], %swap3A_1098 {strides = array<i32>} : memref<56x1024xf32, #tpu.memory_space<vmem>>, vector<1x1024xf32>,
    %sub3A_1099 = arith.subf %add3A_833, %add3A_829 : vector<1024xf32>
    %sub3A_1100 = arith.subf %add3A_403, %add3A_399 : vector<1024xf32>
    %div3A_1101 = arith.divf %sub3A_1099, %sub3A_1100 : vector<1024xf32>
    %swap3A_1102 = arith.constant 28 : index
    %swap3A_1103 = arith.constant 0 : index
    %swap3A_1104 = vector.load %arg4[%swap3A_1102, %swap3A_1103] : memref<56x1024xf32, #tpu.memory_space<vmem>>, vector<1x1024xf32>
    %swap3A_1105 = vector.shape_cast %swap3A_1104 : vector<1x1024xf32> to vector<1024xf32>
    %swap3A_1106 = vector.shape_cast %div3A_1101 : vector<1024xf32> to vector<1x1024xf32>
    tpu.vector_store %arg4[%swap3A_1102, %swap3A_1103], %swap3A_1106 {strides = array<i32>} : memref<56x1024xf32, #tpu.memory_space<vmem>>, vector<1x1024xf32>,
    %mul3A_1107 = arith.mulf %add3A_399, %div3A_1101 : vector<1024xf32>
    %sub3A_1108 = arith.subf %add3A_829, %mul3A_1107 : vector<1024xf32>
    %swap3A_1109 = arith.constant 44 : index
    %swap3A_1110 = arith.constant 0 : index
    %swap3A_1111 = vector.load %arg4[%swap3A_1109, %swap3A_1110] : memref<56x1024xf32, #tpu.memory_space<vmem>>, vector<1x1024xf32>
    %swap3A_1112 = vector.shape_cast %swap3A_1111 : vector<1x1024xf32> to vector<1024xf32>
    %swap3A_1113 = vector.shape_cast %sub3A_1108 : vector<1024xf32> to vector<1x1024xf32>
    tpu.vector_store %arg4[%swap3A_1109, %swap3A_1110], %swap3A_1113 {strides = array<i32>} : memref<56x1024xf32, #tpu.memory_space<vmem>>, vector<1x1024xf32>,
    %sub3A_1114 = arith.subf %add3A_837, %add3A_833 : vector<1024xf32>
    %sub3A_1115 = arith.subf %add3A_407, %add3A_403 : vector<1024xf32>
    %div3A_1116 = arith.divf %sub3A_1114, %sub3A_1115 : vector<1024xf32>
    %swap3A_1117 = arith.constant 29 : index
    %swap3A_1118 = arith.constant 0 : index
    %swap3A_1119 = vector.load %arg4[%swap3A_1117, %swap3A_1118] : memref<56x1024xf32, #tpu.memory_space<vmem>>, vector<1x1024xf32>
    %swap3A_1120 = vector.shape_cast %swap3A_1119 : vector<1x1024xf32> to vector<1024xf32>
    %swap3A_1121 = vector.shape_cast %div3A_1116 : vector<1024xf32> to vector<1x1024xf32>
    tpu.vector_store %arg4[%swap3A_1117, %swap3A_1118], %swap3A_1121 {strides = array<i32>} : memref<56x1024xf32, #tpu.memory_space<vmem>>, vector<1x1024xf32>,
    %mul3A_1122 = arith.mulf %add3A_403, %div3A_1116 : vector<1024xf32>
    %sub3A_1123 = arith.subf %add3A_833, %mul3A_1122 : vector<1024xf32>
    %swap3A_1124 = arith.constant 45 : index
    %swap3A_1125 = arith.constant 0 : index
    %swap3A_1126 = vector.load %arg4[%swap3A_1124, %swap3A_1125] : memref<56x1024xf32, #tpu.memory_space<vmem>>, vector<1x1024xf32>
    %swap3A_1127 = vector.shape_cast %swap3A_1126 : vector<1x1024xf32> to vector<1024xf32>
    %swap3A_1128 = vector.shape_cast %sub3A_1123 : vector<1024xf32> to vector<1x1024xf32>
    tpu.vector_store %arg4[%swap3A_1124, %swap3A_1125], %swap3A_1128 {strides = array<i32>} : memref<56x1024xf32, #tpu.memory_space<vmem>>, vector<1x1024xf32>,
    %sub3A_1129 = arith.subf %add3A_841, %add3A_837 : vector<1024xf32>
    %sub3A_1130 = arith.subf %add3A_411, %add3A_407 : vector<1024xf32>
    %div3A_1131 = arith.divf %sub3A_1129, %sub3A_1130 : vector<1024xf32>
    %swap3A_1132 = arith.constant 30 : index
    %swap3A_1133 = arith.constant 0 : index
    %swap3A_1134 = vector.load %arg4[%swap3A_1132, %swap3A_1133] : memref<56x1024xf32, #tpu.memory_space<vmem>>, vector<1x1024xf32>
    %swap3A_1135 = vector.shape_cast %swap3A_1134 : vector<1x1024xf32> to vector<1024xf32>
    %swap3A_1136 = vector.shape_cast %div3A_1131 : vector<1024xf32> to vector<1x1024xf32>
    tpu.vector_store %arg4[%swap3A_1132, %swap3A_1133], %swap3A_1136 {strides = array<i32>} : memref<56x1024xf32, #tpu.memory_space<vmem>>, vector<1x1024xf32>,
    %mul3A_1137 = arith.mulf %add3A_407, %div3A_1131 : vector<1024xf32>
    %sub3A_1138 = arith.subf %add3A_837, %mul3A_1137 : vector<1024xf32>
    %swap3A_1139 = arith.constant 46 : index
    %swap3A_1140 = arith.constant 0 : index
    %swap3A_1141 = vector.load %arg4[%swap3A_1139, %swap3A_1140] : memref<56x1024xf32, #tpu.memory_space<vmem>>, vector<1x1024xf32>
    %swap3A_1142 = vector.shape_cast %swap3A_1141 : vector<1x1024xf32> to vector<1024xf32>
    %swap3A_1143 = vector.shape_cast %sub3A_1138 : vector<1024xf32> to vector<1x1024xf32>
    tpu.vector_store %arg4[%swap3A_1139, %swap3A_1140], %swap3A_1143 {strides = array<i32>} : memref<56x1024xf32, #tpu.memory_space<vmem>>, vector<1x1024xf32>,
    %sub3A_1144 = arith.subf %add3A_845, %add3A_841 : vector<1024xf32>
    %sub3A_1145 = arith.subf %add3A_415, %add3A_411 : vector<1024xf32>
    %div3A_1146 = arith.divf %sub3A_1144, %sub3A_1145 : vector<1024xf32>
    %swap3A_1147 = arith.constant 31 : index
    %swap3A_1148 = arith.constant 0 : index
    %swap3A_1149 = vector.load %arg4[%swap3A_1147, %swap3A_1148] : memref<56x1024xf32, #tpu.memory_space<vmem>>, vector<1x1024xf32>
    %swap3A_1150 = vector.shape_cast %swap3A_1149 : vector<1x1024xf32> to vector<1024xf32>
    %swap3A_1151 = vector.shape_cast %div3A_1146 : vector<1024xf32> to vector<1x1024xf32>
    tpu.vector_store %arg4[%swap3A_1147, %swap3A_1148], %swap3A_1151 {strides = array<i32>} : memref<56x1024xf32, #tpu.memory_space<vmem>>, vector<1x1024xf32>,
    %mul3A_1152 = arith.mulf %add3A_411, %div3A_1146 : vector<1024xf32>
    %sub3A_1153 = arith.subf %add3A_841, %mul3A_1152 : vector<1024xf32>
    %swap3A_1154 = arith.constant 47 : index
    %swap3A_1155 = arith.constant 0 : index
    %swap3A_1156 = vector.load %arg4[%swap3A_1154, %swap3A_1155] : memref<56x1024xf32, #tpu.memory_space<vmem>>, vector<1x1024xf32>
    %swap3A_1157 = vector.shape_cast %swap3A_1156 : vector<1x1024xf32> to vector<1024xf32>
    %swap3A_1158 = vector.shape_cast %sub3A_1153 : vector<1024xf32> to vector<1x1024xf32>
    tpu.vector_store %arg4[%swap3A_1154, %swap3A_1155], %swap3A_1158 {strides = array<i32>} : memref<56x1024xf32, #tpu.memory_space<vmem>>, vector<1x1024xf32>,
    %sub3A_1159 = arith.subf %add3A_849, %add3A_845 : vector<1024xf32>
    %sub3A_1160 = arith.subf %add3A_419, %add3A_415 : vector<1024xf32>
    %div3A_1161 = arith.divf %sub3A_1159, %sub3A_1160 : vector<1024xf32>
    %swap3A_1162 = arith.constant 32 : index
    %swap3A_1163 = arith.constant 0 : index
    %swap3A_1164 = vector.load %arg4[%swap3A_1162, %swap3A_1163] : memref<56x1024xf32, #tpu.memory_space<vmem>>, vector<1x1024xf32>
    %swap3A_1165 = vector.shape_cast %swap3A_1164 : vector<1x1024xf32> to vector<1024xf32>
    %swap3A_1166 = vector.shape_cast %div3A_1161 : vector<1024xf32> to vector<1x1024xf32>
    tpu.vector_store %arg4[%swap3A_1162, %swap3A_1163], %swap3A_1166 {strides = array<i32>} : memref<56x1024xf32, #tpu.memory_space<vmem>>, vector<1x1024xf32>,
    %mul3A_1167 = arith.mulf %add3A_415, %div3A_1161 : vector<1024xf32>
    %sub3A_1168 = arith.subf %add3A_845, %mul3A_1167 : vector<1024xf32>
    %swap3A_1169 = arith.constant 48 : index
    %swap3A_1170 = arith.constant 0 : index
    %swap3A_1171 = vector.load %arg4[%swap3A_1169, %swap3A_1170] : memref<56x1024xf32, #tpu.memory_space<vmem>>, vector<1x1024xf32>
    %swap3A_1172 = vector.shape_cast %swap3A_1171 : vector<1x1024xf32> to vector<1024xf32>
    %swap3A_1173 = vector.shape_cast %sub3A_1168 : vector<1024xf32> to vector<1x1024xf32>
    tpu.vector_store %arg4[%swap3A_1169, %swap3A_1170], %swap3A_1173 {strides = array<i32>} : memref<56x1024xf32, #tpu.memory_space<vmem>>, vector<1x1024xf32>,
    %broadcast_in_dim3A = arith.constant 0.000000e+00 : f32
    %broadcast_in_dim3A_1174 = vector.broadcast %broadcast_in_dim3A : f32 to vector<1024xf32>
    %swap3A_1175 = arith.constant 49 : index
    %swap3A_1176 = arith.constant 0 : index
    %swap3A_1177 = vector.load %arg4[%swap3A_1175, %swap3A_1176] : memref<56x1024xf32, #tpu.memory_space<vmem>>, vector<1x1024xf32>
    %swap3A_1178 = vector.shape_cast %swap3A_1177 : vector<1x1024xf32> to vector<1024xf32>
    %swap3A_1179 = vector.shape_cast %broadcast_in_dim3A_1174 : vector<1024xf32> to vector<1x1024xf32>
    tpu.vector_store %arg4[%swap3A_1175, %swap3A_1176], %swap3A_1179 {strides = array<i32>} : memref<56x1024xf32, #tpu.memory_space<vmem>>, vector<1x1024xf32>,
    %broadcast_in_dim3A_1180 = arith.constant 0.000000e+00 : f32
    %broadcast_in_dim3A_1181 = vector.broadcast %broadcast_in_dim3A_1180 : f32 to vector<1024xf32>
    %swap3A_1182 = arith.constant 50 : index
    %swap3A_1183 = arith.constant 0 : index
    %swap3A_1184 = vector.load %arg4[%swap3A_1182, %swap3A_1183] : memref<56x1024xf32, #tpu.memory_space<vmem>>, vector<1x1024xf32>
    %swap3A_1185 = vector.shape_cast %swap3A_1184 : vector<1x1024xf32> to vector<1024xf32>
    %swap3A_1186 = vector.shape_cast %broadcast_in_dim3A_1181 : vector<1024xf32> to vector<1x1024xf32>
    tpu.vector_store %arg4[%swap3A_1182, %swap3A_1183], %swap3A_1186 {strides = array<i32>} : memref<56x1024xf32, #tpu.memory_space<vmem>>, vector<1x1024xf32>,
    %broadcast_in_dim3A_1187 = arith.constant 0.000000e+00 : f32
    %broadcast_in_dim3A_1188 = vector.broadcast %broadcast_in_dim3A_1187 : f32 to vector<1024xf32>
    %swap3A_1189 = arith.constant 51 : index
    %swap3A_1190 = arith.constant 0 : index
    %swap3A_1191 = vector.load %arg4[%swap3A_1189, %swap3A_1190] : memref<56x1024xf32, #tpu.memory_space<vmem>>, vector<1x1024xf32>
    %swap3A_1192 = vector.shape_cast %swap3A_1191 : vector<1x1024xf32> to vector<1024xf32>
    %swap3A_1193 = vector.shape_cast %broadcast_in_dim3A_1188 : vector<1024xf32> to vector<1x1024xf32>
    tpu.vector_store %arg4[%swap3A_1189, %swap3A_1190], %swap3A_1193 {strides = array<i32>} : memref<56x1024xf32, #tpu.memory_space<vmem>>, vector<1x1024xf32>,
    %broadcast_in_dim3A_1194 = arith.constant 0.000000e+00 : f32
    %broadcast_in_dim3A_1195 = vector.broadcast %broadcast_in_dim3A_1194 : f32 to vector<1024xf32>
    %swap3A_1196 = arith.constant 52 : index
    %swap3A_1197 = arith.constant 0 : index
    %swap3A_1198 = vector.load %arg4[%swap3A_1196, %swap3A_1197] : memref<56x1024xf32, #tpu.memory_space<vmem>>, vector<1x1024xf32>
    %swap3A_1199 = vector.shape_cast %swap3A_1198 : vector<1x1024xf32> to vector<1024xf32>
    %swap3A_1200 = vector.shape_cast %broadcast_in_dim3A_1195 : vector<1024xf32> to vector<1x1024xf32>
    tpu.vector_store %arg4[%swap3A_1196, %swap3A_1197], %swap3A_1200 {strides = array<i32>} : memref<56x1024xf32, #tpu.memory_space<vmem>>, vector<1x1024xf32>,
    %broadcast_in_dim3A_1201 = arith.constant 0.000000e+00 : f32
    %broadcast_in_dim3A_1202 = vector.broadcast %broadcast_in_dim3A_1201 : f32 to vector<1024xf32>
    %swap3A_1203 = arith.constant 53 : index
    %swap3A_1204 = arith.constant 0 : index
    %swap3A_1205 = vector.load %arg4[%swap3A_1203, %swap3A_1204] : memref<56x1024xf32, #tpu.memory_space<vmem>>, vector<1x1024xf32>
    %swap3A_1206 = vector.shape_cast %swap3A_1205 : vector<1x1024xf32> to vector<1024xf32>
    %swap3A_1207 = vector.shape_cast %broadcast_in_dim3A_1202 : vector<1024xf32> to vector<1x1024xf32>
    tpu.vector_store %arg4[%swap3A_1203, %swap3A_1204], %swap3A_1207 {strides = array<i32>} : memref<56x1024xf32, #tpu.memory_space<vmem>>, vector<1x1024xf32>,
    %broadcast_in_dim3A_1208 = arith.constant 0.000000e+00 : f32
    %broadcast_in_dim3A_1209 = vector.broadcast %broadcast_in_dim3A_1208 : f32 to vector<1024xf32>
    %swap3A_1210 = arith.constant 54 : index
    %swap3A_1211 = arith.constant 0 : index
    %swap3A_1212 = vector.load %arg4[%swap3A_1210, %swap3A_1211] : memref<56x1024xf32, #tpu.memory_space<vmem>>, vector<1x1024xf32>
    %swap3A_1213 = vector.shape_cast %swap3A_1212 : vector<1x1024xf32> to vector<1024xf32>
    %swap3A_1214 = vector.shape_cast %broadcast_in_dim3A_1209 : vector<1024xf32> to vector<1x1024xf32>
    tpu.vector_store %arg4[%swap3A_1210, %swap3A_1211], %swap3A_1214 {strides = array<i32>} : memref<56x1024xf32, #tpu.memory_space<vmem>>, vector<1x1024xf32>,
    %broadcast_in_dim3A_1215 = arith.constant 0.000000e+00 : f32
    %broadcast_in_dim3A_1216 = vector.broadcast %broadcast_in_dim3A_1215 : f32 to vector<1024xf32>
    %swap3A_1217 = arith.constant 55 : index
    %swap3A_1218 = arith.constant 0 : index
    %swap3A_1219 = vector.load %arg4[%swap3A_1217, %swap3A_1218] : memref<56x1024xf32, #tpu.memory_space<vmem>>, vector<1x1024xf32>
    %swap3A_1220 = vector.shape_cast %swap3A_1219 : vector<1x1024xf32> to vector<1024xf32>
    %swap3A_1221 = vector.shape_cast %broadcast_in_dim3A_1216 : vector<1024xf32> to vector<1x1024xf32>
    tpu.vector_store %arg4[%swap3A_1217, %swap3A_1218], %swap3A_1221 {strides = array<i32>} : memref<56x1024xf32, #tpu.memory_space<vmem>>, vector<1x1024xf32>,
    return
  }
}

</mosaic_0001>

<sc_bundles>
// kernel: kernel.4.cloned.1.call-start
scs
__scs_entry_jumppad:
0x0: {  	(pc) =	sbr.rel $0x88, $3  }
0x1: {  	(tag) =	ssettag $0x0;
	lr =	simm.s32 $0x1  }
0x2: {  	[smem:$0x3F9C] =	sst lr;
	_ =	strace $0xD0000000  }
0x3: {  	_ = 	snop  }
0x4: {  	_ = 	snop  }
0x5: {  	_ = 	snop  }
0x6: {  	_ = 	snop  }
0x7: {  	_ = 	snop  }
__scs_overlays_trampoline_lowered:
0x8: {  	[smem:$0x3FAB] =	sst s0  }
0x9: {  	[smem:$0x3FAC] =	sst s1  }
0xa: {  	[smem:$0x3FAD] =	sst s2  }
0xb: {  	[smem:$0x3FAE] =	sst s3  }
0xc: {  	[smem:$0x3FAF] =	sst s4  }
0xd: {  	[smem:$0x3FB0] =	sst s5  }
0xe: {  	[smem:$0x3FB1] =	sst s6  }
0xf: {  	[smem:$0x3FB2] =	sst s7  }
0x10: {  	[smem:$0x3FB3] =	sst s8  }
0x11: {  	[smem:$0x3FB4] =	sst s9;
	s0 =	simm.s32 @!p0 $0x0  }
0x12: {  	s1 =	sld [smem:$0x3F9A];
	s0 =	simm.s32 @p0 $0x1  }
0x13: {  	[smem:$0x3FB5] =	sst s0;
	s0 =	simm.s32 @!p1 $0x0  }
0x14: {  	s2 =	sld [smem:$0x3F99];
	s0 =	simm.s32 @p1 $0x1  }
0x15: {  	[smem:$0x3FB6] =	sst s0;
	s0 =	simm.s32 @!p2 $0x0  }
0x16: {  	s3 =	sld [smem:$0x3FDB];
	s0 =	simm.s32 @p2 $0x1  }
0x17: {  	s4 =	simm.s32 $0x1BF5;
	[smem:$0x3FB8] =	sst s0  }
0x18: {  	s0 =	sld [smem:$0x3F9B];
	_ =	swait.ge [sflag:s4], $0x0  }
0x19: {  	s7 =	sld [smem:$0x3F9C]  }
0x1a: {  	s8 =	sadd.s32 $0xFFFFE003, lr  }
0x1b: {  	s9 =	sadd.s32 $0xFFFFFEF7, lr;
	s5 =	simm.s32 $0xFFFFFFFF;
	p2 =	slt.u32 s8, $0xFFFFF086  }
0x1c: {  	p1 =	slt.u32 s9, $0xF7A;
	s5 =	simm.s32 @!p2 $0x0  }
0x1d: {  	s5 =	simm.s32 @p1 $0x1;
	p0 =	seq.s32 s7, s2  }
0x1e: {  	s7 =	smul.u32 @!p0 $0xF7A, s2;
	p2 =	seq.s32 @!p0 s5, $0x0  }
0x1f: {  	s9 =	smul.u32 $0xF7A, s1;
	s8 =	simm.s32 @!p0 $0x1BF5;
	p2 =	por !p2, p0  }
0x20: {  	[sflag:s8] =	ssyncset.s32 @!p0 $0xFFFFF086;
	s6 =	sadd.s32 @!p0 s3, s7;
	s7 =	simm.s32 @!p0 $0x108  }
0x21: {  	s3 =	sadd.s32 s3, s9;
	s6 =	sadd.s32 @!p0 $0x88, s6;
	s7 =	simm.s32 @p2 $0x1082  }
0x22: {  	[simem:s7], [sflag:s8] =	dma.local @!p0 [hbm:s6], $0xF7A  }
0x23: {  	s9 =	sor.u32 $0xD0000000, s2;
	s6 =	simm.s32 $0x108;
	_ =	swait.ge @!p0 [sflag:s8], $0x0  }
0x24: {  	s3 =	sadd.s32 $0x88, s3;
	s6 =	simm.s32 @!p1 $0x1082;
	[sflag:s4] =	ssyncset.s32 $0xFFFFF086  }
0x25: {  	[simem:s6], [sflag:s4] =	dma.local [hbm:s3], $0xF7A  }
0x26: {  	[smem:$0x3F9C] =	sst s1;
	(tag) =	ssettag s2;
	_ =	strace s9  }
0x27: {  	s1 =	sld [smem:$0x3FAC]  }
0x28: {  	s2 =	sld [smem:$0x3FAD]  }
0x29: {  	s4 =	sld [smem:$0x3FAF]  }
0x2a: {  	p0 =	seq.s32 s5, $0x0;
	s5 =	sld [smem:$0x3FB0]  }
0x2b: {  	s6 =	sld [smem:$0x3FB1]  }
0x2c: {  	s7 =	sld [smem:$0x3FB2]  }
0x2d: {  	s3 =	simm.s32 $0x108;
	s8 =	sld [smem:$0x3FB3]  }
0x2e: {  	s3 =	simm.s32 @!p0 $0x1082;
	s9 =	sld [smem:$0x3FB4]  }
0x2f: {  	lr =	sadd.s32 s0, s3;
	s0 =	sld [smem:$0x3FAB]  }
0x30: {  	s3 =	sld [smem:$0x3FAE]  }
0x31: {  	[smem:$0x3FB7] =	sst s10  }
0x32: {  	s10 =	sld [smem:$0x3FB5];
	_ =	sdelay $0x3  }
0x33: {  	p0 =	seq.s32 s10, $0x1;
	s10 =	sld [smem:$0x3FB7];
	_ =	sdelay $0x3  }
0x34: {  	[smem:$0x3FB7] =	sst s10  }
0x35: {  	s10 =	sld [smem:$0x3FB6];
	_ =	sdelay $0x3  }
0x36: {  	p1 =	seq.s32 s10, $0x1;
	s10 =	sld [smem:$0x3FB7];
	_ =	sdelay $0x3  }
0x37: {  	[smem:$0x3FB7] =	sst s10  }
0x38: {  	s10 =	sld [smem:$0x3FB8]  }
0x39: {  	_ = 	snop;
	(pc) =	sbr.ind lr, $3  }
0x3a: {  	_ = 	snop  }
0x3b: {  	_ = 	snop  }
0x3c: {  	p2 =	seq.s32 s10, $0x1;
	s10 =	sld [smem:$0x3FB7]  }
0x3d: {  	_ =	shalt  }
0x3e: {  	_ =	shalt  }
0x3f: {  	_ =	shalt  }
0x40: {  	_ =	shalt  }
0x41: {  	_ =	shalt  }
0x42: {  	_ =	shalt  }
0x43: {  	_ =	shalt  }
0x44: {  	_ =	shalt  }
0x45: {  	_ =	shalt  }
0x46: {  	_ =	shalt  }
0x47: {  	_ =	shalt  }
0x48: {  	_ =	shalt  }
0x49: {  	_ =	shalt  }
0x4a: {  	_ =	shalt  }
0x4b: {  	_ =	shalt  }
0x4c: {  	_ =	shalt  }
0x4d: {  	_ =	shalt  }
0x4e: {  	_ =	shalt  }
0x4f: {  	_ =	shalt  }
0x50: {  	_ =	shalt  }
0x51: {  	_ =	shalt  }
0x52: {  	_ =	shalt  }
0x53: {  	_ =	shalt  }
0x54: {  	_ =	shalt  }
0x55: {  	_ =	shalt  }
0x56: {  	_ =	shalt  }
0x57: {  	_ =	shalt  }
0x58: {  	_ =	shalt  }
0x59: {  	_ =	shalt  }
0x5a: {  	_ =	shalt  }
0x5b: {  	_ =	shalt  }
0x5c: {  	_ =	shalt  }
0x5d: {  	_ =	shalt  }
0x5e: {  	_ =	shalt  }
0x5f: {  	_ =	shalt  }
0x60: {  	_ =	shalt  }
0x61: {  	_ =	shalt  }
0x62: {  	_ =	shalt  }
0x63: {  	_ =	shalt  }
0x64: {  	_ =	shalt  }
0x65: {  	_ =	shalt  }
0x66: {  	_ =	shalt  }
0x67: {  	_ =	shalt  }
0x68: {  	_ =	shalt  }
0x69: {  	_ =	shalt  }
0x6a: {  	_ =	shalt  }
0x6b: {  	_ =	shalt  }
0x6c: {  	_ =	shalt  }
0x6d: {  	_ =	shalt  }
0x6e: {  	_ =	shalt  }
0x6f: {  	_ =	shalt  }
0x70: {  	_ =	shalt  }
0x71: {  	_ =	shalt  }
0x72: {  	_ =	shalt  }
0x73: {  	_ =	shalt  }
0x74: {  	_ =	shalt  }
0x75: {  	_ =	shalt  }
0x76: {  	_ =	shalt  }
0x77: {  	_ =	shalt  }
0x78: {  	_ =	shalt  }
0x79: {  	_ =	shalt  }
0x7a: {  	_ =	shalt  }
0x7b: {  	_ =	shalt  }
0x7c: {  	_ =	shalt  }
0x7d: {  	_ =	shalt  }
0x7e: {  	_ =	shalt  }
0x7f: {  	_ =	shalt  }
0x80: {  	_ =	shalt  }
0x81: {  	_ =	shalt  }
0x82: {  	_ =	shalt  }
0x83: {  	_ =	shalt  }
0x84: {  	_ =	shalt  }
0x85: {  	_ =	shalt  }
0x86: {  	_ =	shalt  }
0x87: {  	_ =	shalt  }
.Lfunc_end0:
.L_simem_size_0:
called_computation_lowered:
.L_overlay_start_0:
0x88: {  	s2 =	sld [smem:$0x3FD9]  }
0x89: {  	s3 =	sld [smem:$0x3FFE];
	_ =	sdelay $0x1  }
0x8a: {  	s1 =	srdreg.scid  }
0x8b: {  	s0 =	sand.u32 $0x1, s1  }
0x8c: {  	s17 =	sshll.u32 s0, $0xA;
	s2 =	sadd.s32 s3, s2  }
0x8d: {  	s2 =	sadd.s32 s2, s17  }
0x8e: {  	[smem:$0x3FC3] =	sst s2  }
0x8f: {  	_ = 	snop  }
0x90: {  	s2 =	sld [smem:$0x3FC9]  }
0x91: {  	s18 =	sld [smem:$0x3FD0];
	(tm) =	ssettm $0x1  }
0x92: {  	s4 =	sld [smem:$0x3FFB];
	_ =	sdelay $0x3  }
0x93: {  	_ =	strace s4  }
0x94: {  	s4 =	sld [smem:$0x3FFC];
	_ =	sdelay $0x3  }
0x95: {  	_ =	strace s4  }
0x96: {  	s4 =	sld [smem:$0x3FFD];
	_ =	sdelay $0x3  }
0x97: {  	_ =	strace s4  }
0x98: {  	_ =	strace $0x8FFFFFFF  }
0x99: {  	s19 =	sld [smem:$0x3FDB];
	_ =	sdelay $0x1  }
0x9a: {  	s5 =	simm.s32 $_scs_section_size  }
0x9b: {  	s6 =	simm.s32 $_size__tile_overlayer_lowered;
	s7 =	simm.s32 $_tile_overlayer_lowered  }
0x9c: {  	s22 =	simm.s32 $0x1BFF;
	s21 =	sshll.u32 s7, $0x1;
	s4 =	sadd.s32 s5, s19  }
0x9d: {  	s8 =	simm.s32 $0x0;
	s20 =	sshll.u32 s6, $0x1;
	s6 =	sadd.s32 s21, s4  }
0x9e: {  	[timem:s8], [sflag:s22] =	dma.local [hbm:s6], s20  }
0x9f: {  	_ =	swait.ge [sflag:s22], s20  }
0xa0: {  	s5 =	ssub.s32 $0x0, s20;
	[sflag:s22] =	ssyncset.done $0x0  }
0xa1: {  	[sflag:s22] =	ssyncadd.s32 s5;
	_ =	sdelay $0x1  }
0xa2: {  	s23 =	simm.s32 $0x1B8B  }
0xa3: {  	_ =	swait.ge [sflag:s23], $0x1  }
0xa4: {  	[sflag:s23] =	ssyncset.done $0x0  }
0xa5: {  	s25 =	simm.s32 $0x1B8E;
	s24 =	sld [smem:$0x3FFE];
	[sflag:s23] =	ssyncadd.s32 $0xFFFFFFFF  }
0xa6: {  	s26 =	simm.s32 $execute0_lowered;
	[smem:$0x3FD2] =	sst s25  }
0xa7: {  	s6 =	sshll.u32 s26, $0x1;
	_ =	strace $0x80000046;
	[dreg:$0x1] =	wrdreg $0xFFFFFFFF  }
0xa8: {  	s28 =	simm.s32 $_size_execute0_lowered;
	s4 =	sadd.s32 s4, s6;
	[dreg:$0x0] =	wrdreg $0x0  }
0xa9: {  	s6 =	sshll.u32 s28, $0x1;
	[dreg:$0x2] =	wrdreg s4  }
0xaa: {  	[dreg:$0x3] =	wrdreg s6  }
0xab: {  	[dreg:$0x4] =	wrdreg $0xC0  }
0xac: {  	_ =	task [dreg:s8], $0x5FFFF  }
0xad: {  	[dreg:$0x1] =	wrdreg $0xFFFFFFFF  }
0xae: {  	[dreg:$0x0] =	wrdreg $0x60  }
0xaf: {  	[dreg:$0x2] =	wrdreg s2  }
0xb0: {  	[dreg:$0x3] =	wrdreg s24  }
0xb1: {  	[dreg:$0x4] =	wrdreg s18  }
0xb2: {  	[dreg:$0x5] =	wrdreg $0x9  }
0xb3: {  	_ =	task.clear_ibuf [dreg:s8], $0x6FFFF;
	_ =	strace $0x90000046  }
0xb4: {  	s29 =	simm.s32 $0x9;
	_ =	strace $0x80000048  }
0xb5: {  	_ =	swait.ge [sflag:s29], $0x1  }
0xb6: {  	[sflag:s29] =	ssyncadd.s32 $0xFFFFFFFF  }
0xb7: {  	_ =	strace $0x90000048  }
0xb8: {  	_ =	sfence  }
0xb9: {  	s30 =	sld [smem:$0x0];
	_ =	sdelay $0x2  }
0xba: {  	s31 =	sshll.u32 s1, $0xD;
	s1 =	sshrl.u32 s1, $0x2  }
0xbb: {  	s3 =	sand.u32 $0x4000, s31;
	s1 =	sadd.s32 s1, s30  }
0xbc: {  	s0 =	sor.u32 s3, s0;
	s1 =	sshll.u32 s1, $0x11  }
0xbd: {  	s0 =	sor.u32 s1, s0  }
0xbe: {  	s0 =	sadd.s32 $0x8F2B, s0  }
0xbf: {  	[sflag:s0] =	ssyncadd.remote.s32 $0x1  }
0xc0: {  	_ =	sfence.sel $0xFFFF  }
0xc1: {  	[dreg:$0x0] =	wrdreg $0xFFFFFFFF;
	(pc) =	sbr.abs _section_cstart, $3  }
0xc2: {  	[dreg:$0x1] =	wrdreg $0xFFFFFFFF  }
0xc3: {  	_ =	task.clear_ibuf [dreg:s8], $0x2FFFF;
	_ =	strace $0x9FFFFFFF  }
0xc4: {  	(tm) =	ssettm $0x7FFFFFFF  }
0xc5: {  	_ =	shalt  }
tec
execute0_lowered:
.L_overlay_start_1:
0x0: {  	(tag) =	ssettag $0x1  }
0x1: {  	s1 =	rddreg [dreg:$0x0]  }
0x2: {  	s0 =	rddreg [dreg:$0x1]  }
0x3: {  	s3 =	rddreg [dreg:$0x2];
	s4 =	simm.s32 $0x0;
	s6 =	stileid.u32  }
0x4: {  	s2 =	srdreg.scid;
	s11 =	simm.s32 $0x5;
	s12 =	simm.s32 $0x400  }
0x5: {  	s13 =	simm.s32 $0x2000;
	s14 =	simm.s32 $0xE000;
	s15 =	simm.s32 $0x12000  }
0x6: {  	s16 =	simm.s32 $0x1;
	s17 =	simm.s32 $0x16000;
	s18 =	simm.s32 $0x2  }
0x7: {  	s19 =	simm.s32 $0x1A000;
	s20 =	simm.s32 $0x3;
	s21 =	simm.s32 $0x4  }
0x8: {  	[smem:$0x7FF] =	sst s4;
	s5 =	sshll.u32 s6, $0x1;
	s2 =	sand.u32 $0x1, s2  }
0x9: {  	s8 =	sshrl.u32 s6, $0x2;
	s5 =	sand.u32 $0x6, s5;
	s7 =	ssub.s32 $0x2, s2  }
0xa: {  	v0 =	vlaneseq.u32;
	s6 =	sadd.s32 $0xC00, s0;
	s2 =	sor.u32 s2, s5;
	s9 =	sshrl.u32 s7, $0x1  }
0xb: {  	v0 =	vor.u32 $0x2000, v0;
	_ =	strace $0x80000047;
	s28 =	ssub.s32 s7, s9;
	s7 =	sshll.u32 s2, $0x7  }
0xc: {  	s10 =	sshll.u32 s8, $0x15;
	[tilespmem:$0x1FFC0] =	vst v0;
	s5 =	sshll.u32 s2, $0xA;
	s31 =	sor.u32 $0x4000, s7;
	v61 =	vmov s7  }
0xd: {  	s8 =	sshll.u32 s8, $0x4;
	s29 =	sor.u32 s10, s5;
	s22 =	sor.u32 $0x2000, s7;
	[tilespmem:$0x1FFD0] =	vst v61;
	v62 =	vmov s31  }
0xe: {  	s23 =	sor.u32 $0x1000, s7;
	s24 =	sor.u32 $0x3000, s7;
	s30 =	sshrl.u32 s29, $0x3;
	v63 =	vmov s22;
	[tilespmem:$0x1FFE0] =	vst v62  }
0xf: {  	s10 =	smax.u32 s28, $0x1;
	v5 =	vmov s23;
	v6 =	vmov s24;
	s22 =	simm.s32 $0x0;
	s9 =	sadd.s32 s1, s30;
	[tilespmem:$0x1FFF0] =	vst v63  }
.LBB2_1:
0x10: {  	[tilespmem:s4], [sflag:$0x5] =	stream.linear.gather [hbm4b:s6+s4], $0xE000, $0x38;
	[tilespmem:$0x1E000] =	vst v63  }
0x11: {  	_ =	swait.ge [sflag:s11], $0xE000  }
0x12: {  	[sflag:s11] =	ssyncset.done $0x0  }
0x13: {  	s23 =	simm.s32 $0x0;
	[sflag:s11] =	ssyncadd.s32 $0xFFFF2000  }
0x14: {  	[tilespmem:s14], [sflag:$0x1] =	stream.strided.gather [hbm4b:s9+s12], $0x4000, s13, s12, $0x38;
	[tilespmem:$0x1E000] =	vst v63  }
.LBB2_2:
0x15: {  	s25 =	sshll.u32 s23, $0x1  }
0x16: {  	s0 =	sadd.s32 s8, s25  }
0x17: {  	s0 =	sshll.u32 s0, $0x11  }
0x18: {  	s0 =	sor.u32 s5, s0  }
0x19: {  	s26 =	sshrl.u32 s0, $0x3  }
0x1a: {  	s24 =	sor.u32 $0x4000, s26  }
0x1b: {  	s31 =	sadd.s32 s1, s24  }
0x1c: {  	[tilespmem:s15], [sflag:$0x2] =	stream.strided.gather [hbm4b:s31+s12], $0x4000, s13, s12, $0x38;
	[tilespmem:$0x1E000] =	vst v63  }
0x1d: {  	_ =	swait.ge [sflag:s16], $0x4000  }
0x1e: {  	p0 =	seq.s32 s23, $0x0;
	[sflag:s16] =	ssyncset.done $0x0  }
0x1f: {  	s0 =	simm.s32 @!p0 $0x3;
	[sflag:s16] =	ssyncadd.s32 $0xFFFFC000  }
0x20: {  	_ =	swait.ge @!p0 [sflag:s0], $0x4000  }
0x21: {  	s28 =	simm.s32 $0x0;
	[sflag:s0] =	ssyncset.done @!p0 $0x0  }
0x22: {  	s29 =	simm.s32 $0x16400;
	s30 =	simm.s32 $0xE400;
	[sflag:s0] =	ssyncadd.s32 @!p0 $0xFFFFC000  }
.LBB2_3:
0x23: {  	v0 =	vld [tilespmem:$0x1FFF0];
	_ =	sdelay $0x4  }
0x24: {  	v29 =	vld [tilespmem:s30+$0x380]  }
0x25: {  	s0 =	sshll.u32 s28, $0x4;
	v63 =	vld [tilespmem:$0x1FFC0]  }
0x26: {  	v8 =	vld.idx.msk [tilespmem:v5+s0+$0x0 ss:$0x1], $0xffff  }
0x27: {  	v7 =	vld.idx.msk [tilespmem:v0+s0+$0x0 ss:$0x1], $0xffff  }
0x28: {  	v9 =	vld.idx.msk [tilespmem:v6+s0+$0x0 ss:$0x1], $0xffff;
	_ =	sdelay $0x1  }
0x29: {  	v26 =	vld [tilespmem:s30+$0xFFFFFD00]  }
0x2a: {  	v62 =	vlaneseq.u32;
	v12 =	vld [tilespmem:s30+$0xFFFFFD80];
	s2 =	sor.u32 s7, s0  }
0x2b: {  	v27 =	vld [tilespmem:s30+$0xFFFFFC80];
	v10 =	vor.u32 s2, v62;
	v11 =	vor.u32 s2, v63;
	vm0 =	vge.f32 v29, v7  }
0x2c: {  	v13 =	vld [tilespmem:s30+$0xFFFFFE00];
	v15 =	vsel vm0, v11, v10;
	v14 =	vsel vm0, v9, v8  }
0x2d: {  	v16 =	vadd.s32 $0x1000, v15;
	vm0 =	vge.f32 v29, v14;
	v14 =	vld [tilespmem:s30+$0xFFFFFE80]  }
0x2e: {  	vm1 =	vge.f32 v26, v7;
	v24 =	vsel vm0, v16, v15;
	v15 =	vld [tilespmem:s30+$0xFFFFFF00]  }
0x2f: {  	vm2 =	vge.f32 v12, v7;
	v32 =	vsel vm1, v11, v10;
	v33 =	vsel vm1, v9, v8;
	v16 =	vld [tilespmem:s30+$0xFFFFFF80]  }
0x30: {  	v17 =	vld [tilespmem:s30+$0x0];
	v34 =	vsel vm2, v11, v10;
	v35 =	vsel vm2, v9, v8;
	vm0 =	vge.f32 v27, v7  }
0x31: {  	v18 =	vld [tilespmem:s30+$0x80];
	v30 =	vsel vm0, v11, v10;
	v31 =	vsel vm0, v9, v8;
	vm0 =	vge.f32 v13, v7  }
0x32: {  	v19 =	vld [tilespmem:s30+$0x100];
	v25 =	vadd.s32 $0x800, v24;
	v36 =	vsel vm0, v11, v10;
	v37 =	vsel vm0, v9, v8  }
0x33: {  	v20 =	vld [tilespmem:s30+$0x180];
	v2 =	vadd.s32 $0x1000, v30;
	vm4 =	vge.f32 v13, v37;
	vm1 =	vge.f32 v14, v7  }
0x34: {  	vm2 =	vge.f32 v15, v7;
	vm0 =	vge.f32 v16, v7;
	v38 =	vsel vm1, v11, v10  }
0x35: {  	v21 =	vld [tilespmem:s30+$0x200];
	v39 =	vsel vm1, v9, v8;
	vm1 =	vge.f32 v17, v7;
	v40 =	vsel vm2, v11, v10  }
0x36: {  	v22 =	vld [tilespmem:s30+$0x280];
	v41 =	vsel vm2, v9, v8;
	vm2 =	vge.f32 v18, v7;
	v42 =	vsel vm0, v11, v10  }
0x37: {  	v23 =	vld [tilespmem:s30+$0x300];
	v43 =	vsel vm0, v9, v8;
	vm0 =	vge.f32 v19, v7;
	v44 =	vsel vm1, v11, v10  }
0x38: {  	v45 =	vsel vm1, v9, v8;
	vm1 =	vge.f32 v20, v7;
	v37 =	vadd.s32 $0x1000, v38  }
0x39: {  	v28 =	vld.idx.msk [tilespmem:v25+s4+$0x0], $0xffff;
	vm5 =	vge.f32 v14, v39;
	v46 =	vsel vm2, v11, v10;
	v47 =	vsel vm2, v9, v8  }
0x3a: {  	vm2 =	vge.f32 v21, v7;
	v48 =	vsel vm0, v11, v10;
	v49 =	vsel vm0, v9, v8  }
0x3b: {  	vm0 =	vge.f32 v22, v7;
	v50 =	vsel vm1, v11, v10;
	v51 =	vsel vm1, v9, v8  }
0x3c: {  	vm1 =	vge.f32 v23, v7;
	v39 =	vadd.s32 $0x1000, v40;
	vm7 =	vge.f32 v15, v41  }
0x3d: {  	v41 =	vadd.s32 $0x1000, v42;
	v37 =	vsel vm5, v37, v38;
	v52 =	vsel vm2, v11, v10  }
0x3e: {  	v53 =	vsel vm2, v9, v8;
	v54 =	vsel vm0, v11, v10;
	vm3 =	vge.f32 v29, v28;
	v28 =	vld [tilespmem:s30+$0xFFFFFC00]  }
0x3f: {  	v57 =	vsel vm0, v9, v8;
	v59 =	vsel vm1, v11, v10;
	v24 =	vsel vm3, v25, v24  }
0x40: {  	v60 =	vsel vm1, v9, v8;
	vm1 =	vge.f32 v27, v31;
	v25 =	vadd.s32 $0x400, v24  }
0x41: {  	v31 =	vadd.s32 $0x1000, v32;
	v39 =	vsel vm7, v39, v40;
	v40 =	vadd.s32 $0x800, v37  }
0x42: {  	v1 =	vadd.s32 $0x1000, v54;
	vm3 =	vge.f32 v12, v35;
	v35 =	vadd.s32 $0x1000, v36  }
0x43: {  	v0 =	vld [tilespmem:$0x1FFE0];
	v3 =	vadd.s32 $0x1000, v59;
	v35 =	vsel vm4, v35, v36;
	vm2 =	vge.f32 v28, v7  }
0x44: {  	v62 =	vld [tilespmem:$0x1FFD0];
	v38 =	vadd.s32 $0x800, v35;
	v55 =	vsel vm2, v11, v10;
	v56 =	vsel vm2, v9, v8  }
0x45: {  	vm2 =	vge.f32 v26, v33;
	v33 =	vadd.s32 $0x1000, v34;
	v58 =	vld.idx.msk [tilespmem:v25+s4+$0x0], $0xffff;
	v61 =	vadd.s32 $0x1000, v55  }
0x46: {  	vm0 =	vge.f32 v28, v56;
	v32 =	vsel vm2, v31, v32;
	v33 =	vsel vm3, v33, v34  }
0x47: {  	vm2 =	vge.f32 v19, v49;
	vm3 =	vge.f32 v20, v51;
	v55 =	vsel vm0, v61, v55  }
0x48: {  	vm0 =	vge.f32 v17, v45;
	v45 =	vsel vm1, v2, v30;
	vm1 =	vge.f32 v18, v47  }
0x49: {  	v34 =	vadd.s32 $0x800, v32;
	v47 =	vadd.s32 $0x1000, v48;
	v36 =	vadd.s32 $0x800, v33  }
0x4a: {  	v56 =	vadd.s32 $0x800, v55;
	v63 =	vadd.s32 $0x800, v45;
	vm6 =	vge.f32 v29, v58  }
0x4b: {  	v47 =	vsel vm2, v47, v48;
	v58 =	vadd.s32 $0x1000, v44;
	v24 =	vsel vm6, v25, v24;
	v25 =	vld.idx.msk [tilespmem:v0+s0+$0x0 ss:$0x1], $0xffff  }
0x4c: {  	vm6 =	vge.f32 v16, v43;
	v44 =	vsel vm0, v58, v44;
	v43 =	vadd.s32 $0x4400, v24  }
0x4d: {  	vm0 =	vge.f32 v21, v53;
	v61 =	vadd.s32 $0x8400, v24;
	v24 =	vld.idx.msk [tilespmem:v62+s0+$0x0 ss:$0x1], $0xffff;
	v62 =	vadd.s32 $0x1000, v46  }
0x4e: {  	v41 =	vsel vm6, v41, v42;
	v42 =	vadd.s32 $0x800, v39;
	v53 =	vadd.s32 $0x800, v44  }
0x4f: {  	v58 =	vadd.s32 $0x800, v41;
	v46 =	vsel vm1, v62, v46;
	vm1 =	vge.f32 v22, v57  }
0x50: {  	v48 =	vadd.s32 $0x800, v46;
	v1 =	vsel vm1, v1, v54;
	vm6 =	vle.f32 v28, v25  }
0x51: {  	vm9 =	vle.f32 v27, v25;
	vm11 =	vle.f32 v26, v25;
	vm5 =	vle.f32 v13, v25;
	v30 =	vld.idx.msk [tilespmem:v43+s4+$0x0], $0xffff  }
0x52: {  	vm14 =	vle.f32 v17, v25;
	v31 =	vld.idx.msk [tilespmem:v61+s4+$0x0], $0xffff;
	v43 =	vadd.s32 $0x1000, v50;
	v61 =	vadd.s32 $0x1000, v52  }
0x53: {  	v49 =	vld.idx.msk [tilespmem:v56+s4+$0x0], $0xffff;
	vm4 =	vge.f32 v28, v24;
	vm8 =	vge.f32 v27, v24;
	vm10 =	vge.f32 v26, v24  }
0x54: {  	v51 =	vld.idx.msk [tilespmem:v63+s4+$0x0], $0xffff;
	vm7 =	vge.f32 v15, v24;
	vm13 =	vge.f32 v17, v24;
	vm15 =	vge.f32 v18, v24  }
0x55: {  	v0 =	vld.idx.msk [tilespmem:v34+s4+$0x0], $0xffff;
	v43 =	vsel vm3, v43, v50;
	v50 =	vadd.s32 $0x800, v47;
	v52 =	vsel vm0, v61, v52  }
0x56: {  	vm0 =	vge.f32 v23, v60;
	vm3 =	vge.f32 v13, v24;
	vm4 =	vmand vm4, vm6  }
0x57: {  	v62 =	vld.idx.msk [tilespmem:v36+s4+$0x0], $0xffff;
	vm6 =	vle.f32 v14, v25;
	v61 =	vadd.s32 $0x800, v43;
	v54 =	vadd.s32 $0x800, v52  }
0x58: {  	v2 =	vld.idx.msk [tilespmem:v38+s4+$0x0], $0xffff;
	v3 =	vsel vm0, v3, v59;
	v59 =	vadd.s32 $0x800, v1;
	vm0 =	vge.f32 v28, v49  }
0x59: {  	v57 =	vld.idx.msk [tilespmem:v40+s4+$0x0], $0xffff;
	vm12 =	vmand vm3, vm5;
	v55 =	vsel vm0, v56, v55;
	vm0 =	vge.f32 v27, v51  }
0x5a: {  	v4 =	vld.idx.msk [tilespmem:v42+s4+$0x0], $0xffff;
	vm3 =	vge.f32 v19, v24;
	v45 =	vsel vm0, v63, v45;
	vm0 =	vge.f32 v26, v0  }
0x5b: {  	v60 =	vld.idx.msk [tilespmem:v58+s4+$0x0], $0xffff;
	v56 =	vadd.s32 $0x800, v3;
	v63 =	vadd.s32 $0x400, v55;
	v32 =	vsel vm0, v34, v32  }
0x5c: {  	v49 =	vld.idx.msk [tilespmem:v53+s4+$0x0], $0xffff;
	v34 =	vadd.s32 $0x400, v45;
	vm0 =	vge.f32 v12, v62;
	v30 =	vmul.f32 v30, v29  }
0x5d: {  	v51 =	vld.idx.msk [tilespmem:v48+s4+$0x0], $0xffff;
	v33 =	vsel vm0, v36, v33;
	v36 =	vadd.s32 $0x400, v32;
	vm0 =	vge.f32 v13, v2  }
0x5e: {  	v0 =	vld.idx.msk [tilespmem:v50+s4+$0x0], $0xffff;
	v35 =	vsel vm0, v38, v35;
	v38 =	vadd.s32 $0x400, v33;
	vm0 =	vge.f32 v14, v57  }
0x5f: {  	v62 =	vld.idx.msk [tilespmem:v61+s4+$0x0], $0xffff;
	v30 =	vadd.f32 v31, v30;
	v37 =	vsel vm0, v40, v37;
	vm0 =	vge.f32 v15, v4  }
0x60: {  	v2 =	vld.idx.msk [tilespmem:v54+s4+$0x0], $0xffff;
	v40 =	vadd.s32 $0x400, v35;
	v39 =	vsel vm0, v42, v39;
	vm0 =	vge.f32 v16, v60  }
0x61: {  	v42 =	vadd.s32 $0x400, v37;
	v60 =	vld.idx.msk [tilespmem:v63+s4+$0x0], $0xffff;
	v41 =	vsel vm0, v58, v41;
	vm0 =	vge.f32 v17, v49  }
0x62: {  	v57 =	vld.idx.msk [tilespmem:v59+s4+$0x0], $0xffff;
	v58 =	vadd.s32 $0x400, v39;
	v44 =	vsel vm0, v53, v44;
	vm0 =	vge.f32 v18, v51  }
0x63: {  	v4 =	vld.idx.msk [tilespmem:v56+s4+$0x0], $0xffff;
	v53 =	vadd.s32 $0x400, v41;
	v46 =	vsel vm0, v48, v46;
	vm0 =	vge.f32 v19, v0  }
0x64: {  	v49 =	vld.idx.msk [tilespmem:v34+s4+$0x0], $0xffff;
	v48 =	vadd.s32 $0x400, v44;
	v47 =	vsel vm0, v50, v47;
	vm0 =	vge.f32 v20, v62  }
0x65: {  	v51 =	vld.idx.msk [tilespmem:v36+s4+$0x0], $0xffff;
	v50 =	vadd.s32 $0x400, v46;
	v43 =	vsel vm0, v61, v43;
	vm0 =	vge.f32 v21, v2  }
0x66: {  	v0 =	vld.idx.msk [tilespmem:v38+s4+$0x0], $0xffff;
	v61 =	vadd.s32 $0x400, v47;
	vm1 =	vge.f32 v28, v60;
	v52 =	vsel vm0, v54, v52  }
0x67: {  	v62 =	vld.idx.msk [tilespmem:v40+s4+$0x0], $0xffff;
	v54 =	vadd.s32 $0x400, v43;
	vm0 =	vge.f32 v22, v57;
	v55 =	vsel vm1, v63, v55  }
0x68: {  	v2 =	vld.idx.msk [tilespmem:v42+s4+$0x0], $0xffff;
	vm1 =	vle.f32 v29, v25;
	v1 =	vsel vm0, v59, v1;
	vm0 =	vge.f32 v23, v4  }
0x69: {  	v57 =	vld.idx.msk [tilespmem:v58+s4+$0x0], $0xffff;
	v59 =	vadd.s32 $0x400, v52;
	v3 =	vsel vm0, v56, v3;
	vm0 =	vge.f32 v27, v49  }
0x6a: {  	v4 =	vld.idx.msk [tilespmem:v53+s4+$0x0], $0xffff;
	v60 =	vadd.s32 $0x400, v1;
	v49 =	vadd.s32 $0x400, v3;
	v34 =	vsel vm0, v34, v45  }
0x6b: {  	v56 =	vld.idx.msk [tilespmem:v48+s4+$0x0], $0xffff;
	v45 =	vadd.s32 $0x4400, v55;
	vm0 =	vge.f32 v26, v51;
	v55 =	vadd.s32 $0x8400, v55  }
0x6c: {  	v63 =	vld.idx.msk [tilespmem:v50+s4+$0x0], $0xffff;
	v32 =	vsel vm0, v36, v32;
	v36 =	vadd.s32 $0x4400, v34;
	vm0 =	vge.f32 v12, v0  }
0x6d: {  	v51 =	vld.idx.msk [tilespmem:v61+s4+$0x0], $0xffff;
	v34 =	vadd.s32 $0x8400, v34;
	v33 =	vsel vm0, v38, v33;
	vm0 =	vge.f32 v13, v62  }
0x6e: {  	v0 =	vld.idx.msk [tilespmem:v54+s4+$0x0], $0xffff;
	v38 =	vadd.s32 $0x4400, v32;
	v32 =	vadd.s32 $0x8400, v32;
	v35 =	vsel vm0, v40, v35  }
0x6f: {  	v62 =	vld.idx.msk [tilespmem:v59+s4+$0x0], $0xffff;
	v40 =	vadd.s32 $0x4400, v33;
	vm0 =	vge.f32 v14, v2;
	v33 =	vadd.s32 $0x8400, v33  }
0x70: {  	v2 =	vld.idx.msk [tilespmem:v60+s4+$0x0], $0xffff;
	v37 =	vsel vm0, v42, v37;
	v42 =	vadd.s32 $0x4400, v35;
	vm0 =	vge.f32 v15, v57  }
0x71: {  	vm2 =	vge.f32 v17, v56;
	v35 =	vadd.s32 $0x8400, v35;
	v57 =	vld.idx.msk [tilespmem:v49+s4+$0x0], $0xffff;
	v39 =	vsel vm0, v58, v39  }
0x72: {  	v58 =	vadd.s32 $0x4400, v37;
	vm0 =	vge.f32 v16, v4;
	v4 =	vld.idx.msk [tilespmem:v45+s4+$0x0], $0xffff;
	v37 =	vadd.s32 $0x8400, v37  }
0x73: {  	v45 =	vadd.s32 $0x4400, v39;
	v41 =	vsel vm0, v53, v41;
	v36 =	vld.idx.msk [tilespmem:v36+s4+$0x0], $0xffff;
	vm0 =	vge.f32 v29, v24  }
0x74: {  	v39 =	vadd.s32 $0x8400, v39;
	v34 =	vld.idx.msk [tilespmem:v34+s4+$0x0], $0xffff;
	v53 =	vadd.s32 $0x4400, v41;
	vm0 =	vmand vm0, vm1  }
0x75: {  	v38 =	vld.idx.msk [tilespmem:v38+s4+$0x0], $0xffff;
	vm1 =	vge.f32 v19, v51;
	v41 =	vadd.s32 $0x8400, v41;
	v29 =	vsel vm0, v30, v29  }
0x76: {  	v32 =	vld.idx.msk [tilespmem:v32+s4+$0x0], $0xffff;
	v30 =	vsel vm2, v48, v44;
	vm0 =	vge.f32 v18, v63;
	v47 =	vsel vm1, v61, v47  }
0x77: {  	v40 =	vld.idx.msk [tilespmem:v40+s4+$0x0], $0xffff;
	vm1 =	vge.f32 v21, v62;
	vm2 =	vle.f32 v12, v25;
	v46 =	vsel vm0, v50, v46  }
0x78: {  	v44 =	vld.idx.msk [tilespmem:v55+s4+$0x0], $0xffff;
	vm0 =	vge.f32 v20, v0;
	v63 =	vadd.s32 $0x4400, v30;
	v48 =	vsel vm1, v59, v52  }
0x79: {  	v33 =	vld.idx.msk [tilespmem:v33+s4+$0x0], $0xffff;
	v56 =	vadd.s32 $0x8400, v30;
	vm1 =	vge.f32 v14, v24;
	v43 =	vsel vm0, v54, v43  }
0x7a: {  	v42 =	vld.idx.msk [tilespmem:v42+s4+$0x0], $0xffff;
	vm0 =	vge.f32 v22, v2;
	v4 =	vmul.f32 v4, v28;
	v62 =	vadd.s32 $0x4400, v46  }
0x7b: {  	v55 =	vld.idx.msk [tilespmem:v35+s4+$0x0], $0xffff;
	v50 =	vadd.s32 $0x8400, v46;
	vm5 =	vmand vm1, vm6;
	vm1 =	vle.f32 v19, v25  }
0x7c: {  	v31 =	vld.idx.msk [tilespmem:v58+s4+$0x0], $0xffff;
	v30 =	vmul.f32 v36, v27;
	v1 =	vsel vm0, v60, v1;
	vm0 =	vge.f32 v23, v57  }
0x7d: {  	v58 =	vld.idx.msk [tilespmem:v37+s4+$0x0], $0xffff;
	v57 =	vadd.s32 $0x4400, v43;
	v59 =	vmul.f32 v38, v26;
	v3 =	vsel vm0, v49, v3  }
0x7e: {  	v45 =	vld.idx.msk [tilespmem:v45+s4+$0x0], $0xffff;
	vm0 =	vge.f32 v12, v24;
	v4 =	vadd.f32 v44, v4;
	v61 =	vadd.f32 v34, v30  }
0x7f: {  	v30 =	vmul.f32 v40, v12;
	v37 =	vadd.f32 v32, v59;
	v0 =	vld.idx.msk [tilespmem:v63+s4+$0x0], $0xffff;
	v63 =	vmul.f32 v42, v13  }
0x80: {  	v35 =	vld.idx.msk [tilespmem:v56+s4+$0x0], $0xffff;
	v56 =	vadd.s32 $0x4400, v47;
	v59 =	vadd.s32 $0x4400, v1;
	v1 =	vadd.s32 $0x8400, v1  }
0x81: {  	v60 =	vld.idx.msk [tilespmem:v39+s4+$0x0], $0xffff;
	v51 =	vmul.f32 v31, v14;
	v30 =	vadd.f32 v33, v30;
	v4 =	vsel vm4, v4, v28  }
0x82: {  	v54 =	vld.idx.msk [tilespmem:v62+s4+$0x0], $0xffff;
	vm4 =	vmand vm8, vm9;
	v62 =	vadd.s32 $0x8400, v48;
	vm8 =	vle.f32 v15, v25  }
0x83: {  	v52 =	vmul.f32 v45, v15;
	v31 =	vadd.f32 v55, v63;
	v40 =	vsel vm4, v61, v27  }
0x84: {  	v53 =	vld.idx.msk [tilespmem:v53+s4+$0x0], $0xffff;
	vm4 =	vmand vm10, vm11;
	v61 =	vadd.s32 $0x8400, v43;
	vm10 =	vge.f32 v16, v24  }
0x85: {  	v55 =	vld.idx.msk [tilespmem:v50+s4+$0x0], $0xffff;
	vm11 =	vle.f32 v16, v25;
	v32 =	vadd.f32 v58, v51;
	v58 =	vadd.s32 $0x4400, v48  }
0x86: {  	v41 =	vld.idx.msk [tilespmem:v41+s4+$0x0], $0xffff;
	vm9 =	vmand vm7, vm8;
	v27 =	vsel vm4, v37, v26;
	v26 =	vadd.s32 $0x4400, v3  }
0x87: {  	v38 =	vld.idx.msk [tilespmem:v57+s4+$0x0], $0xffff;
	v34 =	vadd.f32 v60, v52;
	v60 =	vadd.s32 $0x8400, v47;
	v0 =	vmul.f32 v0, v17  }
0x88: {  	vm7 =	vge.f32 v20, v24;
	vm8 =	vmand vm3, vm1;
	v36 =	vld.idx.msk [tilespmem:v59+s4+$0x0], $0xffff;
	v2 =	vmul.f32 v54, v18  }
0x89: {  	v53 =	vmul.f32 v53, v16;
	v3 =	vadd.s32 $0x8400, v3;
	v35 =	vadd.f32 v35, v0;
	v0 =	vld.idx.msk [tilespmem:v56+s4+$0x0], $0xffff  }
0x8a: {  	vm4 =	vmand vm0, vm2;
	vm0 =	vle.f32 v18, v25;
	v28 =	vadd.f32 v55, v2;
	v2 =	vld.idx.msk [tilespmem:v58+s4+$0x0], $0xffff  }
0x8b: {  	vm6 =	vmand vm10, vm11;
	vm11 =	vle.f32 v20, v25;
	vm10 =	vmand vm13, vm14;
	v26 =	vld.idx.msk [tilespmem:v26+s4+$0x0], $0xffff  }
0x8c: {  	vm13 =	vge.f32 v21, v24;
	vm14 =	vge.f32 v22, v24;
	vm2 =	vmand vm15, vm0;
	v63 =	vld.idx.msk [tilespmem:v60+s4+$0x0], $0xffff  }
0x8d: {  	vm0 =	vle.f32 v21, v25;
	vm1 =	vmand vm7, vm11;
	vm7 =	vle.f32 v22, v25  }
0x8e: {  	vm11 =	vle.f32 v23, v25;
	v33 =	vadd.f32 v41, v53;
	vm3 =	vmand vm13, vm0;
	v43 =	vld.idx.msk [tilespmem:v1+s4+$0x0], $0xffff  }
0x8f: {  	[tilespmem:s29+$0x380] =	vst v29;
	vm0 =	vge.f32 v23, v24;
	vm7 =	vmand vm14, vm7;
	v42 =	vld.idx.msk [tilespmem:v62+s4+$0x0], $0xffff;
	v0 =	vmul.f32 v0, v19  }
0x90: {  	[tilespmem:s29+$0xFFFFFC00] =	vst v4;
	vm0 =	vmand vm0, vm11;
	v41 =	vld.idx.msk [tilespmem:v61+s4+$0x0], $0xffff;
	v39 =	vmul.f32 v38, v20;
	v38 =	vmul.f32 v36, v22  }
0x91: {  	s31 =	smov.u32 s29;
	s2 =	sadd.s32 $0x800, s30;
	s0 =	simm.s32 $0x0;
	v44 =	vld.idx.msk [tilespmem:v3+s4+$0x0], $0xffff;
	v37 =	vmul.f32 v2, v21;
	v36 =	vmul.f32 v26, v23;
	v45 =	vadd.f32 v63, v0  }
.LBB2_4:
0x92: {  	v29 =	vld [tilespmem:s2+$0x380];
	[tilespmem:s31+$0xFFFFFC80] =	vst v40  }
0x93: {  	v0 =	vsel vm4, v30, v12;
	[tilespmem:s31+$0xFFFFFD00] =	vst v27;
	v26 =	vld [tilespmem:s2+$0xFFFFFC80]  }
0x94: {  	v1 =	vsel vm12, v31, v13;
	v4 =	vsel vm9, v34, v15;
	v3 =	vsel vm5, v32, v14;
	v27 =	vld [tilespmem:s2+$0xFFFFFD00];
	[tilespmem:s31+$0xFFFFFD80] =	vst v0  }
0x95: {  	v58 =	vsel vm6, v33, v16;
	v17 =	vsel vm10, v35, v17;
	[tilespmem:s31+$0xFFFFFE00] =	vst v1;
	v12 =	vld [tilespmem:s2+$0xFFFFFD80];
	v2 =	vadd.f32 v41, v39  }
0x96: {  	v59 =	vsel vm2, v28, v18;
	v13 =	vld [tilespmem:s2+$0xFFFFFE00];
	v14 =	vadd.f32 v42, v37;
	v15 =	vadd.f32 v43, v38  }
0x97: {  	v19 =	vsel vm8, v45, v19;
	v16 =	vadd.f32 v44, v36;
	v2 =	vsel vm1, v2, v20  }
0x98: {  	[tilespmem:s31+$0xFFFFFE80] =	vst v3;
	v3 =	vsel vm3, v14, v21;
	v22 =	vsel vm7, v15, v22;
	vm1 =	vge.f32 v29, v7  }
0x99: {  	[tilespmem:s31+$0xFFFFFF00] =	vst v4;
	v28 =	vld [tilespmem:s2+$0xFFFFFC00];
	v4 =	vsel vm0, v16, v23;
	vm0 =	vge.f32 v26, v7;
	v18 =	vsel vm1, v11, v10  }
0x9a: {  	[tilespmem:s31+$0xFFFFFF80] =	vst v58;
	v14 =	vld [tilespmem:s2+$0xFFFFFE80];
	v20 =	vsel vm1, v9, v8;
	vm1 =	vge.f32 v27, v7;
	v30 =	vsel vm0, v11, v10  }
0x9b: {  	[tilespmem:s31+$0x0] =	vst v17;
	v15 =	vld [tilespmem:s2+$0xFFFFFF00];
	vm3 =	vge.f32 v12, v7;
	v1 =	vsel vm0, v9, v8;
	vm0 =	vge.f32 v13, v7  }
0x9c: {  	[tilespmem:s31+$0x100] =	vst v19;
	v16 =	vld [tilespmem:s2+$0xFFFFFF80];
	v60 =	vadd.s32 $0x1000, v18;
	vm2 =	vge.f32 v29, v20;
	v32 =	vsel vm1, v11, v10  }
0x9d: {  	v17 =	vld [tilespmem:s2+$0x0];
	[tilespmem:s31+$0x180] =	vst v2;
	v33 =	vsel vm1, v9, v8;
	v2 =	vsel vm3, v11, v10;
	v34 =	vsel vm3, v9, v8  }
0x9e: {  	v19 =	vld [tilespmem:s2+$0x100];
	[tilespmem:s31+$0x200] =	vst v3;
	v3 =	vsel vm0, v11, v10;
	v35 =	vsel vm0, v9, v8;
	vm3 =	vge.f32 v28, v7  }
0x9f: {  	[tilespmem:s31+$0x280] =	vst v22;
	v20 =	vld [tilespmem:s2+$0x180];
	v0 =	vsel vm2, v60, v18;
	v52 =	vsel vm3, v9, v8;
	vm4 =	vge.f32 v13, v35  }
0xa0: {  	v22 =	vld [tilespmem:s2+$0x280];
	v31 =	vadd.s32 $0x800, v0;
	vm1 =	vge.f32 v14, v7;
	vm2 =	vge.f32 v15, v7  }
0xa1: {  	[tilespmem:s31+$0x80] =	vst v59;
	vm0 =	vge.f32 v16, v7;
	v36 =	vsel vm1, v11, v10;
	v37 =	vsel vm1, v9, v8  }
0xa2: {  	[tilespmem:s31+$0x300] =	vst v4;
	vm1 =	vge.f32 v17, v7;
	v4 =	vsel vm2, v11, v10;
	v38 =	vsel vm2, v9, v8  }
0xa3: {  	v18 =	vld [tilespmem:s2+$0x80];
	v40 =	vsel vm0, v11, v10;
	v62 =	vsel vm0, v9, v8;
	vm0 =	vge.f32 v19, v7  }
0xa4: {  	v23 =	vld [tilespmem:s2+$0x300];
	v42 =	vsel vm1, v11, v10;
	v63 =	vsel vm1, v9, v8;
	vm1 =	vge.f32 v20, v7  }
0xa5: {  	v46 =	vsel vm0, v11, v10;
	v47 =	vsel vm0, v9, v8;
	vm0 =	vge.f32 v22, v7  }
0xa6: {  	v35 =	vadd.s32 $0x1000, v36;
	vm5 =	vge.f32 v14, v37;
	v58 =	vadd.s32 $0x1000, v4  }
0xa7: {  	v21 =	vld [tilespmem:s2+$0x200];
	vm6 =	vge.f32 v15, v38;
	v38 =	vadd.s32 $0x1000, v40;
	vm8 =	vge.f32 v16, v62  }
0xa8: {  	vm2 =	vge.f32 v18, v7;
	v48 =	vsel vm1, v11, v10;
	v49 =	vsel vm1, v9, v8;
	v61 =	vld.idx.msk [tilespmem:v31+s4+$0x0], $0xffff  }
0xa9: {  	vm1 =	vge.f32 v23, v7;
	v39 =	vsel vm0, v11, v10;
	v54 =	vsel vm0, v9, v8  }
0xaa: {  	vm0 =	vge.f32 v26, v1;
	v1 =	vadd.s32 $0x1000, v32;
	v41 =	vadd.s32 $0x1000, v42  }
0xab: {  	vm7 =	vge.f32 v17, v63;
	v45 =	vadd.s32 $0x1000, v46;
	vm10 =	vge.f32 v19, v47  }
0xac: {  	v44 =	vsel vm2, v11, v10;
	v60 =	vsel vm2, v9, v8;
	vm2 =	vge.f32 v21, v7  }
0xad: {  	v50 =	vsel vm2, v11, v10;
	v51 =	vsel vm2, v9, v8;
	vm2 =	vge.f32 v29, v61  }
0xae: {  	v4 =	vsel vm6, v58, v4;
	v55 =	vsel vm1, v11, v10;
	v0 =	vsel vm2, v31, v0  }
0xaf: {  	v56 =	vsel vm1, v9, v8;
	vm1 =	vge.f32 v28, v52;
	v53 =	vadd.s32 $0x400, v0  }
0xb0: {  	v52 =	vadd.s32 $0x1000, v30;
	v62 =	vadd.s32 $0x1000, v48;
	vm11 =	vge.f32 v20, v49  }
0xb1: {  	v59 =	vadd.s32 $0x1000, v39;
	vm13 =	vge.f32 v22, v54;
	v43 =	vadd.s32 $0x1000, v44  }
0xb2: {  	vm9 =	vge.f32 v18, v60;
	v60 =	vadd.s32 $0x1000, v55;
	v37 =	vsel vm0, v52, v30  }
0xb3: {  	v39 =	vsel vm13, v59, v39;
	vm0 =	vge.f32 v28, v24;
	v63 =	vadd.s32 $0x1000, v50  }
0xb4: {  	vm12 =	vge.f32 v21, v51;
	v31 =	vsel vm3, v11, v10;
	vm2 =	vge.f32 v27, v33;
	v61 =	vld.idx.msk [tilespmem:v53+s4+$0x0], $0xffff  }
0xb5: {  	v33 =	vadd.s32 $0x1000, v2;
	vm3 =	vge.f32 v12, v34;
	v34 =	vadd.s32 $0x1000, v3  }
0xb6: {  	v57 =	vadd.s32 $0x1000, v31;
	v1 =	vsel vm2, v1, v32;
	v2 =	vsel vm3, v33, v2  }
0xb7: {  	v3 =	vsel vm4, v34, v3;
	v33 =	vsel vm5, v35, v36;
	v34 =	vsel vm8, v38, v40  }
0xb8: {  	v35 =	vsel vm7, v41, v42;
	v36 =	vsel vm9, v43, v44;
	v38 =	vsel vm10, v45, v46  }
0xb9: {  	v40 =	vsel vm11, v62, v48;
	v41 =	vsel vm12, v63, v50;
	vm14 =	vge.f32 v29, v61  }
0xba: {  	v43 =	vadd.s32 $0x800, v37;
	v48 =	vadd.s32 $0x800, v4;
	v0 =	vsel vm14, v53, v0  }
0xbb: {  	vm11 =	vge.f32 v26, v24;
	vm4 =	vle.f32 v26, v25;
	v61 =	vadd.s32 $0x4400, v0  }
0xbc: {  	vm2 =	vge.f32 v27, v24;
	vm3 =	vle.f32 v29, v25;
	vm5 =	vge.f32 v13, v24  }
0xbd: {  	v62 =	vimm.s32 $0x0;
	v31 =	vsel vm1, v57, v31;
	v0 =	vadd.s32 $0x8400, v0  }
0xbe: {  	vm1 =	vge.f32 v23, v56;
	v44 =	vadd.s32 $0x800, v1;
	v45 =	vadd.s32 $0x800, v2  }
0xbf: {  	v46 =	vadd.s32 $0x800, v3;
	v47 =	vadd.s32 $0x800, v33;
	v49 =	vadd.s32 $0x800, v34  }
0xc0: {  	v50 =	vadd.s32 $0x800, v35;
	v51 =	vadd.s32 $0x800, v36;
	v52 =	vadd.s32 $0x800, v38;
	v32 =	vld.idx.msk [tilespmem:v61+s4+$0x0], $0xffff  }
0xc1: {  	v42 =	vadd.s32 $0x800, v31;
	v30 =	vsel vm1, v60, v55;
	v60 =	vimm.s32 $0x0  }
0xc2: {  	v54 =	vadd.s32 $0x800, v41;
	v55 =	vadd.s32 $0x800, v39;
	v60 =	vsel vm2, $0xFFFFFFFF, v60;
	v0 =	vld.idx.msk [tilespmem:v0+s4+$0x0], $0xffff  }
0xc3: {  	vm1 =	vle.f32 v28, v25;
	vm2 =	vle.f32 v27, v25;
	[tilespmem:$0x1FE80] =	vst v60;
	v60 =	vimm.s32 $0x0  }
0xc4: {  	v57 =	vadd.s32 $0x800, v30;
	vm0 =	vmand vm0, vm1;
	v60 =	vsel vm2, $0xFFFFFFFF, v60  }
0xc5: {  	vm2 =	vge.f32 v12, v24;
	[tilespmem:$0x1FE90] =	vst v60;
	v60 =	vimm.s32 $0x0;
	v32 =	vmul.f32 v32, v29  }
0xc6: {  	vm1 =	vge.f32 v15, v24;
	v56 =	vld.idx.msk [tilespmem:v42+s4+$0x0], $0xffff;
	v60 =	vsel vm2, $0xFFFFFFFF, v60;
	v61 =	vimm.s32 $0x0  }
0xc7: {  	vm2 =	vge.f32 v29, v24;
	v61 =	vsel vm5, $0xFFFFFFFF, v61;
	v0 =	vadd.f32 v0, v32  }
0xc8: {  	v58 =	vld.idx.msk [tilespmem:v43+s4+$0x0], $0xffff;
	vm2 =	vmand vm2, vm3;
	vm3 =	vle.f32 v13, v25;
	[tilespmem:$0x1FEB0] =	vst v61;
	v61 =	vimm.s32 $0x0  }
0xc9: {  	v59 =	vld.idx.msk [tilespmem:v44+s4+$0x0], $0xffff;
	[tilespmem:$0x1FEA0] =	vst v60;
	v61 =	vsel vm3, $0xFFFFFFFF, v61;
	v0 =	vsel vm2, v0, v29;
	v29 =	vimm.s32 $0x0  }
0xca: {  	v60 =	vld.idx.msk [tilespmem:v45+s4+$0x0], $0xffff;
	v53 =	vadd.s32 $0x800, v40;
	vm3 =	vge.f32 v14, v24;
	[tilespmem:$0x1FEC0] =	vst v61;
	v29 =	vsel vm0, $0xFFFFFFFF, v29  }
0xcb: {  	s31 =	sadd.s32 $0x800, s31;
	v32 =	vld.idx.msk [tilespmem:v46+s4+$0x0], $0xffff;
	vm2 =	vge.f32 v28, v56;
	vm0 =	vle.f32 v14, v25;
	[tilespmem:$0x1FFA0] =	vst v29;
	v29 =	vimm.s32 $0x0  }
0xcc: {  	v61 =	vld.idx.msk [tilespmem:v47+s4+$0x0], $0xffff;
	[tilespmem:s31+$0x380] =	vst v0;
	v0 =	vsel vm2, v42, v31;
	v31 =	vimm.s32 $0x0;
	v29 =	vsel vm0, $0xFFFFFFFF, v29  }
0xcd: {  	v62 =	vsel vm3, $0xFFFFFFFF, v62;
	v31 =	vsel vm1, $0xFFFFFFFF, v31;
	vm0 =	vge.f32 v26, v58;
	[tilespmem:$0x1FEE0] =	vst v29;
	v29 =	vld.idx.msk [tilespmem:v48+s4+$0x0], $0xffff  }
0xce: {  	v42 =	vadd.s32 $0x400, v0;
	[tilespmem:$0x1FEF0] =	vst v31;
	v31 =	vld.idx.msk [tilespmem:v49+s4+$0x0], $0xffff;
	v37 =	vsel vm0, v43, v37;
	vm0 =	vge.f32 v27, v59  }
0xcf: {  	[tilespmem:$0x1FED0] =	vst v62;
	v62 =	vld.idx.msk [tilespmem:v50+s4+$0x0], $0xffff;
	v56 =	vadd.s32 $0x400, v37;
	v1 =	vsel vm0, v44, v1;
	vm0 =	vge.f32 v12, v60  }
0xd0: {  	v44 =	vld.idx.msk [tilespmem:v51+s4+$0x0], $0xffff;
	v58 =	vadd.s32 $0x400, v1;
	v2 =	vsel vm0, v45, v2;
	vm0 =	vge.f32 v13, v32  }
0xd1: {  	v32 =	vld.idx.msk [tilespmem:v52+s4+$0x0], $0xffff;
	v45 =	vadd.s32 $0x400, v2;
	v3 =	vsel vm0, v46, v3;
	vm0 =	vge.f32 v14, v61  }
0xd2: {  	v46 =	vld.idx.msk [tilespmem:v53+s4+$0x0], $0xffff;
	v59 =	vadd.s32 $0x400, v3;
	v33 =	vsel vm0, v47, v33;
	vm0 =	vge.f32 v15, v29  }
0xd3: {  	v29 =	vld.idx.msk [tilespmem:v54+s4+$0x0], $0xffff;
	v47 =	vadd.s32 $0x400, v33;
	v4 =	vsel vm0, v48, v4;
	vm0 =	vge.f32 v16, v31  }
0xd4: {  	v31 =	vld.idx.msk [tilespmem:v55+s4+$0x0], $0xffff;
	v48 =	vadd.s32 $0x400, v4;
	v34 =	vsel vm0, v49, v34;
	vm0 =	vge.f32 v17, v62  }
0xd5: {  	v49 =	vld.idx.msk [tilespmem:v42+s4+$0x0], $0xffff;
	v60 =	vadd.s32 $0x400, v34;
	v35 =	vsel vm0, v50, v35;
	vm0 =	vge.f32 v18, v44  }
0xd6: {  	v43 =	vld.idx.msk [tilespmem:v57+s4+$0x0], $0xffff;
	v50 =	vadd.s32 $0x400, v35;
	v36 =	vsel vm0, v51, v36;
	vm0 =	vge.f32 v19, v32  }
0xd7: {  	v63 =	vld.idx.msk [tilespmem:v56+s4+$0x0], $0xffff;
	v51 =	vadd.s32 $0x400, v36;
	v38 =	vsel vm0, v52, v38;
	vm0 =	vge.f32 v20, v46  }
0xd8: {  	v61 =	vld.idx.msk [tilespmem:v58+s4+$0x0], $0xffff;
	v52 =	vadd.s32 $0x400, v38;
	v40 =	vsel vm0, v53, v40;
	vm0 =	vge.f32 v21, v29  }
0xd9: {  	v46 =	vld.idx.msk [tilespmem:v45+s4+$0x0], $0xffff;
	v53 =	vadd.s32 $0x400, v40;
	v41 =	vsel vm0, v54, v41;
	vm0 =	vge.f32 v22, v31  }
0xda: {  	v29 =	vld.idx.msk [tilespmem:v59+s4+$0x0], $0xffff;
	vm1 =	vge.f32 v28, v49;
	v54 =	vadd.s32 $0x400, v41;
	v39 =	vsel vm0, v55, v39  }
0xdb: {  	v31 =	vld.idx.msk [tilespmem:v47+s4+$0x0], $0xffff;
	vm0 =	vge.f32 v23, v43;
	v0 =	vsel vm1, v42, v0;
	v49 =	vadd.s32 $0x400, v39  }
0xdc: {  	v62 =	vld.idx.msk [tilespmem:v48+s4+$0x0], $0xffff;
	v30 =	vsel vm0, v57, v30;
	vm0 =	vge.f32 v26, v63;
	v55 =	vadd.s32 $0x4400, v0  }
0xdd: {  	v63 =	vld.idx.msk [tilespmem:v60+s4+$0x0], $0xffff;
	v0 =	vadd.s32 $0x8400, v0;
	v37 =	vsel vm0, v56, v37;
	vm0 =	vge.f32 v27, v61  }
0xde: {  	v44 =	vadd.s32 $0x400, v30;
	v61 =	vld.idx.msk [tilespmem:v50+s4+$0x0], $0xffff;
	v1 =	vsel vm0, v58, v1;
	vm0 =	vge.f32 v12, v46  }
0xdf: {  	v56 =	vadd.s32 $0x4400, v37;
	v46 =	vld.idx.msk [tilespmem:v51+s4+$0x0], $0xffff;
	v2 =	vsel vm0, v45, v2;
	vm0 =	vge.f32 v13, v29  }
0xe0: {  	v37 =	vadd.s32 $0x8400, v37;
	v29 =	vld.idx.msk [tilespmem:v52+s4+$0x0], $0xffff;
	v3 =	vsel vm0, v59, v3;
	vm0 =	vge.f32 v14, v31  }
0xe1: {  	v57 =	vadd.s32 $0x4400, v1;
	v31 =	vld.idx.msk [tilespmem:v53+s4+$0x0], $0xffff;
	v33 =	vsel vm0, v47, v33;
	vm0 =	vge.f32 v15, v62  }
0xe2: {  	v58 =	vadd.s32 $0x4400, v3;
	v62 =	vld.idx.msk [tilespmem:v54+s4+$0x0], $0xffff;
	v4 =	vsel vm0, v48, v4;
	vm0 =	vge.f32 v16, v63  }
0xe3: {  	v45 =	vadd.s32 $0x4400, v2;
	v63 =	vld.idx.msk [tilespmem:v49+s4+$0x0], $0xffff;
	v34 =	vsel vm0, v60, v34;
	vm0 =	vge.f32 v17, v61  }
0xe4: {  	v47 =	vadd.s32 $0x4400, v33;
	v60 =	vld.idx.msk [tilespmem:v44+s4+$0x0], $0xffff;
	v35 =	vsel vm0, v50, v35;
	vm0 =	vge.f32 v18, v46  }
0xe5: {  	v2 =	vadd.s32 $0x8400, v2;
	v48 =	vadd.s32 $0x4400, v4;
	v46 =	vld.idx.msk [tilespmem:v56+s4+$0x0], $0xffff;
	v36 =	vsel vm0, v51, v36  }
0xe6: {  	v61 =	vadd.s32 $0x4400, v34;
	vm0 =	vge.f32 v19, v29;
	v29 =	vld.idx.msk [tilespmem:v57+s4+$0x0], $0xffff;
	v51 =	vadd.s32 $0x4400, v36  }
0xe7: {  	v38 =	vsel vm0, v52, v38;
	vm0 =	vge.f32 v20, v31;
	v43 =	vld.idx.msk [tilespmem:v58+s4+$0x0], $0xffff;
	v58 =	vimm.s32 $0x0  }
0xe8: {  	v31 =	vld.idx.msk [tilespmem:v45+s4+$0x0], $0xffff;
	v57 =	vadd.s32 $0x4400, v38;
	v40 =	vsel vm0, v53, v40;
	vm0 =	vge.f32 v21, v62  }
0xe9: {  	v42 =	vld.idx.msk [tilespmem:v47+s4+$0x0], $0xffff;
	v53 =	vadd.s32 $0x8400, v36;
	v45 =	vadd.s32 $0x8400, v38;
	v47 =	vimm.s32 $0x0  }
0xea: {  	v55 =	vld.idx.msk [tilespmem:v55+s4+$0x0], $0xffff;
	v62 =	vadd.s32 $0x4400, v40;
	v41 =	vsel vm0, v54, v41;
	vm0 =	vge.f32 v22, v63  }
0xeb: {  	v32 =	vld.idx.msk [tilespmem:v48+s4+$0x0], $0xffff;
	v63 =	vadd.s32 $0x4400, v41;
	v39 =	vsel vm0, v49, v39;
	vm0 =	vge.f32 v23, v60  }
0xec: {  	v0 =	vld.idx.msk [tilespmem:v0+s4+$0x0], $0xffff;
	v52 =	vadd.s32 $0x8400, v41;
	v41 =	vmul.f32 v46, v26;
	v46 =	vimm.s32 $0x0  }
0xed: {  	v60 =	vld.idx.msk [tilespmem:v61+s4+$0x0], $0xffff;
	v48 =	vadd.s32 $0x4400, v39;
	v30 =	vsel vm0, v44, v30;
	v54 =	vadd.s32 $0x8400, v39  }
0xee: {  	vm0 =	vle.f32 v15, v25;
	v61 =	vadd.s32 $0x4400, v30;
	v56 =	vadd.s32 $0x8400, v30  }
0xef: {  	v30 =	vmul.f32 v55, v28;
	v55 =	vimm.s32 $0x0;
	v38 =	vld.idx.msk [tilespmem:v62+s4+$0x0], $0xffff;
	v62 =	vimm.s32 $0x0  }
0xf0: {  	v59 =	vld.idx.msk [tilespmem:v37+s4+$0x0], $0xffff;
	v49 =	vmul.f32 v32, v15;
	v39 =	vsel vm0, $0xFFFFFFFF, v62;
	vm0 =	vge.f32 v16, v24  }
0xf1: {  	v36 =	vld.idx.msk [tilespmem:v57+s4+$0x0], $0xffff;
	v0 =	vadd.f32 v0, v30;
	[tilespmem:$0x1FF00] =	vst v39;
	v39 =	vsel vm0, $0xFFFFFFFF, v47;
	vm0 =	vle.f32 v16, v25  }
0xf2: {  	v63 =	vld.idx.msk [tilespmem:v63+s4+$0x0], $0xffff;
	v44 =	vmul.f32 v60, v16;
	[tilespmem:$0x1FF10] =	vst v39;
	v39 =	vsel vm0, $0xFFFFFFFF, v55;
	vm0 =	vge.f32 v17, v24  }
0xf3: {  	v60 =	vimm.s32 $0x0;
	v47 =	vld.idx.msk [tilespmem:v48+s4+$0x0], $0xffff;
	v32 =	vsel vm0, $0xFFFFFFFF, v58;
	vm0 =	vle.f32 v17, v25  }
0xf4: {  	v57 =	vld.idx.msk [tilespmem:v61+s4+$0x0], $0xffff;
	v61 =	vimm.s32 $0x0;
	v37 =	vsel vm0, $0xFFFFFFFF, v60;
	vm0 =	vge.f32 v18, v24  }
0xf5: {  	v62 =	vimm.s32 $0x0;
	[tilespmem:$0x1FF40] =	vst v37;
	v37 =	vsel vm0, $0xFFFFFFFF, v61;
	vm0 =	vge.f32 v19, v24  }
0xf6: {  	[tilespmem:$0x1FF20] =	vst v39;
	v55 =	vmul.f32 v36, v19;
	v39 =	vmul.f32 v38, v20;
	v36 =	vsel vm0, $0xFFFFFFFF, v62  }
0xf7: {  	[tilespmem:$0x1FF50] =	vst v37;
	v37 =	vmul.f32 v63, v21;
	vm0 =	vle.f32 v19, v25;
	v63 =	vimm.s32 $0x0  }
0xf8: {  	v38 =	vmul.f32 v47, v22;
	[tilespmem:$0x1FF60] =	vst v36;
	v36 =	vsel vm0, $0xFFFFFFFF, v63;
	vm0 =	vge.f32 v20, v24  }
0xf9: {  	v47 =	vimm.s32 $0x0;
	[tilespmem:$0x1FF70] =	vst v36;
	v36 =	vsel vm0, $0xFFFFFFFF, v46;
	vm0 =	vge.f32 v21, v24  }
0xfa: {  	v30 =	vimm.s32 $0x0;
	[tilespmem:$0x1FF80] =	vst v36;
	v36 =	vsel vm0, $0xFFFFFFFF, v47;
	vm0 =	vmand vm11, vm4  }
0xfb: {  	v3 =	vadd.s32 $0x8400, v3;
	v30 =	vsel vm0, $0xFFFFFFFF, v30  }
0xfc: {  	[tilespmem:$0x1FFB0] =	vst v30;
	v30 =	vld [tilespmem:$0x1FE80];
	_ =	sdelay $0x2  }
0xfd: {  	v2 =	vld.idx.msk [tilespmem:v2+s4+$0x0], $0xffff  }
0xfe: {  	v3 =	vld.idx.msk [tilespmem:v3+s4+$0x0], $0xffff  }
0xff: {  	vm11 =	vnez.u8 v30;
	v30 =	vld [tilespmem:$0x1FE90];
	_ =	sdelay $0x2  }
0x100: {  	v31 =	vmul.f32 v31, v12;
	v43 =	vmul.f32 v43, v13  }
0x101: {  	[tilespmem:$0x1FF90] =	vst v36;
	v36 =	vmul.f32 v57, v23;
	v57 =	vld [tilespmem:$0x1FEA0]  }
0x102: {  	vm4 =	vnez.u8 v30;
	v30 =	vadd.f32 v2, v31;
	v31 =	vadd.f32 v3, v43;
	v3 =	vld [tilespmem:$0x1FEB0];
	_ =	sdelay $0x3  }
0x103: {  	vm12 =	vle.f32 v12, v25;
	vm11 =	vmand vm11, vm4;
	vm4 =	vnez.u8 v57  }
0x104: {  	vm4 =	vmand vm4, vm12;
	vm12 =	vnez.u8 v3;
	v3 =	vld [tilespmem:$0x1FEC0]  }
0x105: {  	v4 =	vadd.s32 $0x8400, v4  }
0x106: {  	v34 =	vadd.s32 $0x8400, v34;
	_ =	sdelay $0x2  }
0x107: {  	vm5 =	vnez.u8 v3;
	v3 =	vld [tilespmem:$0x1FED0]  }
0x108: {  	v4 =	vld.idx.msk [tilespmem:v4+s4+$0x0], $0xffff  }
0x109: {  	v48 =	vld.idx.msk [tilespmem:v34+s4+$0x0], $0xffff  }
0x10a: {  	v60 =	vld [tilespmem:$0x1FF00]  }
0x10b: {  	v61 =	vld [tilespmem:$0x1FF10]  }
0x10c: {  	vm12 =	vmand vm12, vm5;
	vm5 =	vnez.u8 v3;
	v3 =	vld [tilespmem:$0x1FEE0]  }
0x10d: {  	v46 =	vadd.f32 v59, v41;
	v59 =	vld [tilespmem:$0x1FEF0]  }
0x10e: {  	[tilespmem:$0x1FF30] =	vst v32;
	v62 =	vld [tilespmem:$0x1FF20]  }
0x10f: {  	v34 =	vadd.f32 v4, v49;
	v4 =	vld [tilespmem:$0x1FF30];
	_ =	sdelay $0x1  }
0x110: {  	vm9 =	vnez.u8 v3  }
0x111: {  	vm6 =	vnez.u8 v60;
	vm5 =	vmand vm5, vm9;
	vm9 =	vnez.u8 v59  }
0x112: {  	vm10 =	vnez.u8 v62;
	vm9 =	vmand vm9, vm6;
	vm6 =	vnez.u8 v61  }
0x113: {  	vm6 =	vmand vm6, vm10;
	vm10 =	vnez.u8 v4;
	v4 =	vld [tilespmem:$0x1FF40];
	_ =	sdelay $0x4  }
0x114: {  	vm2 =	vnez.u8 v4;
	v4 =	vld [tilespmem:$0x1FF50];
	_ =	sdelay $0x4  }
0x115: {  	vm10 =	vmand vm10, vm2;
	vm2 =	vnez.u8 v4;
	v4 =	vld [tilespmem:$0x1FF60];
	_ =	sdelay $0x3  }
0x116: {  	vm8 =	vle.f32 v18, v25  }
0x117: {  	vm2 =	vmand vm2, vm8;
	vm8 =	vnez.u8 v4;
	v4 =	vld [tilespmem:$0x1FF70];
	_ =	sdelay $0x2  }
0x118: {  	v1 =	vadd.s32 $0x8400, v1  }
0x119: {  	v33 =	vadd.s32 $0x8400, v33  }
0x11a: {  	vm1 =	vnez.u8 v4;
	v4 =	vld [tilespmem:$0x1FF80]  }
0x11b: {  	v50 =	vadd.s32 $0x4400, v35;
	_ =	sdelay $0x1  }
0x11c: {  	v1 =	vld.idx.msk [tilespmem:v1+s4+$0x0], $0xffff;
	v35 =	vadd.s32 $0x8400, v35  }
0x11d: {  	v33 =	vld.idx.msk [tilespmem:v33+s4+$0x0], $0xffff  }
0x11e: {  	vm8 =	vmand vm8, vm1;
	vm1 =	vnez.u8 v4;
	v4 =	vld [tilespmem:$0x1FF90]  }
0x11f: {  	v50 =	vld.idx.msk [tilespmem:v50+s4+$0x0], $0xffff;
	v29 =	vmul.f32 v29, v27  }
0x120: {  	v51 =	vld.idx.msk [tilespmem:v51+s4+$0x0], $0xffff  }
0x121: {  	v1 =	vadd.f32 v1, v29;
	v29 =	vld.idx.msk [tilespmem:v35+s4+$0x0], $0xffff  }
0x122: {  	vm15 =	vle.f32 v20, v25;
	v63 =	vld [tilespmem:$0x1FFB0]  }
0x123: {  	vm7 =	vle.f32 v22, v25;
	vm1 =	vmand vm1, vm15;
	vm15 =	vnez.u8 v4;
	v4 =	vld [tilespmem:$0x1FFA0]  }
0x124: {  	s0 =	sadd.s32 $0x10, s0;
	vm14 =	vge.f32 v22, v24;
	v40 =	vadd.s32 $0x8400, v40;
	v50 =	vmul.f32 v50, v17;
	v58 =	vld.idx.msk [tilespmem:v53+s4+$0x0], $0xffff  }
0x125: {  	p1 =	slt.u32 s0, $0x70;
	vm13 =	vge.f32 v23, v24;
	vm7 =	vmand vm14, vm7;
	v42 =	vmul.f32 v42, v14;
	v3 =	vld.idx.msk [tilespmem:v45+s4+$0x0], $0xffff  }
.Ltmp0:
0x126: {  	vm3 =	vle.f32 v21, v25;
	v51 =	vmul.f32 v51, v18;
	v35 =	vadd.f32 v29, v50;
	(pc) =	sbr.rel @p1 .LBB2_4-.Ltmp0, $4  }
0x127: {  	v32 =	vadd.f32 v33, v42;
	v42 =	vld.idx.msk [tilespmem:v52+s4+$0x0], $0xffff;
	v33 =	vadd.f32 v48, v44;
	vm0 =	vle.f32 v23, v25  }
0x128: {  	v44 =	vld.idx.msk [tilespmem:v56+s4+$0x0], $0xffff;
	vm0 =	vmand vm13, vm0;
	vm13 =	vnez.u8 v63;
	vm14 =	vnez.u8 v4  }
0x129: {  	v41 =	vld.idx.msk [tilespmem:v40+s4+$0x0], $0xffff;
	v40 =	vsel vm13, v46, v26;
	v27 =	vsel vm11, v1, v27;
	v0 =	vsel vm14, v0, v28  }
0x12a: {  	s2 =	sadd.s32 $0x800, s2;
	v43 =	vld.idx.msk [tilespmem:v54+s4+$0x0], $0xffff;
	v45 =	vadd.f32 v3, v55;
	vm3 =	vmand vm15, vm3;
	v28 =	vadd.f32 v58, v51;
	[tilespmem:s31+$0xFFFFFC00] =	vst v0  }
0x12b: {  	[tilespmem:s31+$0xFFFFFC80] =	vst v40  }
0x12c: {  	v0 =	vsel vm4, v30, v12;
	[tilespmem:s31+$0xFFFFFD00] =	vst v27  }
0x12d: {  	v1 =	vsel vm12, v31, v13;
	[tilespmem:s31+$0xFFFFFD80] =	vst v0  }
0x12e: {  	v55 =	vsel vm5, v32, v14;
	[tilespmem:s31+$0xFFFFFE00] =	vst v1  }
0x12f: {  	v56 =	vsel vm9, v34, v15;
	[tilespmem:s31+$0xFFFFFE80] =	vst v55  }
0x130: {  	v57 =	vsel vm6, v33, v16;
	[tilespmem:s31+$0xFFFFFF00] =	vst v56  }
0x131: {  	v58 =	vsel vm10, v35, v17;
	[tilespmem:s31+$0xFFFFFF80] =	vst v57  }
0x132: {  	s28 =	sadd.s32 $0x1, s28;
	[tilespmem:s31+$0x0] =	vst v58;
	v60 =	vadd.f32 v42, v37;
	v3 =	vsel vm8, v45, v19  }
0x133: {  	v2 =	vsel vm2, v28, v18;
	p1 =	sne.s32 s28, $0x8;
	[tilespmem:s31+$0x100] =	vst v3;
	v3 =	vadd.f32 v44, v36  }
.Ltmp1:
0x134: {  	[tilespmem:s31+$0x80] =	vst v2;
	v59 =	vadd.f32 v41, v39;
	v1 =	vsel vm3, v60, v21;
	(pc) =	sbr.rel @p1 .LBB2_3-.Ltmp1, $4  }
0x135: {  	v61 =	vadd.f32 v43, v38;
	[tilespmem:s31+$0x200] =	vst v1;
	v63 =	vsel vm0, v3, v23  }
0x136: {  	v0 =	vsel vm1, v59, v20;
	[tilespmem:s31+$0x300] =	vst v63  }
0x137: {  	[tilespmem:s31+$0x180] =	vst v0;
	v62 =	vsel vm7, v61, v22  }
0x138: {  	s29 =	sadd.s32 $0x10, s29;
	s30 =	sadd.s32 $0x10, s30;
	[tilespmem:s31+$0x280] =	vst v62  }
0x139: {  	s0 =	sadd.s32 s3, s26;
	s31 =	sadd.s32 $0x2, s25  }
0x13a: {  	[hbm4b:s0+s12] =	stream.strided.scatter [tilespmem:s17], [sflag:$0x3], $0x4000, s13, s12, $0x38;
	[tilespmem:$0x1E000] =	vst v63  }
0x13b: {  	s0 =	sand.u32 $0xE, s31  }
0x13c: {  	s0 =	sor.u32 s8, s0  }
0x13d: {  	s0 =	sshll.u32 s0, $0x11  }
0x13e: {  	s0 =	sor.u32 s5, s0  }
0x13f: {  	s0 =	sshrl.u32 s0, $0x3  }
0x140: {  	s0 =	sadd.s32 s1, s0  }
0x141: {  	[tilespmem:s14], [sflag:$0x1] =	stream.strided.gather [hbm4b:s0+s12], $0x4000, s13, s12, $0x38;
	[tilespmem:$0x1E000] =	vst v63  }
0x142: {  	_ =	swait.ge [sflag:s18], $0x4000  }
0x143: {  	[sflag:s18] =	ssyncset.done $0x0  }
0x144: {  	s0 =	simm.s32 @!p0 $0x4;
	[sflag:s18] =	ssyncadd.s32 $0xFFFFC000  }
0x145: {  	_ =	swait.ge @!p0 [sflag:s0], $0x4000  }
0x146: {  	s25 =	simm.s32 $0x0;
	[sflag:s0] =	ssyncset.done @!p0 $0x0  }
0x147: {  	s26 =	simm.s32 $0x1A400;
	s28 =	simm.s32 $0x12400;
	[sflag:s0] =	ssyncadd.s32 @!p0 $0xFFFFC000  }
.LBB2_7:
0x148: {  	v0 =	vld [tilespmem:$0x1FFF0];
	_ =	sdelay $0x3  }
0x149: {  	v29 =	vld [tilespmem:s28+$0x380]  }
0x14a: {  	v58 =	vld [tilespmem:$0x1FFC0]  }
0x14b: {  	v26 =	vld [tilespmem:s28+$0xFFFFFD00]  }
0x14c: {  	s0 =	sshll.u32 s25, $0x4;
	v12 =	vld [tilespmem:s28+$0xFFFFFD80]  }
0x14d: {  	v7 =	vld.idx.msk [tilespmem:v0+s0+$0x0 ss:$0x1], $0xffff  }
0x14e: {  	v8 =	vld.idx.msk [tilespmem:v5+s0+$0x0 ss:$0x1], $0xffff  }
0x14f: {  	v9 =	vld.idx.msk [tilespmem:v6+s0+$0x0 ss:$0x1], $0xffff  }
0x150: {  	v14 =	vld [tilespmem:s28+$0xFFFFFE80]  }
0x151: {  	v57 =	vlaneseq.u32;
	v15 =	vld [tilespmem:s28+$0xFFFFFF00];
	s2 =	sor.u32 s7, s0  }
0x152: {  	v17 =	vld [tilespmem:s28+$0x0];
	v10 =	vor.u32 s2, v57;
	v11 =	vor.u32 s2, v58;
	vm0 =	vge.f32 v29, v7  }
0x153: {  	v18 =	vld [tilespmem:s28+$0x80];
	vm1 =	vge.f32 v26, v7;
	vm2 =	vge.f32 v12, v7;
	v0 =	vsel vm0, v11, v10  }
0x154: {  	v27 =	vld [tilespmem:s28+$0xFFFFFC80];
	v1 =	vsel vm0, v9, v8;
	v4 =	vsel vm1, v11, v10;
	v24 =	vsel vm1, v9, v8  }
0x155: {  	vm1 =	vge.f32 v14, v7;
	v30 =	vsel vm2, v11, v10;
	v31 =	vsel vm2, v9, v8  }
0x156: {  	v21 =	vld [tilespmem:s28+$0x200];
	vm2 =	vge.f32 v15, v7;
	v2 =	vadd.s32 $0x1000, v0;
	vm0 =	vge.f32 v29, v1  }
0x157: {  	v34 =	vsel vm1, v11, v10;
	v35 =	vsel vm1, v9, v8;
	vm1 =	vge.f32 v17, v7  }
0x158: {  	v13 =	vld [tilespmem:s28+$0xFFFFFE00];
	v36 =	vsel vm2, v11, v10;
	v37 =	vsel vm2, v9, v8;
	vm2 =	vge.f32 v18, v7  }
0x159: {  	v28 =	vld [tilespmem:s28+$0xFFFFFC00];
	v57 =	vadd.s32 $0x1000, v30;
	v0 =	vsel vm0, v2, v0;
	vm0 =	vge.f32 v27, v7  }
0x15a: {  	v40 =	vsel vm1, v11, v10;
	v1 =	vsel vm2, v11, v10;
	v42 =	vsel vm2, v9, v8  }
0x15b: {  	v16 =	vld [tilespmem:s28+$0xFFFFFF80];
	vm2 =	vge.f32 v21, v7;
	vm5 =	vge.f32 v14, v35;
	v35 =	vadd.s32 $0x1000, v36  }
0x15c: {  	vm7 =	vge.f32 v15, v37;
	v59 =	vadd.s32 $0x800, v0;
	v2 =	vsel vm0, v11, v10  }
0x15d: {  	v19 =	vld [tilespmem:s28+$0x100];
	v3 =	vsel vm0, v9, v8;
	vm0 =	vge.f32 v13, v7;
	v47 =	vsel vm2, v11, v10  }
0x15e: {  	v48 =	vsel vm2, v9, v8;
	vm2 =	vge.f32 v28, v7;
	v63 =	vadd.s32 $0x1000, v40  }
0x15f: {  	v22 =	vld [tilespmem:s28+$0x280];
	v35 =	vsel vm7, v35, v36;
	v32 =	vsel vm0, v11, v10;
	v33 =	vsel vm0, v9, v8  }
0x160: {  	vm0 =	vge.f32 v16, v7;
	v50 =	vsel vm2, v11, v10;
	v51 =	vsel vm2, v9, v8  }
0x161: {  	v60 =	vadd.s32 $0x1000, v2;
	vm2 =	vge.f32 v26, v24;
	v58 =	vadd.s32 $0x1000, v47  }
0x162: {  	v38 =	vsel vm0, v11, v10;
	v39 =	vsel vm0, v9, v8;
	vm0 =	vge.f32 v19, v7;
	v25 =	vld.idx.msk [tilespmem:v59+s4+$0x0], $0xffff  }
0x163: {  	v20 =	vld [tilespmem:s28+$0x180];
	v56 =	vadd.s32 $0x1000, v50;
	vm4 =	vge.f32 v13, v33;
	v33 =	vadd.s32 $0x1000, v34  }
0x164: {  	v23 =	vld [tilespmem:s28+$0x300];
	v43 =	vsel vm0, v11, v10;
	v44 =	vsel vm0, v9, v8;
	vm0 =	vge.f32 v22, v7  }
0x165: {  	v49 =	vsel vm0, v11, v10;
	v52 =	vsel vm0, v9, v8;
	vm0 =	vge.f32 v28, v51  }
0x166: {  	v24 =	vld [tilespmem:$0x1FFD0];
	v61 =	vadd.s32 $0x1000, v38;
	v33 =	vsel vm5, v33, v34;
	v50 =	vsel vm0, v56, v50  }
0x167: {  	v36 =	vadd.s32 $0x800, v33;
	v51 =	vadd.s32 $0x800, v50;
	vm3 =	vge.f32 v29, v25  }
0x168: {  	v25 =	vsel vm1, v9, v8;
	vm1 =	vge.f32 v20, v7;
	v0 =	vsel vm3, v59, v0  }
0x169: {  	v45 =	vsel vm1, v11, v10;
	v46 =	vsel vm1, v9, v8;
	vm1 =	vge.f32 v23, v7  }
0x16a: {  	vm3 =	vge.f32 v12, v31;
	v31 =	vadd.s32 $0x1000, v32;
	v41 =	vadd.s32 $0x400, v0  }
0x16b: {  	vm0 =	vge.f32 v17, v25;
	v54 =	vsel vm1, v11, v10;
	v55 =	vsel vm1, v9, v8  }
0x16c: {  	v25 =	vld [tilespmem:$0x1FFE0];
	vm1 =	vge.f32 v27, v3;
	v3 =	vadd.s32 $0x1000, v4;
	v32 =	vsel vm4, v31, v32  }
0x16d: {  	v40 =	vsel vm0, v63, v40;
	vm0 =	vge.f32 v21, v48;
	v2 =	vsel vm1, v60, v2  }
0x16e: {  	v24 =	vld.idx.msk [tilespmem:v24+s0+$0x0 ss:$0x1], $0xffff;
	v60 =	vadd.s32 $0x1000, v1;
	v3 =	vsel vm2, v3, v4;
	vm1 =	vge.f32 v18, v42  }
0x16f: {  	v42 =	vsel vm3, v57, v30;
	v57 =	vadd.s32 $0x1000, v43;
	vm2 =	vge.f32 v19, v44;
	v53 =	vld.idx.msk [tilespmem:v41+s4+$0x0], $0xffff  }
0x170: {  	v34 =	vadd.s32 $0x800, v32;
	vm3 =	vge.f32 v20, v46;
	v48 =	vadd.s32 $0x800, v40  }
0x171: {  	v47 =	vsel vm0, v58, v47;
	vm0 =	vge.f32 v23, v55;
	v4 =	vadd.s32 $0x800, v2  }
0x172: {  	v56 =	vadd.s32 $0x800, v3;
	v1 =	vsel vm1, v60, v1;
	v60 =	vadd.s32 $0x1000, v49  }
0x173: {  	v43 =	vsel vm2, v57, v43;
	vm1 =	vge.f32 v22, v52;
	v55 =	vadd.s32 $0x800, v47  }
0x174: {  	vm4 =	vge.f32 v28, v24;
	vm8 =	vge.f32 v27, v24;
	v25 =	vld.idx.msk [tilespmem:v25+s0+$0x0 ss:$0x1], $0xffff;
	vm6 =	vge.f32 v29, v53  }
0x175: {  	v0 =	vsel vm6, v41, v0;
	vm6 =	vge.f32 v16, v39;
	v39 =	vadd.s32 $0x800, v42  }
0x176: {  	vm10 =	vge.f32 v26, v24;
	v62 =	vadd.s32 $0x4400, v0;
	v0 =	vadd.s32 $0x8400, v0  }
0x177: {  	v44 =	vld.idx.msk [tilespmem:v51+s4+$0x0], $0xffff;
	vm7 =	vge.f32 v15, v24;
	vm13 =	vge.f32 v17, v24;
	vm15 =	vge.f32 v18, v24  }
0x178: {  	v57 =	vadd.s32 $0x800, v1;
	v49 =	vsel vm1, v60, v49;
	v46 =	vld.idx.msk [tilespmem:v4+s4+$0x0], $0xffff;
	v37 =	vsel vm6, v61, v38  }
0x179: {  	v59 =	vld.idx.msk [tilespmem:v56+s4+$0x0], $0xffff;
	v38 =	vadd.s32 $0x800, v35;
	vm6 =	vle.f32 v28, v25;
	vm9 =	vle.f32 v27, v25  }
0x17a: {  	vm11 =	vle.f32 v26, v25;
	vm5 =	vle.f32 v13, v25;
	vm14 =	vle.f32 v17, v25;
	v53 =	vld.idx.msk [tilespmem:v39+s4+$0x0], $0xffff  }
0x17b: {  	v41 =	vadd.s32 $0x800, v37;
	vm4 =	vmand vm4, vm6;
	v31 =	vld.idx.msk [tilespmem:v0+s4+$0x0], $0xffff;
	v0 =	vadd.s32 $0x1000, v45  }
0x17c: {  	vm6 =	vle.f32 v14, v25;
	v30 =	vld.idx.msk [tilespmem:v62+s4+$0x0], $0xffff;
	v62 =	vadd.s32 $0x1000, v54;
	v0 =	vsel vm3, v0, v45  }
0x17d: {  	v45 =	vadd.s32 $0x800, v43;
	v54 =	vsel vm0, v62, v54;
	v62 =	vadd.s32 $0x800, v49  }
0x17e: {  	v61 =	vld.idx.msk [tilespmem:v34+s4+$0x0], $0xffff;
	vm0 =	vge.f32 v28, v44;
	vm3 =	vge.f32 v13, v24;
	v58 =	vadd.s32 $0x800, v0  }
0x17f: {  	v52 =	vld.idx.msk [tilespmem:v36+s4+$0x0], $0xffff;
	v50 =	vsel vm0, v51, v50;
	v51 =	vadd.s32 $0x800, v54;
	vm0 =	vge.f32 v27, v46  }
0x180: {  	v63 =	vld.idx.msk [tilespmem:v38+s4+$0x0], $0xffff;
	vm12 =	vmand vm3, vm5;
	v2 =	vsel vm0, v4, v2;
	vm0 =	vge.f32 v26, v59  }
0x181: {  	v60 =	vld.idx.msk [tilespmem:v41+s4+$0x0], $0xffff;
	vm3 =	vge.f32 v19, v24;
	v3 =	vsel vm0, v56, v3;
	vm0 =	vge.f32 v12, v53  }
0x182: {  	v44 =	vld.idx.msk [tilespmem:v48+s4+$0x0], $0xffff;
	v4 =	vadd.s32 $0x400, v50;
	v56 =	vadd.s32 $0x400, v2;
	v39 =	vsel vm0, v39, v42  }
0x183: {  	v46 =	vld.idx.msk [tilespmem:v57+s4+$0x0], $0xffff;
	v42 =	vadd.s32 $0x400, v3;
	vm0 =	vge.f32 v13, v61;
	v30 =	vmul.f32 v30, v29  }
0x184: {  	v59 =	vld.idx.msk [tilespmem:v45+s4+$0x0], $0xffff;
	v32 =	vsel vm0, v34, v32;
	v34 =	vadd.s32 $0x400, v39;
	vm0 =	vge.f32 v14, v52  }
0x185: {  	v53 =	vld.idx.msk [tilespmem:v58+s4+$0x0], $0xffff;
	v33 =	vsel vm0, v36, v33;
	v36 =	vadd.s32 $0x400, v32;
	vm0 =	vge.f32 v15, v63  }
0x186: {  	v61 =	vld.idx.msk [tilespmem:v55+s4+$0x0], $0xffff;
	v30 =	vadd.f32 v31, v30;
	v35 =	vsel vm0, v38, v35;
	vm0 =	vge.f32 v16, v60  }
0x187: {  	v38 =	vadd.s32 $0x400, v33;
	v60 =	vld.idx.msk [tilespmem:v4+s4+$0x0], $0xffff;
	v37 =	vsel vm0, v41, v37;
	vm0 =	vge.f32 v17, v44  }
0x188: {  	v52 =	vld.idx.msk [tilespmem:v62+s4+$0x0], $0xffff;
	v41 =	vadd.s32 $0x400, v35;
	v40 =	vsel vm0, v48, v40;
	vm0 =	vge.f32 v18, v46  }
0x189: {  	v63 =	vld.idx.msk [tilespmem:v51+s4+$0x0], $0xffff;
	v48 =	vadd.s32 $0x400, v37;
	v1 =	vsel vm0, v57, v1;
	vm0 =	vge.f32 v19, v59  }
0x18a: {  	v44 =	vld.idx.msk [tilespmem:v56+s4+$0x0], $0xffff;
	v57 =	vadd.s32 $0x400, v40;
	v43 =	vsel vm0, v45, v43;
	vm0 =	vge.f32 v20, v53  }
0x18b: {  	v45 =	vadd.s32 $0x400, v1;
	v0 =	vsel vm0, v58, v0;
	vm0 =	vge.f32 v21, v61  }
0x18c: {  	v46 =	vld.idx.msk [tilespmem:v42+s4+$0x0], $0xffff;
	v58 =	vadd.s32 $0x400, v43;
	vm1 =	vge.f32 v28, v60;
	v47 =	vsel vm0, v55, v47  }
0x18d: {  	v59 =	vld.idx.msk [tilespmem:v34+s4+$0x0], $0xffff;
	v55 =	vadd.s32 $0x400, v0;
	vm0 =	vge.f32 v22, v52;
	v4 =	vsel vm1, v4, v50  }
0x18e: {  	v53 =	vld.idx.msk [tilespmem:v36+s4+$0x0], $0xffff;
	vm1 =	vle.f32 v29, v25;
	v49 =	vsel vm0, v62, v49;
	vm0 =	vge.f32 v23, v63  }
0x18f: {  	v61 =	vld.idx.msk [tilespmem:v38+s4+$0x0], $0xffff;
	v62 =	vadd.s32 $0x400, v47;
	v51 =	vsel vm0, v51, v54;
	vm0 =	vge.f32 v27, v44  }
0x190: {  	v52 =	vld.idx.msk [tilespmem:v41+s4+$0x0], $0xffff;
	v60 =	vadd.s32 $0x400, v49;
	v44 =	vadd.s32 $0x400, v51;
	v2 =	vsel vm0, v56, v2  }
0x191: {  	v63 =	vld.idx.msk [tilespmem:v48+s4+$0x0], $0xffff;
	v56 =	vadd.s32 $0x4400, v4;
	vm0 =	vge.f32 v26, v46;
	v4 =	vadd.s32 $0x8400, v4  }
0x192: {  	v54 =	vld.idx.msk [tilespmem:v57+s4+$0x0], $0xffff;
	v3 =	vsel vm0, v42, v3;
	v42 =	vadd.s32 $0x4400, v2;
	vm0 =	vge.f32 v12, v59  }
0x193: {  	v50 =	vld.idx.msk [tilespmem:v45+s4+$0x0], $0xffff;
	v2 =	vadd.s32 $0x8400, v2;
	v34 =	vsel vm0, v34, v39;
	vm0 =	vge.f32 v13, v53  }
0x194: {  	v46 =	vld.idx.msk [tilespmem:v58+s4+$0x0], $0xffff;
	v39 =	vadd.s32 $0x4400, v3;
	v3 =	vadd.s32 $0x8400, v3;
	v32 =	vsel vm0, v36, v32  }
0x195: {  	v59 =	vld.idx.msk [tilespmem:v55+s4+$0x0], $0xffff;
	v36 =	vadd.s32 $0x4400, v34;
	vm0 =	vge.f32 v14, v61;
	v34 =	vadd.s32 $0x8400, v34  }
0x196: {  	v53 =	vld.idx.msk [tilespmem:v62+s4+$0x0], $0xffff;
	v33 =	vsel vm0, v38, v33;
	v38 =	vadd.s32 $0x4400, v32;
	vm0 =	vge.f32 v15, v52  }
0x197: {  	v61 =	vld.idx.msk [tilespmem:v60+s4+$0x0], $0xffff;
	vm2 =	vge.f32 v17, v54;
	v32 =	vadd.s32 $0x8400, v32;
	v35 =	vsel vm0, v41, v35  }
0x198: {  	v52 =	vld.idx.msk [tilespmem:v44+s4+$0x0], $0xffff;
	v41 =	vadd.s32 $0x4400, v33;
	vm0 =	vge.f32 v16, v63;
	v33 =	vadd.s32 $0x8400, v33  }
0x199: {  	v56 =	vld.idx.msk [tilespmem:v56+s4+$0x0], $0xffff;
	v63 =	vadd.s32 $0x4400, v35;
	v37 =	vsel vm0, v48, v37;
	vm0 =	vge.f32 v29, v24  }
0x19a: {  	v4 =	vld.idx.msk [tilespmem:v4+s4+$0x0], $0xffff;
	v35 =	vadd.s32 $0x8400, v35;
	v48 =	vadd.s32 $0x4400, v37;
	vm0 =	vmand vm0, vm1  }
0x19b: {  	v42 =	vld.idx.msk [tilespmem:v42+s4+$0x0], $0xffff;
	vm1 =	vge.f32 v19, v46;
	v37 =	vadd.s32 $0x8400, v37;
	v29 =	vsel vm0, v30, v29  }
0x19c: {  	v2 =	vld.idx.msk [tilespmem:v2+s4+$0x0], $0xffff;
	v30 =	vsel vm2, v57, v40;
	vm0 =	vge.f32 v18, v50;
	v43 =	vsel vm1, v58, v43  }
0x19d: {  	v39 =	vld.idx.msk [tilespmem:v39+s4+$0x0], $0xffff;
	vm1 =	vge.f32 v21, v53;
	vm2 =	vle.f32 v12, v25;
	v1 =	vsel vm0, v45, v1  }
0x19e: {  	v3 =	vld.idx.msk [tilespmem:v3+s4+$0x0], $0xffff;
	vm0 =	vge.f32 v20, v59;
	v40 =	vadd.s32 $0x4400, v30;
	v45 =	vsel vm1, v62, v47  }
0x19f: {  	v36 =	vld.idx.msk [tilespmem:v36+s4+$0x0], $0xffff;
	v57 =	vadd.s32 $0x4400, v43;
	vm1 =	vge.f32 v14, v24;
	v0 =	vsel vm0, v55, v0  }
0x1a0: {  	v34 =	vld.idx.msk [tilespmem:v34+s4+$0x0], $0xffff;
	vm0 =	vge.f32 v22, v61;
	v61 =	vadd.s32 $0x8400, v30;
	v30 =	vmul.f32 v56, v28  }
0x1a1: {  	v38 =	vld.idx.msk [tilespmem:v38+s4+$0x0], $0xffff;
	v62 =	vadd.s32 $0x4400, v1;
	v1 =	vadd.s32 $0x8400, v1;
	v59 =	vadd.s32 $0x4400, v45  }
0x1a2: {  	v32 =	vld.idx.msk [tilespmem:v32+s4+$0x0], $0xffff;
	vm5 =	vmand vm1, vm6;
	vm1 =	vle.f32 v19, v25;
	v42 =	vmul.f32 v42, v27  }
0x1a3: {  	v31 =	vld.idx.msk [tilespmem:v41+s4+$0x0], $0xffff;
	v47 =	vsel vm0, v60, v49;
	vm0 =	vge.f32 v23, v52;
	v58 =	vadd.s32 $0x4400, v0  }
0x1a4: {  	v33 =	vld.idx.msk [tilespmem:v33+s4+$0x0], $0xffff;
	v0 =	vadd.s32 $0x8400, v0;
	v39 =	vmul.f32 v39, v26;
	v4 =	vadd.f32 v4, v30  }
0x1a5: {  	v41 =	vld.idx.msk [tilespmem:v63+s4+$0x0], $0xffff;
	v44 =	vsel vm0, v44, v51;
	vm0 =	vge.f32 v12, v24;
	v60 =	vadd.s32 $0x4400, v47  }
0x1a6: {  	v35 =	vld.idx.msk [tilespmem:v35+s4+$0x0], $0xffff;
	v2 =	vadd.f32 v2, v42;
	v30 =	vmul.f32 v36, v12;
	v3 =	vadd.f32 v3, v39  }
0x1a7: {  	v48 =	vld.idx.msk [tilespmem:v48+s4+$0x0], $0xffff;
	v49 =	vmul.f32 v38, v13;
	v4 =	vsel vm4, v4, v28;
	vm4 =	vmand vm8, vm9  }
0x1a8: {  	v63 =	vld.idx.msk [tilespmem:v40+s4+$0x0], $0xffff;
	vm8 =	vle.f32 v15, v25;
	v50 =	vmul.f32 v31, v14;
	v30 =	vadd.f32 v34, v30  }
0x1a9: {  	v55 =	vld.idx.msk [tilespmem:v62+s4+$0x0], $0xffff;
	v40 =	vsel vm4, v2, v27;
	vm4 =	vmand vm10, vm11;
	v62 =	vadd.s32 $0x8400, v45  }
0x1aa: {  	v37 =	vld.idx.msk [tilespmem:v37+s4+$0x0], $0xffff;
	vm10 =	vge.f32 v16, v24;
	vm11 =	vle.f32 v16, v25;
	vm9 =	vmand vm7, vm8  }
0x1ab: {  	v54 =	vld.idx.msk [tilespmem:v61+s4+$0x0], $0xffff;
	vm7 =	vge.f32 v20, v24;
	v27 =	vsel vm4, v3, v26;
	v3 =	vadd.s32 $0x4400, v44  }
0x1ac: {  	v1 =	vld.idx.msk [tilespmem:v1+s4+$0x0], $0xffff;
	vm8 =	vmand vm3, vm1;
	v52 =	vmul.f32 v41, v15;
	v26 =	vadd.s32 $0x8400, v43  }
0x1ad: {  	v61 =	vld.idx.msk [tilespmem:v57+s4+$0x0], $0xffff;
	v31 =	vadd.f32 v32, v49;
	v44 =	vadd.s32 $0x8400, v44;
	vm4 =	vmand vm0, vm2  }
0x1ae: {  	v38 =	vld.idx.msk [tilespmem:v58+s4+$0x0], $0xffff;
	vm0 =	vle.f32 v18, v25;
	vm6 =	vmand vm10, vm11;
	vm11 =	vle.f32 v20, v25  }
0x1af: {  	vm10 =	vmand vm13, vm14;
	vm13 =	vge.f32 v21, v24;
	vm14 =	vge.f32 v22, v24;
	v2 =	vld.idx.msk [tilespmem:v60+s4+$0x0], $0xffff  }
0x1b0: {  	v53 =	vmul.f32 v48, v16;
	v32 =	vadd.f32 v33, v50;
	v36 =	vmul.f32 v55, v18;
	v3 =	vld.idx.msk [tilespmem:v3+s4+$0x0], $0xffff  }
0x1b1: {  	vm2 =	vmand vm15, vm0;
	vm0 =	vle.f32 v21, v25;
	vm1 =	vmand vm7, vm11;
	v26 =	vld.idx.msk [tilespmem:v26+s4+$0x0], $0xffff  }
0x1b2: {  	v56 =	vmul.f32 v63, v17;
	v63 =	vadd.s32 $0x8400, v47;
	v28 =	vadd.f32 v1, v36;
	v1 =	vld.idx.msk [tilespmem:v59+s4+$0x0], $0xffff  }
0x1b3: {  	vm7 =	vle.f32 v22, v25;
	vm11 =	vle.f32 v23, v25;
	v34 =	vadd.f32 v35, v52  }
0x1b4: {  	[tilespmem:s26+$0x380] =	vst v29;
	v41 =	vld.idx.msk [tilespmem:v0+s4+$0x0], $0xffff;
	vm3 =	vmand vm13, vm0;
	vm0 =	vge.f32 v23, v24;
	vm7 =	vmand vm14, vm7  }
0x1b5: {  	[tilespmem:s26+$0xFFFFFC00] =	vst v4;
	v33 =	vadd.f32 v37, v53;
	vm0 =	vmand vm0, vm11;
	v42 =	vld.idx.msk [tilespmem:v62+s4+$0x0], $0xffff;
	v36 =	vmul.f32 v61, v19  }
0x1b6: {  	v35 =	vadd.f32 v54, v56;
	v39 =	vmul.f32 v38, v20;
	v44 =	vld.idx.msk [tilespmem:v44+s4+$0x0], $0xffff;
	v38 =	vmul.f32 v2, v22  }
0x1b7: {  	s29 =	smov.u32 s26;
	s2 =	sadd.s32 $0x800, s28;
	s0 =	simm.s32 $0x0;
	v43 =	vld.idx.msk [tilespmem:v63+s4+$0x0], $0xffff;
	v45 =	vadd.f32 v26, v36;
	v36 =	vmul.f32 v3, v23;
	v37 =	vmul.f32 v1, v21  }
.LBB2_8:
0x1b8: {  	v29 =	vld [tilespmem:s2+$0x380];
	[tilespmem:s29+$0xFFFFFC80] =	vst v40  }
0x1b9: {  	v0 =	vsel vm4, v30, v12;
	[tilespmem:s29+$0xFFFFFD00] =	vst v27;
	v26 =	vld [tilespmem:s2+$0xFFFFFC80]  }
0x1ba: {  	v1 =	vsel vm12, v31, v13;
	v4 =	vsel vm9, v34, v15;
	v3 =	vsel vm5, v32, v14;
	v27 =	vld [tilespmem:s2+$0xFFFFFD00];
	[tilespmem:s29+$0xFFFFFD80] =	vst v0  }
0x1bb: {  	v58 =	vsel vm6, v33, v16;
	v17 =	vsel vm10, v35, v17;
	[tilespmem:s29+$0xFFFFFE00] =	vst v1;
	v12 =	vld [tilespmem:s2+$0xFFFFFD80];
	v2 =	vadd.f32 v41, v39  }
0x1bc: {  	v59 =	vsel vm2, v28, v18;
	v13 =	vld [tilespmem:s2+$0xFFFFFE00];
	v14 =	vadd.f32 v42, v37;
	v15 =	vadd.f32 v43, v38  }
0x1bd: {  	v19 =	vsel vm8, v45, v19;
	v16 =	vadd.f32 v44, v36;
	v2 =	vsel vm1, v2, v20  }
0x1be: {  	[tilespmem:s29+$0xFFFFFE80] =	vst v3;
	v3 =	vsel vm3, v14, v21;
	v22 =	vsel vm7, v15, v22;
	vm1 =	vge.f32 v29, v7  }
0x1bf: {  	[tilespmem:s29+$0xFFFFFF00] =	vst v4;
	v28 =	vld [tilespmem:s2+$0xFFFFFC00];
	v4 =	vsel vm0, v16, v23;
	vm0 =	vge.f32 v26, v7;
	v18 =	vsel vm1, v11, v10  }
0x1c0: {  	[tilespmem:s29+$0xFFFFFF80] =	vst v58;
	v14 =	vld [tilespmem:s2+$0xFFFFFE80];
	v20 =	vsel vm1, v9, v8;
	vm1 =	vge.f32 v27, v7;
	v30 =	vsel vm0, v11, v10  }
0x1c1: {  	[tilespmem:s29+$0x0] =	vst v17;
	v15 =	vld [tilespmem:s2+$0xFFFFFF00];
	vm3 =	vge.f32 v12, v7;
	v1 =	vsel vm0, v9, v8;
	vm0 =	vge.f32 v13, v7  }
0x1c2: {  	[tilespmem:s29+$0x100] =	vst v19;
	v16 =	vld [tilespmem:s2+$0xFFFFFF80];
	v60 =	vadd.s32 $0x1000, v18;
	vm2 =	vge.f32 v29, v20;
	v32 =	vsel vm1, v11, v10  }
0x1c3: {  	v17 =	vld [tilespmem:s2+$0x0];
	[tilespmem:s29+$0x180] =	vst v2;
	v33 =	vsel vm1, v9, v8;
	v2 =	vsel vm3, v11, v10;
	v34 =	vsel vm3, v9, v8  }
0x1c4: {  	v19 =	vld [tilespmem:s2+$0x100];
	[tilespmem:s29+$0x200] =	vst v3;
	v3 =	vsel vm0, v11, v10;
	v35 =	vsel vm0, v9, v8;
	vm3 =	vge.f32 v28, v7  }
0x1c5: {  	[tilespmem:s29+$0x280] =	vst v22;
	v20 =	vld [tilespmem:s2+$0x180];
	v0 =	vsel vm2, v60, v18;
	v52 =	vsel vm3, v9, v8;
	vm4 =	vge.f32 v13, v35  }
0x1c6: {  	v22 =	vld [tilespmem:s2+$0x280];
	v31 =	vadd.s32 $0x800, v0;
	vm1 =	vge.f32 v14, v7;
	vm2 =	vge.f32 v15, v7  }
0x1c7: {  	[tilespmem:s29+$0x80] =	vst v59;
	vm0 =	vge.f32 v16, v7;
	v36 =	vsel vm1, v11, v10;
	v37 =	vsel vm1, v9, v8  }
0x1c8: {  	[tilespmem:s29+$0x300] =	vst v4;
	vm1 =	vge.f32 v17, v7;
	v4 =	vsel vm2, v11, v10;
	v38 =	vsel vm2, v9, v8  }
0x1c9: {  	v18 =	vld [tilespmem:s2+$0x80];
	v40 =	vsel vm0, v11, v10;
	v62 =	vsel vm0, v9, v8;
	vm0 =	vge.f32 v19, v7  }
0x1ca: {  	v23 =	vld [tilespmem:s2+$0x300];
	v42 =	vsel vm1, v11, v10;
	v63 =	vsel vm1, v9, v8;
	vm1 =	vge.f32 v20, v7  }
0x1cb: {  	v46 =	vsel vm0, v11, v10;
	v47 =	vsel vm0, v9, v8;
	vm0 =	vge.f32 v22, v7  }
0x1cc: {  	v35 =	vadd.s32 $0x1000, v36;
	vm5 =	vge.f32 v14, v37;
	v58 =	vadd.s32 $0x1000, v4  }
0x1cd: {  	v21 =	vld [tilespmem:s2+$0x200];
	vm6 =	vge.f32 v15, v38;
	v38 =	vadd.s32 $0x1000, v40;
	vm8 =	vge.f32 v16, v62  }
0x1ce: {  	vm2 =	vge.f32 v18, v7;
	v48 =	vsel vm1, v11, v10;
	v49 =	vsel vm1, v9, v8;
	v61 =	vld.idx.msk [tilespmem:v31+s4+$0x0], $0xffff  }
0x1cf: {  	vm1 =	vge.f32 v23, v7;
	v39 =	vsel vm0, v11, v10;
	v54 =	vsel vm0, v9, v8  }
0x1d0: {  	vm0 =	vge.f32 v26, v1;
	v1 =	vadd.s32 $0x1000, v32;
	v41 =	vadd.s32 $0x1000, v42  }
0x1d1: {  	vm7 =	vge.f32 v17, v63;
	v45 =	vadd.s32 $0x1000, v46;
	vm10 =	vge.f32 v19, v47  }
0x1d2: {  	v44 =	vsel vm2, v11, v10;
	v60 =	vsel vm2, v9, v8;
	vm2 =	vge.f32 v21, v7  }
0x1d3: {  	v50 =	vsel vm2, v11, v10;
	v51 =	vsel vm2, v9, v8;
	vm2 =	vge.f32 v29, v61  }
0x1d4: {  	v4 =	vsel vm6, v58, v4;
	v55 =	vsel vm1, v11, v10;
	v0 =	vsel vm2, v31, v0  }
0x1d5: {  	v56 =	vsel vm1, v9, v8;
	vm1 =	vge.f32 v28, v52;
	v53 =	vadd.s32 $0x400, v0  }
0x1d6: {  	v52 =	vadd.s32 $0x1000, v30;
	v62 =	vadd.s32 $0x1000, v48;
	vm11 =	vge.f32 v20, v49  }
0x1d7: {  	v59 =	vadd.s32 $0x1000, v39;
	vm13 =	vge.f32 v22, v54;
	v43 =	vadd.s32 $0x1000, v44  }
0x1d8: {  	vm9 =	vge.f32 v18, v60;
	v60 =	vadd.s32 $0x1000, v55;
	v37 =	vsel vm0, v52, v30  }
0x1d9: {  	v39 =	vsel vm13, v59, v39;
	vm0 =	vge.f32 v28, v24;
	v63 =	vadd.s32 $0x1000, v50  }
0x1da: {  	vm12 =	vge.f32 v21, v51;
	v31 =	vsel vm3, v11, v10;
	vm2 =	vge.f32 v27, v33;
	v61 =	vld.idx.msk [tilespmem:v53+s4+$0x0], $0xffff  }
0x1db: {  	v33 =	vadd.s32 $0x1000, v2;
	vm3 =	vge.f32 v12, v34;
	v34 =	vadd.s32 $0x1000, v3  }
0x1dc: {  	v57 =	vadd.s32 $0x1000, v31;
	v1 =	vsel vm2, v1, v32;
	v2 =	vsel vm3, v33, v2  }
0x1dd: {  	v3 =	vsel vm4, v34, v3;
	v33 =	vsel vm5, v35, v36;
	v34 =	vsel vm8, v38, v40  }
0x1de: {  	v35 =	vsel vm7, v41, v42;
	v36 =	vsel vm9, v43, v44;
	v38 =	vsel vm10, v45, v46  }
0x1df: {  	v40 =	vsel vm11, v62, v48;
	v41 =	vsel vm12, v63, v50;
	vm14 =	vge.f32 v29, v61  }
0x1e0: {  	v43 =	vadd.s32 $0x800, v37;
	v48 =	vadd.s32 $0x800, v4;
	v0 =	vsel vm14, v53, v0  }
0x1e1: {  	vm11 =	vge.f32 v26, v24;
	vm4 =	vle.f32 v26, v25;
	v61 =	vadd.s32 $0x4400, v0  }
0x1e2: {  	vm2 =	vge.f32 v27, v24;
	vm3 =	vle.f32 v29, v25;
	vm5 =	vge.f32 v13, v24  }
0x1e3: {  	v62 =	vimm.s32 $0x0;
	v31 =	vsel vm1, v57, v31;
	v0 =	vadd.s32 $0x8400, v0  }
0x1e4: {  	vm1 =	vge.f32 v23, v56;
	v44 =	vadd.s32 $0x800, v1;
	v45 =	vadd.s32 $0x800, v2  }
0x1e5: {  	v46 =	vadd.s32 $0x800, v3;
	v47 =	vadd.s32 $0x800, v33;
	v49 =	vadd.s32 $0x800, v34  }
0x1e6: {  	v50 =	vadd.s32 $0x800, v35;
	v51 =	vadd.s32 $0x800, v36;
	v52 =	vadd.s32 $0x800, v38;
	v32 =	vld.idx.msk [tilespmem:v61+s4+$0x0], $0xffff  }
0x1e7: {  	v42 =	vadd.s32 $0x800, v31;
	v30 =	vsel vm1, v60, v55;
	v60 =	vimm.s32 $0x0  }
0x1e8: {  	v54 =	vadd.s32 $0x800, v41;
	v55 =	vadd.s32 $0x800, v39;
	v60 =	vsel vm2, $0xFFFFFFFF, v60;
	v0 =	vld.idx.msk [tilespmem:v0+s4+$0x0], $0xffff  }
0x1e9: {  	vm1 =	vle.f32 v28, v25;
	vm2 =	vle.f32 v27, v25;
	[tilespmem:$0x1FD40] =	vst v60;
	v60 =	vimm.s32 $0x0  }
0x1ea: {  	v57 =	vadd.s32 $0x800, v30;
	vm0 =	vmand vm0, vm1;
	v60 =	vsel vm2, $0xFFFFFFFF, v60  }
0x1eb: {  	vm2 =	vge.f32 v12, v24;
	[tilespmem:$0x1FD50] =	vst v60;
	v60 =	vimm.s32 $0x0;
	v32 =	vmul.f32 v32, v29  }
0x1ec: {  	vm1 =	vge.f32 v15, v24;
	v56 =	vld.idx.msk [tilespmem:v42+s4+$0x0], $0xffff;
	v60 =	vsel vm2, $0xFFFFFFFF, v60;
	v61 =	vimm.s32 $0x0  }
0x1ed: {  	vm2 =	vge.f32 v29, v24;
	v61 =	vsel vm5, $0xFFFFFFFF, v61;
	v0 =	vadd.f32 v0, v32  }
0x1ee: {  	v58 =	vld.idx.msk [tilespmem:v43+s4+$0x0], $0xffff;
	vm2 =	vmand vm2, vm3;
	vm3 =	vle.f32 v13, v25;
	[tilespmem:$0x1FD70] =	vst v61;
	v61 =	vimm.s32 $0x0  }
0x1ef: {  	v59 =	vld.idx.msk [tilespmem:v44+s4+$0x0], $0xffff;
	[tilespmem:$0x1FD60] =	vst v60;
	v61 =	vsel vm3, $0xFFFFFFFF, v61;
	v0 =	vsel vm2, v0, v29;
	v29 =	vimm.s32 $0x0  }
0x1f0: {  	v60 =	vld.idx.msk [tilespmem:v45+s4+$0x0], $0xffff;
	v53 =	vadd.s32 $0x800, v40;
	vm3 =	vge.f32 v14, v24;
	[tilespmem:$0x1FD80] =	vst v61;
	v29 =	vsel vm0, $0xFFFFFFFF, v29  }
0x1f1: {  	s29 =	sadd.s32 $0x800, s29;
	v32 =	vld.idx.msk [tilespmem:v46+s4+$0x0], $0xffff;
	vm2 =	vge.f32 v28, v56;
	vm0 =	vle.f32 v14, v25;
	[tilespmem:$0x1FE60] =	vst v29;
	v29 =	vimm.s32 $0x0  }
0x1f2: {  	v61 =	vld.idx.msk [tilespmem:v47+s4+$0x0], $0xffff;
	[tilespmem:s29+$0x380] =	vst v0;
	v0 =	vsel vm2, v42, v31;
	v31 =	vimm.s32 $0x0;
	v29 =	vsel vm0, $0xFFFFFFFF, v29  }
0x1f3: {  	v62 =	vsel vm3, $0xFFFFFFFF, v62;
	v31 =	vsel vm1, $0xFFFFFFFF, v31;
	vm0 =	vge.f32 v26, v58;
	[tilespmem:$0x1FDA0] =	vst v29;
	v29 =	vld.idx.msk [tilespmem:v48+s4+$0x0], $0xffff  }
0x1f4: {  	v42 =	vadd.s32 $0x400, v0;
	[tilespmem:$0x1FDB0] =	vst v31;
	v31 =	vld.idx.msk [tilespmem:v49+s4+$0x0], $0xffff;
	v37 =	vsel vm0, v43, v37;
	vm0 =	vge.f32 v27, v59  }
0x1f5: {  	[tilespmem:$0x1FD90] =	vst v62;
	v62 =	vld.idx.msk [tilespmem:v50+s4+$0x0], $0xffff;
	v56 =	vadd.s32 $0x400, v37;
	v1 =	vsel vm0, v44, v1;
	vm0 =	vge.f32 v12, v60  }
0x1f6: {  	v44 =	vld.idx.msk [tilespmem:v51+s4+$0x0], $0xffff;
	v58 =	vadd.s32 $0x400, v1;
	v2 =	vsel vm0, v45, v2;
	vm0 =	vge.f32 v13, v32  }
0x1f7: {  	v32 =	vld.idx.msk [tilespmem:v52+s4+$0x0], $0xffff;
	v45 =	vadd.s32 $0x400, v2;
	v3 =	vsel vm0, v46, v3;
	vm0 =	vge.f32 v14, v61  }
0x1f8: {  	v46 =	vld.idx.msk [tilespmem:v53+s4+$0x0], $0xffff;
	v59 =	vadd.s32 $0x400, v3;
	v33 =	vsel vm0, v47, v33;
	vm0 =	vge.f32 v15, v29  }
0x1f9: {  	v29 =	vld.idx.msk [tilespmem:v54+s4+$0x0], $0xffff;
	v47 =	vadd.s32 $0x400, v33;
	v4 =	vsel vm0, v48, v4;
	vm0 =	vge.f32 v16, v31  }
0x1fa: {  	v31 =	vld.idx.msk [tilespmem:v55+s4+$0x0], $0xffff;
	v48 =	vadd.s32 $0x400, v4;
	v34 =	vsel vm0, v49, v34;
	vm0 =	vge.f32 v17, v62  }
0x1fb: {  	v49 =	vld.idx.msk [tilespmem:v42+s4+$0x0], $0xffff;
	v60 =	vadd.s32 $0x400, v34;
	v35 =	vsel vm0, v50, v35;
	vm0 =	vge.f32 v18, v44  }
0x1fc: {  	v43 =	vld.idx.msk [tilespmem:v57+s4+$0x0], $0xffff;
	v50 =	vadd.s32 $0x400, v35;
	v36 =	vsel vm0, v51, v36;
	vm0 =	vge.f32 v19, v32  }
0x1fd: {  	v63 =	vld.idx.msk [tilespmem:v56+s4+$0x0], $0xffff;
	v51 =	vadd.s32 $0x400, v36;
	v38 =	vsel vm0, v52, v38;
	vm0 =	vge.f32 v20, v46  }
0x1fe: {  	v61 =	vld.idx.msk [tilespmem:v58+s4+$0x0], $0xffff;
	v52 =	vadd.s32 $0x400, v38;
	v40 =	vsel vm0, v53, v40;
	vm0 =	vge.f32 v21, v29  }
0x1ff: {  	v46 =	vld.idx.msk [tilespmem:v45+s4+$0x0], $0xffff;
	v53 =	vadd.s32 $0x400, v40;
	v41 =	vsel vm0, v54, v41;
	vm0 =	vge.f32 v22, v31  }
0x200: {  	v29 =	vld.idx.msk [tilespmem:v59+s4+$0x0], $0xffff;
	vm1 =	vge.f32 v28, v49;
	v54 =	vadd.s32 $0x400, v41;
	v39 =	vsel vm0, v55, v39  }
0x201: {  	v31 =	vld.idx.msk [tilespmem:v47+s4+$0x0], $0xffff;
	vm0 =	vge.f32 v23, v43;
	v0 =	vsel vm1, v42, v0;
	v49 =	vadd.s32 $0x400, v39  }
0x202: {  	v62 =	vld.idx.msk [tilespmem:v48+s4+$0x0], $0xffff;
	v30 =	vsel vm0, v57, v30;
	vm0 =	vge.f32 v26, v63;
	v55 =	vadd.s32 $0x4400, v0  }
0x203: {  	v63 =	vld.idx.msk [tilespmem:v60+s4+$0x0], $0xffff;
	v0 =	vadd.s32 $0x8400, v0;
	v37 =	vsel vm0, v56, v37;
	vm0 =	vge.f32 v27, v61  }
0x204: {  	v44 =	vadd.s32 $0x400, v30;
	v61 =	vld.idx.msk [tilespmem:v50+s4+$0x0], $0xffff;
	v1 =	vsel vm0, v58, v1;
	vm0 =	vge.f32 v12, v46  }
0x205: {  	v56 =	vadd.s32 $0x4400, v37;
	v46 =	vld.idx.msk [tilespmem:v51+s4+$0x0], $0xffff;
	v2 =	vsel vm0, v45, v2;
	vm0 =	vge.f32 v13, v29  }
0x206: {  	v37 =	vadd.s32 $0x8400, v37;
	v29 =	vld.idx.msk [tilespmem:v52+s4+$0x0], $0xffff;
	v3 =	vsel vm0, v59, v3;
	vm0 =	vge.f32 v14, v31  }
0x207: {  	v57 =	vadd.s32 $0x4400, v1;
	v31 =	vld.idx.msk [tilespmem:v53+s4+$0x0], $0xffff;
	v33 =	vsel vm0, v47, v33;
	vm0 =	vge.f32 v15, v62  }
0x208: {  	v58 =	vadd.s32 $0x4400, v3;
	v62 =	vld.idx.msk [tilespmem:v54+s4+$0x0], $0xffff;
	v4 =	vsel vm0, v48, v4;
	vm0 =	vge.f32 v16, v63  }
0x209: {  	v45 =	vadd.s32 $0x4400, v2;
	v63 =	vld.idx.msk [tilespmem:v49+s4+$0x0], $0xffff;
	v34 =	vsel vm0, v60, v34;
	vm0 =	vge.f32 v17, v61  }
0x20a: {  	v47 =	vadd.s32 $0x4400, v33;
	v60 =	vld.idx.msk [tilespmem:v44+s4+$0x0], $0xffff;
	v35 =	vsel vm0, v50, v35;
	vm0 =	vge.f32 v18, v46  }
0x20b: {  	v2 =	vadd.s32 $0x8400, v2;
	v48 =	vadd.s32 $0x4400, v4;
	v46 =	vld.idx.msk [tilespmem:v56+s4+$0x0], $0xffff;
	v36 =	vsel vm0, v51, v36  }
0x20c: {  	v61 =	vadd.s32 $0x4400, v34;
	vm0 =	vge.f32 v19, v29;
	v29 =	vld.idx.msk [tilespmem:v57+s4+$0x0], $0xffff;
	v51 =	vadd.s32 $0x4400, v36  }
0x20d: {  	v38 =	vsel vm0, v52, v38;
	vm0 =	vge.f32 v20, v31;
	v43 =	vld.idx.msk [tilespmem:v58+s4+$0x0], $0xffff;
	v58 =	vimm.s32 $0x0  }
0x20e: {  	v31 =	vld.idx.msk [tilespmem:v45+s4+$0x0], $0xffff;
	v57 =	vadd.s32 $0x4400, v38;
	v40 =	vsel vm0, v53, v40;
	vm0 =	vge.f32 v21, v62  }
0x20f: {  	v42 =	vld.idx.msk [tilespmem:v47+s4+$0x0], $0xffff;
	v53 =	vadd.s32 $0x8400, v36;
	v45 =	vadd.s32 $0x8400, v38;
	v47 =	vimm.s32 $0x0  }
0x210: {  	v55 =	vld.idx.msk [tilespmem:v55+s4+$0x0], $0xffff;
	v62 =	vadd.s32 $0x4400, v40;
	v41 =	vsel vm0, v54, v41;
	vm0 =	vge.f32 v22, v63  }
0x211: {  	v32 =	vld.idx.msk [tilespmem:v48+s4+$0x0], $0xffff;
	v63 =	vadd.s32 $0x4400, v41;
	v39 =	vsel vm0, v49, v39;
	vm0 =	vge.f32 v23, v60  }
0x212: {  	v0 =	vld.idx.msk [tilespmem:v0+s4+$0x0], $0xffff;
	v52 =	vadd.s32 $0x8400, v41;
	v41 =	vmul.f32 v46, v26;
	v46 =	vimm.s32 $0x0  }
0x213: {  	v60 =	vld.idx.msk [tilespmem:v61+s4+$0x0], $0xffff;
	v48 =	vadd.s32 $0x4400, v39;
	v30 =	vsel vm0, v44, v30;
	v54 =	vadd.s32 $0x8400, v39  }
0x214: {  	vm0 =	vle.f32 v15, v25;
	v61 =	vadd.s32 $0x4400, v30;
	v56 =	vadd.s32 $0x8400, v30  }
0x215: {  	v30 =	vmul.f32 v55, v28;
	v55 =	vimm.s32 $0x0;
	v38 =	vld.idx.msk [tilespmem:v62+s4+$0x0], $0xffff;
	v62 =	vimm.s32 $0x0  }
0x216: {  	v59 =	vld.idx.msk [tilespmem:v37+s4+$0x0], $0xffff;
	v49 =	vmul.f32 v32, v15;
	v39 =	vsel vm0, $0xFFFFFFFF, v62;
	vm0 =	vge.f32 v16, v24  }
0x217: {  	v36 =	vld.idx.msk [tilespmem:v57+s4+$0x0], $0xffff;
	v0 =	vadd.f32 v0, v30;
	[tilespmem:$0x1FDC0] =	vst v39;
	v39 =	vsel vm0, $0xFFFFFFFF, v47;
	vm0 =	vle.f32 v16, v25  }
0x218: {  	v63 =	vld.idx.msk [tilespmem:v63+s4+$0x0], $0xffff;
	v44 =	vmul.f32 v60, v16;
	[tilespmem:$0x1FDD0] =	vst v39;
	v39 =	vsel vm0, $0xFFFFFFFF, v55;
	vm0 =	vge.f32 v17, v24  }
0x219: {  	v60 =	vimm.s32 $0x0;
	v47 =	vld.idx.msk [tilespmem:v48+s4+$0x0], $0xffff;
	v32 =	vsel vm0, $0xFFFFFFFF, v58;
	vm0 =	vle.f32 v17, v25  }
0x21a: {  	v57 =	vld.idx.msk [tilespmem:v61+s4+$0x0], $0xffff;
	v61 =	vimm.s32 $0x0;
	v37 =	vsel vm0, $0xFFFFFFFF, v60;
	vm0 =	vge.f32 v18, v24  }
0x21b: {  	v62 =	vimm.s32 $0x0;
	[tilespmem:$0x1FE00] =	vst v37;
	v37 =	vsel vm0, $0xFFFFFFFF, v61;
	vm0 =	vge.f32 v19, v24  }
0x21c: {  	[tilespmem:$0x1FDE0] =	vst v39;
	v55 =	vmul.f32 v36, v19;
	v39 =	vmul.f32 v38, v20;
	v36 =	vsel vm0, $0xFFFFFFFF, v62  }
0x21d: {  	[tilespmem:$0x1FE10] =	vst v37;
	v37 =	vmul.f32 v63, v21;
	vm0 =	vle.f32 v19, v25;
	v63 =	vimm.s32 $0x0  }
0x21e: {  	v38 =	vmul.f32 v47, v22;
	[tilespmem:$0x1FE20] =	vst v36;
	v36 =	vsel vm0, $0xFFFFFFFF, v63;
	vm0 =	vge.f32 v20, v24  }
0x21f: {  	v47 =	vimm.s32 $0x0;
	[tilespmem:$0x1FE30] =	vst v36;
	v36 =	vsel vm0, $0xFFFFFFFF, v46;
	vm0 =	vge.f32 v21, v24  }
0x220: {  	v30 =	vimm.s32 $0x0;
	[tilespmem:$0x1FE40] =	vst v36;
	v36 =	vsel vm0, $0xFFFFFFFF, v47;
	vm0 =	vmand vm11, vm4  }
0x221: {  	v3 =	vadd.s32 $0x8400, v3;
	v30 =	vsel vm0, $0xFFFFFFFF, v30  }
0x222: {  	[tilespmem:$0x1FE70] =	vst v30;
	v30 =	vld [tilespmem:$0x1FD40];
	_ =	sdelay $0x2  }
0x223: {  	v2 =	vld.idx.msk [tilespmem:v2+s4+$0x0], $0xffff  }
0x224: {  	v3 =	vld.idx.msk [tilespmem:v3+s4+$0x0], $0xffff  }
0x225: {  	vm11 =	vnez.u8 v30;
	v30 =	vld [tilespmem:$0x1FD50];
	_ =	sdelay $0x2  }
0x226: {  	v31 =	vmul.f32 v31, v12;
	v43 =	vmul.f32 v43, v13  }
0x227: {  	[tilespmem:$0x1FE50] =	vst v36;
	v36 =	vmul.f32 v57, v23;
	v57 =	vld [tilespmem:$0x1FD60]  }
0x228: {  	vm4 =	vnez.u8 v30;
	v30 =	vadd.f32 v2, v31;
	v31 =	vadd.f32 v3, v43;
	v3 =	vld [tilespmem:$0x1FD70];
	_ =	sdelay $0x3  }
0x229: {  	vm12 =	vle.f32 v12, v25;
	vm11 =	vmand vm11, vm4;
	vm4 =	vnez.u8 v57  }
0x22a: {  	vm4 =	vmand vm4, vm12;
	vm12 =	vnez.u8 v3;
	v3 =	vld [tilespmem:$0x1FD80]  }
0x22b: {  	v4 =	vadd.s32 $0x8400, v4  }
0x22c: {  	v34 =	vadd.s32 $0x8400, v34;
	_ =	sdelay $0x2  }
0x22d: {  	vm5 =	vnez.u8 v3;
	v3 =	vld [tilespmem:$0x1FD90]  }
0x22e: {  	v4 =	vld.idx.msk [tilespmem:v4+s4+$0x0], $0xffff  }
0x22f: {  	v48 =	vld.idx.msk [tilespmem:v34+s4+$0x0], $0xffff  }
0x230: {  	v60 =	vld [tilespmem:$0x1FDC0]  }
0x231: {  	v61 =	vld [tilespmem:$0x1FDD0]  }
0x232: {  	vm12 =	vmand vm12, vm5;
	vm5 =	vnez.u8 v3;
	v3 =	vld [tilespmem:$0x1FDA0]  }
0x233: {  	v46 =	vadd.f32 v59, v41;
	v59 =	vld [tilespmem:$0x1FDB0]  }
0x234: {  	[tilespmem:$0x1FDF0] =	vst v32;
	v62 =	vld [tilespmem:$0x1FDE0]  }
0x235: {  	v34 =	vadd.f32 v4, v49;
	v4 =	vld [tilespmem:$0x1FDF0];
	_ =	sdelay $0x1  }
0x236: {  	vm9 =	vnez.u8 v3  }
0x237: {  	vm6 =	vnez.u8 v60;
	vm5 =	vmand vm5, vm9;
	vm9 =	vnez.u8 v59  }
0x238: {  	vm10 =	vnez.u8 v62;
	vm9 =	vmand vm9, vm6;
	vm6 =	vnez.u8 v61  }
0x239: {  	vm6 =	vmand vm6, vm10;
	vm10 =	vnez.u8 v4;
	v4 =	vld [tilespmem:$0x1FE00];
	_ =	sdelay $0x4  }
0x23a: {  	vm2 =	vnez.u8 v4;
	v4 =	vld [tilespmem:$0x1FE10];
	_ =	sdelay $0x4  }
0x23b: {  	vm10 =	vmand vm10, vm2;
	vm2 =	vnez.u8 v4;
	v4 =	vld [tilespmem:$0x1FE20];
	_ =	sdelay $0x3  }
0x23c: {  	vm8 =	vle.f32 v18, v25  }
0x23d: {  	vm2 =	vmand vm2, vm8;
	vm8 =	vnez.u8 v4;
	v4 =	vld [tilespmem:$0x1FE30];
	_ =	sdelay $0x2  }
0x23e: {  	v1 =	vadd.s32 $0x8400, v1  }
0x23f: {  	v33 =	vadd.s32 $0x8400, v33  }
0x240: {  	vm1 =	vnez.u8 v4;
	v4 =	vld [tilespmem:$0x1FE40]  }
0x241: {  	v50 =	vadd.s32 $0x4400, v35;
	_ =	sdelay $0x1  }
0x242: {  	v1 =	vld.idx.msk [tilespmem:v1+s4+$0x0], $0xffff;
	v35 =	vadd.s32 $0x8400, v35  }
0x243: {  	v33 =	vld.idx.msk [tilespmem:v33+s4+$0x0], $0xffff  }
0x244: {  	vm8 =	vmand vm8, vm1;
	vm1 =	vnez.u8 v4;
	v4 =	vld [tilespmem:$0x1FE50]  }
0x245: {  	v50 =	vld.idx.msk [tilespmem:v50+s4+$0x0], $0xffff;
	v29 =	vmul.f32 v29, v27  }
0x246: {  	v51 =	vld.idx.msk [tilespmem:v51+s4+$0x0], $0xffff  }
0x247: {  	v1 =	vadd.f32 v1, v29;
	v29 =	vld.idx.msk [tilespmem:v35+s4+$0x0], $0xffff  }
0x248: {  	vm15 =	vle.f32 v20, v25;
	v63 =	vld [tilespmem:$0x1FE70]  }
0x249: {  	vm7 =	vle.f32 v22, v25;
	vm1 =	vmand vm1, vm15;
	vm15 =	vnez.u8 v4;
	v4 =	vld [tilespmem:$0x1FE60]  }
0x24a: {  	s0 =	sadd.s32 $0x10, s0;
	vm14 =	vge.f32 v22, v24;
	v40 =	vadd.s32 $0x8400, v40;
	v50 =	vmul.f32 v50, v17;
	v58 =	vld.idx.msk [tilespmem:v53+s4+$0x0], $0xffff  }
0x24b: {  	p0 =	slt.u32 s0, $0x70;
	vm13 =	vge.f32 v23, v24;
	vm7 =	vmand vm14, vm7;
	v42 =	vmul.f32 v42, v14;
	v3 =	vld.idx.msk [tilespmem:v45+s4+$0x0], $0xffff  }
.Ltmp2:
0x24c: {  	vm3 =	vle.f32 v21, v25;
	v51 =	vmul.f32 v51, v18;
	v35 =	vadd.f32 v29, v50;
	(pc) =	sbr.rel @p0 .LBB2_8-.Ltmp2, $4  }
0x24d: {  	v32 =	vadd.f32 v33, v42;
	v42 =	vld.idx.msk [tilespmem:v52+s4+$0x0], $0xffff;
	v33 =	vadd.f32 v48, v44;
	vm0 =	vle.f32 v23, v25  }
0x24e: {  	v44 =	vld.idx.msk [tilespmem:v56+s4+$0x0], $0xffff;
	vm0 =	vmand vm13, vm0;
	vm13 =	vnez.u8 v63;
	vm14 =	vnez.u8 v4  }
0x24f: {  	v41 =	vld.idx.msk [tilespmem:v40+s4+$0x0], $0xffff;
	v40 =	vsel vm13, v46, v26;
	v27 =	vsel vm11, v1, v27;
	v0 =	vsel vm14, v0, v28  }
0x250: {  	s2 =	sadd.s32 $0x800, s2;
	v43 =	vld.idx.msk [tilespmem:v54+s4+$0x0], $0xffff;
	v45 =	vadd.f32 v3, v55;
	vm3 =	vmand vm15, vm3;
	v28 =	vadd.f32 v58, v51;
	[tilespmem:s29+$0xFFFFFC00] =	vst v0  }
0x251: {  	[tilespmem:s29+$0xFFFFFC80] =	vst v40  }
0x252: {  	v0 =	vsel vm4, v30, v12;
	[tilespmem:s29+$0xFFFFFD00] =	vst v27  }
0x253: {  	v1 =	vsel vm12, v31, v13;
	[tilespmem:s29+$0xFFFFFD80] =	vst v0  }
0x254: {  	v55 =	vsel vm5, v32, v14;
	[tilespmem:s29+$0xFFFFFE00] =	vst v1  }
0x255: {  	v56 =	vsel vm9, v34, v15;
	[tilespmem:s29+$0xFFFFFE80] =	vst v55  }
0x256: {  	v57 =	vsel vm6, v33, v16;
	[tilespmem:s29+$0xFFFFFF00] =	vst v56  }
0x257: {  	v58 =	vsel vm10, v35, v17;
	[tilespmem:s29+$0xFFFFFF80] =	vst v57  }
0x258: {  	s25 =	sadd.s32 $0x1, s25;
	[tilespmem:s29+$0x0] =	vst v58;
	v60 =	vadd.f32 v42, v37;
	v3 =	vsel vm8, v45, v19  }
0x259: {  	v2 =	vsel vm2, v28, v18;
	p0 =	sne.s32 s25, $0x8;
	[tilespmem:s29+$0x100] =	vst v3;
	v3 =	vadd.f32 v44, v36  }
.Ltmp3:
0x25a: {  	[tilespmem:s29+$0x80] =	vst v2;
	v59 =	vadd.f32 v41, v39;
	v1 =	vsel vm3, v60, v21;
	(pc) =	sbr.rel @p0 .LBB2_7-.Ltmp3, $4  }
0x25b: {  	v61 =	vadd.f32 v43, v38;
	[tilespmem:s29+$0x200] =	vst v1;
	v63 =	vsel vm0, v3, v23  }
0x25c: {  	v0 =	vsel vm1, v59, v20;
	[tilespmem:s29+$0x300] =	vst v63  }
0x25d: {  	[tilespmem:s29+$0x180] =	vst v0;
	v62 =	vsel vm7, v61, v22  }
0x25e: {  	s26 =	sadd.s32 $0x10, s26;
	s28 =	sadd.s32 $0x10, s28;
	[tilespmem:s29+$0x280] =	vst v62  }
0x25f: {  	s23 =	sadd.s32 $0x1, s23  }
0x260: {  	p0 =	sne.s32 s23, $0x8  }
.Ltmp4:
0x261: {  	_ = 	snop;
	(pc) =	sbr.rel @p0 .LBB2_2-.Ltmp4, $3  }
0x262: {  	_ =	sdelay $0x1  }
0x263: {  	s0 =	sadd.s32 s3, s24  }
0x264: {  	[hbm4b:s0+s12] =	stream.strided.scatter [tilespmem:s19], [sflag:$0x4], $0x4000, s13, s12, $0x38;
	[tilespmem:$0x1E000] =	vst v63  }
0x265: {  	_ =	swait.ge [sflag:s16], $0x4000  }
0x266: {  	[sflag:s16] =	ssyncset.done $0x0  }
0x267: {  	s22 =	sadd.s32 $0x1, s22;
	[sflag:s16] =	ssyncadd.s32 $0xFFFFC000  }
0x268: {  	p0 =	sne.s32 s22, s10;
	_ =	swait.ge [sflag:s20], $0x4000  }
.Ltmp5:
0x269: {  	[sflag:s20] =	ssyncset.done $0x0;
	(pc) =	sbr.rel @p0 .LBB2_1-.Ltmp5, $4  }
0x26a: {  	[sflag:s20] =	ssyncadd.s32 $0xFFFFC000  }
0x26b: {  	_ =	swait.ge [sflag:s21], $0x4000  }
0x26c: {  	[sflag:s21] =	ssyncset.done $0x0  }
0x26d: {  	[sflag:s21] =	ssyncadd.s32 $0xFFFFC000  }
0x26e: {  	_ =	sfence.sel $0x180000  }
0x26f: {  	[bflag:$0x0] =	sbarrier.arrive $0xFFFF  }
0x270: {  	_ =	strace $0x90000047  }
0x271: {  	s0 =	stileid.u32;
	[bflag:$0x2] =	sbarrier.arrive $0xFFFF  }
0x272: {  	p0 =	sne.s32 s0, $0x0;
	s0 =	rddreg [dreg:$0x3]  }
0x273: {  	s0 =	sadd.s32 @!p0 $0x100000, s0  }
0x274: {  	[sflag:s0] =	ssyncadd.tile.s32 @!p0 $0x1;
	_ =	shalt  }
.Lfunc_end2:
_tile_overlayer_lowered:
.L_overlay_start_2:
0x275: {  	(tag) =	ssettag $0x2  }
0x276: {  	s0 =	rddreg [dreg:$0x0];
	s2 =	stileid.u32  }
0x277: {  	s1 =	rddreg [dreg:$0x1];
	p0 =	sne.s32 s2, $0x0  }
0x278: {  	s3 =	rddreg [dreg:$0x2];
	[bflag:$0x3] =	sbarrier.arrive $0xFFFF;
	s2 =	simm.s32 @!p0 $0x1C05  }
0x279: {  	[timem:s3], [sflag:s2] =	dma.local @!p0 [hbm:s0], s1  }
0x27a: {  	s0 =	simm.s32 @!p0 $0x5  }
0x27b: {  	_ =	swait.ge @!p0 [sflag:s0], s1  }
0x27c: {  	s1 =	ssub.s32 @!p0 $0x0, s1;
	[sflag:s0] =	ssyncset.done @!p0 $0x0  }
0x27d: {  	[sflag:s0] =	ssyncadd.s32 @!p0 s1  }
0x27e: {  	[bflag:$0x3] =	sbarrier.arrive $0xFFFF  }
0x27f: {  	_ =	shalt  }

</sc_bundles>
